<compile_context>
chip_gen: v7x
topology: tpu7x:2x2x1
jax: 0.10.2.dev20260603
libtpu: 0.0.44.dev20260713+nightly
codegen_flags: <defaults>
</compile_context>

<pallas_src>
import functools

import jax
import jax.numpy as jnp
from jax import lax
from jax.experimental import pallas as pl
from jax.experimental.pallas import tpu as pltpu
from jax.experimental.pallas import tpu_sc as plsc

_B, _N, _T = 1024, 24, 12
_V = 50257
_D = 128
_HH = 64
_BN = _B * _N
_NC, _NS = 2, 16
_NW = _NC * _NS
_R = 12288
_HR = _R // 2
_WPB = 16
_GPW = _HR // _WPB
_TSPAN = _GPW * _T
_G = 24
_CT2 = _G * _T
_CT = 2 * _CT2
_NCHUNK = _GPW // _G

_RVO = 4096
_NVB = pl.cdiv(_V // 2 + 1, _RVO)
_VP2 = _NVB * _RVO
_VP = 2 * _VP2


def _project_body(wte_ref, wc_ref, out_ref):
    p = jnp.dot(wte_ref[...], wc_ref[...],
                preferred_element_type=jnp.float32,
                precision=lax.Precision.DEFAULT)
    out_ref[...] = jnp.concatenate([p[0:_RVO, :], p[_RVO:2 * _RVO, :]], axis=1)


def _project(wte, Wc):
    return pl.pallas_call(
        _project_body,
        grid=(_NVB,),
        in_specs=[
            pl.BlockSpec((2 * _RVO, _D), lambda i: (i, 0)),
            pl.BlockSpec((_D, _HH), lambda i: (0, 0)),
        ],
        out_specs=pl.BlockSpec((_RVO, _D), lambda i: (i, 0)),
        out_shape=jax.ShapeDtypeStruct((_VP2, _D), jnp.float32),
    )(wte, Wc)


def _sc_pool(table, tok_flat):
    mesh = plsc.VectorSubcoreMesh(core_axis_name="c", subcore_axis_name="s")

    @functools.partial(
        pl.kernel,
        mesh=mesh,
        compiler_params=pltpu.CompilerParams(use_tc_tiling_on_sc=False),
        out_type=jax.ShapeDtypeStruct((_BN // 2, _D), jnp.float32),
        scratch_types=[
            pltpu.VMEM((2 * _TSPAN,), jnp.int32),
            pltpu.VMEM((_CT, _HH), jnp.float32),
            pltpu.VMEM((_CT, _HH), jnp.float32),
            pltpu.VMEM((_G, _D), jnp.float32),
            pltpu.VMEM((_G, _D), jnp.float32),
            pltpu.SemaphoreType.DMA,
            pltpu.SemaphoreType.DMA,
            pltpu.SemaphoreType.DMA,
            pltpu.SemaphoreType.DMA,
        ],
    )
    def k(tab_hbm, tok_hbm, out_hbm, idx_v, rows0, rows1, pool0, pool1,
          sem0, sem1, osem0, osem1):
        wid = lax.axis_index("s") * _NC + lax.axis_index("c")
        blk = wid // _WPB
        sub = wid - blk * _WPB
        row_base = blk * _HR + sub * _GPW
        ltok = (blk * _R + sub * _GPW) * _T
        rtok = ltok + _HR * _T
        pltpu.sync_copy(tok_hbm.at[pl.ds(ltok, _TSPAN)],
                        idx_v.at[pl.ds(0, _TSPAN)])
        pltpu.sync_copy(tok_hbm.at[pl.ds(rtok, _TSPAN)],
                        idx_v.at[pl.ds(_TSPAN, _TSPAN)])

        @pl.loop(0, 2 * _TSPAN, step=16)
        def _remap(o):
            v = idx_v[pl.ds(o, 16)]
            hi = jnp.bitwise_and(v, -8192)
            lo = jnp.bitwise_and(v, 4095)
            h = jnp.bitwise_and(lax.shift_right_logical(v, 12), 1)
            idx_v[pl.ds(o, 16)] = hi + lo + lo + h

        _H2 = _CT2 // 2

        def _gparts(i):
            return (
                (pl.ds(i * _CT2, _H2), pl.ds(0, _H2)),
                (pl.ds(i * _CT2 + _H2, _H2), pl.ds(_H2, _H2)),
                (pl.ds(_TSPAN + i * _CT2, _H2), pl.ds(_CT2, _H2)),
                (pl.ds(_TSPAN + i * _CT2 + _H2, _H2), pl.ds(_CT2 + _H2, _H2)),
            )

        def gstart(i, buf, sem):
            for src, dst in _gparts(i):
                pltpu.async_copy(tab_hbm.at[idx_v.at[src]], buf.at[dst], sem)

        def gwait(i, buf, sem):
            for src, dst in _gparts(i):
                pltpu.make_async_copy(tab_hbm.at[idx_v.at[src]],
                                      buf.at[dst], sem).wait()

        def reduce(buf, pool):
            @pl.loop(0, _G)
            def _group(g):
                for h in range(2):
                    base = h * _CT2 + g * _T
                    for c in range(0, _HH, 16):
                        vals = [buf[base + t, pl.ds(c, 16)] for t in range(_T)]
                        while len(vals) > 1:
                            nxt = [vals[k2] + vals[k2 + 1]
                                   for k2 in range(0, len(vals) - 1, 2)]
                            if len(vals) % 2:
                                nxt.append(vals[-1])
                            vals = nxt
                        pool[g, pl.ds(h * _HH + c, 16)] = vals[0]

        def ostart(i, pool, sem):
            pltpu.async_copy(pool, out_hbm.at[pl.ds(row_base + i * _G, _G)],
                             sem)

        def owait(i, pool, sem):
            pltpu.make_async_copy(pool,
                                  out_hbm.at[pl.ds(row_base + i * _G, _G)],
                                  sem).wait()

        gstart(0, rows0, sem0)

        @pl.loop(0, _NCHUNK // 2)
        def _pair(j):
            i0 = 2 * j
            i1 = i0 + 1
            gstart(i1, rows1, sem1)
            gwait(i0, rows0, sem0)

            @pl.when(j > 0)
            def _():
                owait(i0 - 2, pool0, osem0)

            reduce(rows0, pool0)
            ostart(i0, pool0, osem0)

            @pl.when(i1 + 1 < _NCHUNK)
            def _():
                gstart(i1 + 1, rows0, sem0)

            gwait(i1, rows1, sem1)

            @pl.when(j > 0)
            def _():
                owait(i1 - 2, pool1, osem1)

            reduce(rows1, pool1)
            ostart(i1, pool1, osem1)

        owait(_NCHUNK - 2, pool0, osem0)
        owait(_NCHUNK - 1, pool1, osem1)

    return k(table, tok_flat)




def _dense_body(pooled_ref, sc_ref, bc_ref, ws_ref, bs_ref, w1_ref, b1_ref,
                w2_ref, b2_ref, woc_ref, wox_ref, wos_ref, bo_ref, out_ref):
    inv = 1.0 / (1e-9 + float(_T))
    pooled = pooled_ref[...]
    for h in range(2):
        rows = slice(h * _HR, (h + 1) * _HR)
        cls = pooled[:, h * _HH:(h + 1) * _HH] * inv + bc_ref[...]
        st = jnp.dot(sc_ref[rows, 0:8], ws_ref[...], preferred_element_type=jnp.float32) + bs_ref[...]
        ch = jnp.maximum(jnp.dot(sc_ref[rows, 8:16], w1_ref[...], preferred_element_type=jnp.float32) + b1_ref[...], 0.0)
        co = jnp.dot(ch, w2_ref[...], preferred_element_type=jnp.float32) + b2_ref[...]
        out = jnp.dot(jnp.maximum(cls, 0.0), woc_ref[...], preferred_element_type=jnp.float32)
        out += jnp.dot(jnp.maximum(co, 0.0), wox_ref[...], preferred_element_type=jnp.float32)
        out += jnp.dot(jnp.maximum(st, 0.0), wos_ref[...], preferred_element_type=jnp.float32)
        out_ref[rows, :] = out + bo_ref[...]


def _dense(pooled2, sc_cat, bc, Ws_p, bs, W1_p, b1, W2, b2,
           Wo_c, Wo_x, Wo_s, bo):
    return pl.pallas_call(
        _dense_body,
        grid=(_BN // _R,),
        in_specs=[
            pl.BlockSpec((_HR, _D), lambda i: (i, 0)),
            pl.BlockSpec((_R, 16), lambda i: (i, 0)),
            pl.BlockSpec((1, _HH), lambda i: (0, 0)),
            pl.BlockSpec((8, _HH), lambda i: (0, 0)),
            pl.BlockSpec((1, _HH), lambda i: (0, 0)),
            pl.BlockSpec((8, _HH), lambda i: (0, 0)),
            pl.BlockSpec((1, _HH), lambda i: (0, 0)),
            pl.BlockSpec((_HH, _HH), lambda i: (0, 0)),
            pl.BlockSpec((1, _HH), lambda i: (0, 0)),
            pl.BlockSpec((_HH, _D), lambda i: (0, 0)),
            pl.BlockSpec((_HH, _D), lambda i: (0, 0)),
            pl.BlockSpec((_HH, _D), lambda i: (0, 0)),
            pl.BlockSpec((1, _D), lambda i: (0, 0)),
        ],
        out_specs=pl.BlockSpec((_R, _D), lambda i: (i, 0)),
        out_shape=jax.ShapeDtypeStruct((_BN, _D), jnp.float32),
    )(pooled2, sc_cat, bc, Ws_p, bs, W1_p, b1, W2, b2, Wo_c, Wo_x, Wo_s, bo)


def kernel(input_obs_node_gpt2_token, input_obs_node_gpt2_token_mask,
           input_obs_node_state_gpt2_token, input_obs_node_state_gpt2_token_mask,
           input_obs_char_obj_rel_gpt2_token, input_obs_char_obj_rel_gpt2_token_mask,
           wte, Wc, bc, Ws, bs, W1, b1, W2, b2, Wo, bo):
    tok_flat = input_obs_node_gpt2_token.astype(jnp.int32).reshape(_BN * _T)
    proj2 = _project(wte, Wc)
    table = proj2.reshape(_VP, _HH)
    pooled2 = _sc_pool(table, tok_flat)

    state_p = jnp.pad(input_obs_node_state_gpt2_token.reshape(_BN, 5), ((0, 0), (0, 3)))
    coord_p = jnp.pad(input_obs_char_obj_rel_gpt2_token.reshape(_BN, 6), ((0, 0), (0, 2)))
    sc_cat = jnp.concatenate([state_p, coord_p], axis=1)
    Ws_p = jnp.pad(Ws, ((0, 3), (0, 0)))
    W1_p = jnp.pad(W1, ((0, 2), (0, 0)))
    out = _dense(pooled2, sc_cat, bc.reshape(1, _HH), Ws_p, bs.reshape(1, _HH),
                 W1_p, b1.reshape(1, _HH), W2, b2.reshape(1, _HH),
                 Wo[0:_HH], Wo[_HH:2 * _HH], Wo[2 * _HH:3 * _HH],
                 bo.reshape(1, _D))
    return out.reshape(_B, _N, _D)

# --- scband reference (transcript-rebuilt; emitter-appended) ---
"""Pipeline reference for scband-obj-name-coord-state-encode-name-token-mix-52510270161636 (READ-ONLY COPY).

The authoritative reference and input builder live on the scoring server;
editing this copy changes nothing except your own understanding.
"""

import jax, jax.numpy as jnp
import numpy as np

B, N, T, V, D, H = 1024, 24, 12, 50257, 128, 128
Hh = H // 2

def setup_inputs(seed: int = 0) -> dict:
    key = jax.random.key(seed)
    ks = jax.random.split(key, 16)
    inp = {}
    inp["input_obs_node_gpt2_token"] = jax.random.randint(ks[0], (B, N, T), 0, V, dtype=jnp.int64) if jax.config.jax_enable_x64 else jax.random.randint(ks[0], (B, N, T), 0, V)
    inp["input_obs_node_gpt2_token_mask"] = jnp.ones((B, N, T), jnp.float32)
    inp["input_obs_node_state_gpt2_token"] = jax.random.uniform(ks[1], (B, N, 5), jnp.float32)
    inp["input_obs_node_state_gpt2_token_mask"] = jnp.ones((B, N, 5), jnp.float32)
    inp["input_obs_char_obj_rel_gpt2_token"] = jax.random.normal(ks[2], (B, N, 6), jnp.float32)
    inp["input_obs_char_obj_rel_gpt2_token_mask"] = jnp.ones((B, N, 6), jnp.float32)
    # parameters
    inp["wte"] = jax.random.normal(ks[3], (V, D), jnp.float32) * 0.02
    inp["Wc"] = jax.random.normal(ks[4], (D, Hh), jnp.float32) * 0.05
    inp["bc"] = jnp.zeros((Hh,), jnp.float32)
    inp["Ws"] = jax.random.normal(ks[5], (5, Hh), jnp.float32) * 0.05
    inp["bs"] = jnp.zeros((Hh,), jnp.float32)
    inp["W1"] = jax.random.normal(ks[6], (6, Hh), jnp.float32) * 0.05
    inp["b1"] = jnp.zeros((Hh,), jnp.float32)
    inp["W2"] = jax.random.normal(ks[7], (Hh, Hh), jnp.float32) * 0.05
    inp["b2"] = jnp.zeros((Hh,), jnp.float32)
    inp["Wo"] = jax.random.normal(ks[8], (3 * Hh, D), jnp.float32) * 0.05
    inp["bo"] = jnp.zeros((D,), jnp.float32)
    return inp

def reference(input_obs_node_gpt2_token, input_obs_node_gpt2_token_mask, input_obs_node_state_gpt2_token, input_obs_node_state_gpt2_token_mask, input_obs_char_obj_rel_gpt2_token, input_obs_char_obj_rel_gpt2_token_mask, wte, Wc, bc, Ws, bs, W1, b1, W2, b2, Wo, bo):
    tok = input_obs_node_gpt2_token.astype(jnp.int32)
    tok_mask = input_obs_node_gpt2_token_mask
    emb = jnp.take(wte, tok, axis=0)  # [B, N, T, D] embedding gather
    feat = (emb * tok_mask[:, :, :, None]).sum(2) / (1e-09 + tok_mask.sum(2)[:, :, None])
    class_embedding = feat @ Wc + bc
    state_embedding = input_obs_node_state_gpt2_token @ Ws + bs
    coord_h = jax.nn.relu(input_obs_char_obj_rel_gpt2_token @ W1 + b1)
    coord_embedding = coord_h @ W2 + b2
    inp = jnp.concatenate([class_embedding, coord_embedding, state_embedding], axis=2)
    out = jax.nn.relu(inp) @ Wo + bo
    return out

if __name__ == "__main__":
    import jax
    _d = setup_inputs()
    print(jax.jit(kernel)(*tuple(_d.values())))

</pallas_src>

<mosaic_0001>
#map = affine_map<(d0, d1) -> (0, 0)>
#map1 = affine_map<(d0, d1) -> (0)>
module attributes {stable_mosaic.version = 14 : i64} {
  func.func @k(%arg0: i32, %arg1: i32, %arg2: memref<57344x64xf32, #tpu.memory_space<hbm>>, %arg3: memref<294912xi32, #tpu.memory_space<hbm>>, %arg4: memref<12288x128xf32, #tpu.memory_space<hbm>>, %arg5: memref<9216xi32, #tpu.memory_space<vmem>>, %arg6: memref<576x64xf32, #tpu.memory_space<vmem>>, %arg7: memref<576x64xf32, #tpu.memory_space<vmem>>, %arg8: memref<24x128xf32, #tpu.memory_space<vmem>>, %arg9: memref<24x128xf32, #tpu.memory_space<vmem>>, %arg10: memref<!tpu.dma_semaphore, #tpu.memory_space<semaphore_mem>>, %arg11: memref<!tpu.dma_semaphore, #tpu.memory_space<semaphore_mem>>, %arg12: memref<!tpu.dma_semaphore, #tpu.memory_space<semaphore_mem>>, %arg13: memref<!tpu.dma_semaphore, #tpu.memory_space<semaphore_mem>>) attributes {dimension_semantics = [#tpu.dimension_semantics<core_parallel>, #tpu.dimension_semantics<subcore_parallel>], iteration_bounds = array<i64: 2, 16>, scalar_prefetch = 0 : i64, scratch_operands = 9 : i64, tpu.core_type = #tpu.core_type<sc_vector_subcore>, window_params = [{transform_indices = #map}, {transform_indices = #map1}, {transform_indices = #map}]} {
    %mul3A = arith.constant 2 : i32
    %mul3A_0 = arith.muli %arg1, %mul3A : i32
    %add3A = arith.addi %mul3A_0, %arg0 : i32
    %jit3A = arith.constant 16 : i32
    %div3A = arith.divsi %add3A, %jit3A : i32
    %sign3A = arith.constant 0 : i32
    %sign3A_1 = arith.cmpi sgt, %add3A, %sign3A : i32
    %sign3A_2 = arith.extui %sign3A_1 : i1 to i32
    %sign3A_3 = arith.constant 0 : i32
    %sign3A_4 = arith.cmpi slt, %add3A, %sign3A_3 : i32
    %sign3A_5 = arith.extui %sign3A_4 : i1 to i32
    %sign3A_6 = arith.subi %sign3A_2, %sign3A_5 : i32
    %sign3A_7 = arith.constant 0 : i32
    %sign3A_8 = arith.cmpi sgt, %jit3A, %sign3A_7 : i32
    %sign3A_9 = arith.extui %sign3A_8 : i1 to i32
    %sign3A_10 = arith.constant 0 : i32
    %sign3A_11 = arith.cmpi slt, %jit3A, %sign3A_10 : i32
    %sign3A_12 = arith.extui %sign3A_11 : i1 to i32
    %sign3A_13 = arith.subi %sign3A_9, %sign3A_12 : i32
    %ne3A = arith.cmpi ne, %sign3A_6, %sign3A_13 : i32
    %rem3A = arith.remsi %add3A, %jit3A : i32
    %ne3A_14 = arith.constant 0 : i32
    %ne3A_15 = arith.cmpi ne, %rem3A, %ne3A_14 : i32
    %and3A = arith.andi %ne3A, %ne3A_15 : i1
    %sub3A = arith.constant 1 : i32
    %sub3A_16 = arith.subi %div3A, %sub3A : i32
    %select_n3A = arith.select %and3A, %sub3A_16, %div3A : i32
    %mul3A_17 = arith.constant 16 : i32
    %mul3A_18 = arith.muli %select_n3A, %mul3A_17 : i32
    %sub3A_19 = arith.subi %add3A, %mul3A_18 : i32
    %mul3A_20 = arith.constant 6144 : i32
    %mul3A_21 = arith.muli %select_n3A, %mul3A_20 : i32
    %mul3A_22 = arith.constant 384 : i32
    %mul3A_23 = arith.muli %sub3A_19, %mul3A_22 : i32
    %add3A_24 = arith.addi %mul3A_21, %mul3A_23 : i32
    %mul3A_25 = arith.constant 12288 : i32
    %mul3A_26 = arith.muli %select_n3A, %mul3A_25 : i32
    %mul3A_27 = arith.constant 384 : i32
    %mul3A_28 = arith.muli %sub3A_19, %mul3A_27 : i32
    %add3A_29 = arith.addi %mul3A_26, %mul3A_28 : i32
    %mul3A_30 = arith.constant 12 : i32
    %mul3A_31 = arith.muli %add3A_29, %mul3A_30 : i32
    %add3A_32 = arith.constant 73728 : i32
    %add3A_33 = arith.addi %mul3A_31, %add3A_32 : i32
    "tpu.region"() ({
      %run_scoped3A = tpu.sem_alloc : memref<!tpu.dma_semaphore, #tpu.memory_space<semaphore_mem>>
      %dma_start3A_85 = arith.constant 0 : i32
      %dma_start3A_86 = tpu.memref_slice %arg5[%dma_start3A_85] : memref<9216xi32, #tpu.memory_space<vmem>> -> memref<4608xi32, #tpu.memory_space<vmem>>
      %dma_start3A_87 = tpu.memref_slice %arg3[%mul3A_31] : memref<294912xi32, #tpu.memory_space<hbm>> -> memref<4608xi32, #tpu.memory_space<hbm>>
      %dma_start3A_88 = arith.constant 0 : i32
      %dma_start3A_89 = tpu.memref_slice %arg5[%dma_start3A_88] : memref<9216xi32, #tpu.memory_space<vmem>> -> memref<4608xi32, #tpu.memory_space<vmem>>
      %dma_start3A_90 = tpu.memref_slice %arg3[%mul3A_31] : memref<294912xi32, #tpu.memory_space<hbm>> -> memref<4608xi32, #tpu.memory_space<hbm>>
      tpu.enqueue_dma source(%dma_start3A_90 : memref<4608xi32, #tpu.memory_space<hbm>>) target(%dma_start3A_89 : memref<4608xi32, #tpu.memory_space<vmem>>) target_semaphore(%run_scoped3A : memref<!tpu.dma_semaphore, #tpu.memory_space<semaphore_mem>>)
      %dma_wait3A_91 = arith.constant 0 : i32
      %dma_wait3A_92 = tpu.memref_slice %arg5[%dma_wait3A_91] : memref<9216xi32, #tpu.memory_space<vmem>> -> memref<4608xi32, #tpu.memory_space<vmem>>
      %dma_wait3A_93 = tpu.memref_slice %arg3[%mul3A_31] : memref<294912xi32, #tpu.memory_space<hbm>> -> memref<4608xi32, #tpu.memory_space<hbm>>
      %dma_wait3A_94 = arith.constant 0 : i32
      %dma_wait3A_95 = tpu.memref_slice %arg5[%dma_wait3A_94] : memref<9216xi32, #tpu.memory_space<vmem>> -> memref<4608xi32, #tpu.memory_space<vmem>>
      %dma_wait3A_96 = tpu.memref_slice %arg3[%mul3A_31] : memref<294912xi32, #tpu.memory_space<hbm>> -> memref<4608xi32, #tpu.memory_space<hbm>>
      tpu.wait_dma2 semaphore(%run_scoped3A : memref<!tpu.dma_semaphore, #tpu.memory_space<semaphore_mem>>) src(%dma_wait3A_96 : memref<4608xi32, #tpu.memory_space<hbm>>) dst(%dma_wait3A_95 : memref<4608xi32, #tpu.memory_space<vmem>>)
      tpu.yield
    }) : () -> ()
    "tpu.region"() ({
      %run_scoped3A = tpu.sem_alloc : memref<!tpu.dma_semaphore, #tpu.memory_space<semaphore_mem>>
      %dma_start3A_85 = arith.constant 4608 : i32
      %dma_start3A_86 = tpu.memref_slice %arg5[%dma_start3A_85] : memref<9216xi32, #tpu.memory_space<vmem>> -> memref<4608xi32, #tpu.memory_space<vmem>>
      %dma_start3A_87 = tpu.memref_slice %arg3[%add3A_33] : memref<294912xi32, #tpu.memory_space<hbm>> -> memref<4608xi32, #tpu.memory_space<hbm>>
      %dma_start3A_88 = arith.constant 4608 : i32
      %dma_start3A_89 = tpu.memref_slice %arg5[%dma_start3A_88] : memref<9216xi32, #tpu.memory_space<vmem>> -> memref<4608xi32, #tpu.memory_space<vmem>>
      %dma_start3A_90 = tpu.memref_slice %arg3[%add3A_33] : memref<294912xi32, #tpu.memory_space<hbm>> -> memref<4608xi32, #tpu.memory_space<hbm>>
      tpu.enqueue_dma source(%dma_start3A_90 : memref<4608xi32, #tpu.memory_space<hbm>>) target(%dma_start3A_89 : memref<4608xi32, #tpu.memory_space<vmem>>) target_semaphore(%run_scoped3A : memref<!tpu.dma_semaphore, #tpu.memory_space<semaphore_mem>>)
      %dma_wait3A_91 = arith.constant 4608 : i32
      %dma_wait3A_92 = tpu.memref_slice %arg5[%dma_wait3A_91] : memref<9216xi32, #tpu.memory_space<vmem>> -> memref<4608xi32, #tpu.memory_space<vmem>>
      %dma_wait3A_93 = tpu.memref_slice %arg3[%add3A_33] : memref<294912xi32, #tpu.memory_space<hbm>> -> memref<4608xi32, #tpu.memory_space<hbm>>
      %dma_wait3A_94 = arith.constant 4608 : i32
      %dma_wait3A_95 = tpu.memref_slice %arg5[%dma_wait3A_94] : memref<9216xi32, #tpu.memory_space<vmem>> -> memref<4608xi32, #tpu.memory_space<vmem>>
      %dma_wait3A_96 = tpu.memref_slice %arg3[%add3A_33] : memref<294912xi32, #tpu.memory_space<hbm>> -> memref<4608xi32, #tpu.memory_space<hbm>>
      tpu.wait_dma2 semaphore(%run_scoped3A : memref<!tpu.dma_semaphore, #tpu.memory_space<semaphore_mem>>) src(%dma_wait3A_96 : memref<4608xi32, #tpu.memory_space<hbm>>) dst(%dma_wait3A_95 : memref<4608xi32, #tpu.memory_space<vmem>>)
      tpu.yield
    }) : () -> ()
    %scan3A = arith.constant 0 : i32
    %scan3A_34 = arith.constant 576 : i32
    %scan3A_35 = arith.addi %scan3A, %scan3A_34 : i32
    %scan3A_36 = arith.constant 1 : i32
    scf.for %scan3A_85 = %scan3A to %scan3A_35 step %scan3A_36  : i32 {
      %mul3A_86 = arith.constant 16 : i32
      %mul3A_87 = arith.muli %scan3A_85, %mul3A_86 : i32
      %add3A_88 = arith.constant 0 : i32
      %add3A_89 = arith.addi %add3A_88, %mul3A_87 : i32
      %get3A = arith.index_cast %add3A_89 : i32 to index
      %get3A_90 = tpu.vector_load %arg5[%get3A] {strides = array<i32>} : memref<9216xi32, #tpu.memory_space<vmem>>, vector<16xi32>,
      %get3A_91 = vector.shape_cast %get3A_90 : vector<16xi32> to vector<16xi32>
      %and3A_92 = arith.constant -8192 : i32
      %and3A_93 = vector.broadcast %and3A_92 : i32 to vector<16xi32>
      %and3A_94 = arith.andi %get3A_91, %and3A_93 : vector<16xi32>
      %and3A_95 = arith.constant 4095 : i32
      %and3A_96 = vector.broadcast %and3A_95 : i32 to vector<16xi32>
      %and3A_97 = arith.andi %get3A_91, %and3A_96 : vector<16xi32>
      %shift_right_logical3A = arith.constant 12 : i32
      %shift_right_logical3A_98 = vector.broadcast %shift_right_logical3A : i32 to vector<16xi32>
      %shift_right_logical3A_99 = arith.shrui %get3A_91, %shift_right_logical3A_98 : vector<16xi32>
      %and3A_100 = arith.constant 1 : i32
      %and3A_101 = vector.broadcast %and3A_100 : i32 to vector<16xi32>
      %and3A_102 = arith.andi %shift_right_logical3A_99, %and3A_101 : vector<16xi32>
      %add3A_103 = arith.addi %and3A_94, %and3A_97 : vector<16xi32>
      %add3A_104 = arith.addi %add3A_103, %and3A_97 : vector<16xi32>
      %add3A_105 = arith.addi %add3A_104, %and3A_102 : vector<16xi32>
      %swap3A = arith.index_cast %add3A_89 : i32 to index
      %swap3A_106 = tpu.vector_load %arg5[%swap3A] {strides = array<i32>} : memref<9216xi32, #tpu.memory_space<vmem>>, vector<16xi32>,
      %swap3A_107 = vector.shape_cast %swap3A_106 : vector<16xi32> to vector<16xi32>
      %swap3A_108 = vector.shape_cast %add3A_105 : vector<16xi32> to vector<16xi32>
      tpu.vector_store %arg5[%swap3A], %swap3A_108 {strides = array<i32>} : memref<9216xi32, #tpu.memory_space<vmem>>, vector<16xi32>,
    }
    %scan3A_37 = arith.constant 576 : i32
    %dma_start3A = arith.constant 0 : i32
    %dma_start3A_38 = arith.constant 0 : i32
    %dma_start3A_39 = tpu.memref_slice %arg6[%dma_start3A, %dma_start3A_38] : memref<576x64xf32, #tpu.memory_space<vmem>> -> memref<144x64xf32, #tpu.memory_space<vmem>>
    %dma_start3A_40 = arith.constant 0 : i32
    %dma_start3A_41 = tpu.memref_slice %arg5[%dma_start3A_40] : memref<9216xi32, #tpu.memory_space<vmem>> -> memref<144xi32, #tpu.memory_space<vmem>>
    %dma_start3A_42 = arith.constant 0 : i32
    %dma_start3A_43 = arith.constant 0 : i32
    %dma_start3A_44 = tpu.memref_slice %arg2[%dma_start3A_42, %dma_start3A_43] : memref<57344x64xf32, #tpu.memory_space<hbm>> -> memref<57344x64xf32, #tpu.memory_space<hbm>>
    tpu.enqueue_indirect_dma source(%dma_start3A_44 : memref<57344x64xf32, #tpu.memory_space<hbm>>) target(%dma_start3A_39 : memref<144x64xf32, #tpu.memory_space<vmem>>) offsets(%dma_start3A_41 : memref<144xi32, #tpu.memory_space<vmem>>) semaphore(%arg10 : memref<!tpu.dma_semaphore, #tpu.memory_space<semaphore_mem>>)
    %dma_start3A_45 = arith.constant 144 : i32
    %dma_start3A_46 = arith.constant 0 : i32
    %dma_start3A_47 = tpu.memref_slice %arg6[%dma_start3A_45, %dma_start3A_46] : memref<576x64xf32, #tpu.memory_space<vmem>> -> memref<144x64xf32, #tpu.memory_space<vmem>>
    %dma_start3A_48 = arith.constant 144 : i32
    %dma_start3A_49 = tpu.memref_slice %arg5[%dma_start3A_48] : memref<9216xi32, #tpu.memory_space<vmem>> -> memref<144xi32, #tpu.memory_space<vmem>>
    %dma_start3A_50 = arith.constant 0 : i32
    %dma_start3A_51 = arith.constant 0 : i32
    %dma_start3A_52 = tpu.memref_slice %arg2[%dma_start3A_50, %dma_start3A_51] : memref<57344x64xf32, #tpu.memory_space<hbm>> -> memref<57344x64xf32, #tpu.memory_space<hbm>>
    tpu.enqueue_indirect_dma source(%dma_start3A_52 : memref<57344x64xf32, #tpu.memory_space<hbm>>) target(%dma_start3A_47 : memref<144x64xf32, #tpu.memory_space<vmem>>) offsets(%dma_start3A_49 : memref<144xi32, #tpu.memory_space<vmem>>) semaphore(%arg10 : memref<!tpu.dma_semaphore, #tpu.memory_space<semaphore_mem>>)
    %dma_start3A_53 = arith.constant 288 : i32
    %dma_start3A_54 = arith.constant 0 : i32
    %dma_start3A_55 = tpu.memref_slice %arg6[%dma_start3A_53, %dma_start3A_54] : memref<576x64xf32, #tpu.memory_space<vmem>> -> memref<144x64xf32, #tpu.memory_space<vmem>>
    %dma_start3A_56 = arith.constant 4608 : i32
    %dma_start3A_57 = tpu.memref_slice %arg5[%dma_start3A_56] : memref<9216xi32, #tpu.memory_space<vmem>> -> memref<144xi32, #tpu.memory_space<vmem>>
    %dma_start3A_58 = arith.constant 0 : i32
    %dma_start3A_59 = arith.constant 0 : i32
    %dma_start3A_60 = tpu.memref_slice %arg2[%dma_start3A_58, %dma_start3A_59] : memref<57344x64xf32, #tpu.memory_space<hbm>> -> memref<57344x64xf32, #tpu.memory_space<hbm>>
    tpu.enqueue_indirect_dma source(%dma_start3A_60 : memref<57344x64xf32, #tpu.memory_space<hbm>>) target(%dma_start3A_55 : memref<144x64xf32, #tpu.memory_space<vmem>>) offsets(%dma_start3A_57 : memref<144xi32, #tpu.memory_space<vmem>>) semaphore(%arg10 : memref<!tpu.dma_semaphore, #tpu.memory_space<semaphore_mem>>)
    %dma_start3A_61 = arith.constant 432 : i32
    %dma_start3A_62 = arith.constant 0 : i32
    %dma_start3A_63 = tpu.memref_slice %arg6[%dma_start3A_61, %dma_start3A_62] : memref<576x64xf32, #tpu.memory_space<vmem>> -> memref<144x64xf32, #tpu.memory_space<vmem>>
    %dma_start3A_64 = arith.constant 4752 : i32
    %dma_start3A_65 = tpu.memref_slice %arg5[%dma_start3A_64] : memref<9216xi32, #tpu.memory_space<vmem>> -> memref<144xi32, #tpu.memory_space<vmem>>
    %dma_start3A_66 = arith.constant 0 : i32
    %dma_start3A_67 = arith.constant 0 : i32
    %dma_start3A_68 = tpu.memref_slice %arg2[%dma_start3A_66, %dma_start3A_67] : memref<57344x64xf32, #tpu.memory_space<hbm>> -> memref<57344x64xf32, #tpu.memory_space<hbm>>
    tpu.enqueue_indirect_dma source(%dma_start3A_68 : memref<57344x64xf32, #tpu.memory_space<hbm>>) target(%dma_start3A_63 : memref<144x64xf32, #tpu.memory_space<vmem>>) offsets(%dma_start3A_65 : memref<144xi32, #tpu.memory_space<vmem>>) semaphore(%arg10 : memref<!tpu.dma_semaphore, #tpu.memory_space<semaphore_mem>>)
    %scan3A_69 = arith.constant 0 : i32
    %scan3A_70 = arith.constant 8 : i32
    %scan3A_71 = arith.addi %scan3A_69, %scan3A_70 : i32
    %scan3A_72 = arith.constant 1 : i32
    scf.for %scan3A_85 = %scan3A_69 to %scan3A_71 step %scan3A_72  : i32 {
      %mul3A_86 = arith.constant 1 : i32
      %mul3A_87 = arith.muli %scan3A_85, %mul3A_86 : i32
      %add3A_88 = arith.constant 0 : i32
      %add3A_89 = arith.addi %add3A_88, %mul3A_87 : i32
      %mul3A_90 = arith.constant 2 : i32
      %mul3A_91 = arith.muli %mul3A_90, %add3A_89 : i32
      %add3A_92 = arith.constant 1 : i32
      %add3A_93 = arith.addi %mul3A_91, %add3A_92 : i32
      %mul3A_94 = arith.constant 288 : i32
      %mul3A_95 = arith.muli %add3A_93, %mul3A_94 : i32
      %mul3A_96 = arith.constant 288 : i32
      %mul3A_97 = arith.muli %add3A_93, %mul3A_96 : i32
      %add3A_98 = arith.constant 144 : i32
      %add3A_99 = arith.addi %mul3A_97, %add3A_98 : i32
      %mul3A_100 = arith.constant 288 : i32
      %mul3A_101 = arith.muli %add3A_93, %mul3A_100 : i32
      %add3A_102 = arith.constant 4608 : i32
      %add3A_103 = arith.addi %add3A_102, %mul3A_101 : i32
      %mul3A_104 = arith.constant 288 : i32
      %mul3A_105 = arith.muli %add3A_93, %mul3A_104 : i32
      %add3A_106 = arith.constant 4608 : i32
      %add3A_107 = arith.addi %add3A_106, %mul3A_105 : i32
      %add3A_108 = arith.constant 144 : i32
      %add3A_109 = arith.addi %add3A_107, %add3A_108 : i32
      %dma_start3A_110 = arith.constant 0 : i32
      %dma_start3A_111 = arith.constant 0 : i32
      %dma_start3A_112 = tpu.memref_slice %arg7[%dma_start3A_110, %dma_start3A_111] : memref<576x64xf32, #tpu.memory_space<vmem>> -> memref<144x64xf32, #tpu.memory_space<vmem>>
      %dma_start3A_113 = tpu.memref_slice %arg5[%mul3A_95] : memref<9216xi32, #tpu.memory_space<vmem>> -> memref<144xi32, #tpu.memory_space<vmem>>
      %dma_start3A_114 = arith.constant 0 : i32
      %dma_start3A_115 = arith.constant 0 : i32
      %dma_start3A_116 = tpu.memref_slice %arg2[%dma_start3A_114, %dma_start3A_115] : memref<57344x64xf32, #tpu.memory_space<hbm>> -> memref<57344x64xf32, #tpu.memory_space<hbm>>
      tpu.enqueue_indirect_dma source(%dma_start3A_116 : memref<57344x64xf32, #tpu.memory_space<hbm>>) target(%dma_start3A_112 : memref<144x64xf32, #tpu.memory_space<vmem>>) offsets(%dma_start3A_113 : memref<144xi32, #tpu.memory_space<vmem>>) semaphore(%arg11 : memref<!tpu.dma_semaphore, #tpu.memory_space<semaphore_mem>>)
      %dma_start3A_117 = arith.constant 144 : i32
      %dma_start3A_118 = arith.constant 0 : i32
      %dma_start3A_119 = tpu.memref_slice %arg7[%dma_start3A_117, %dma_start3A_118] : memref<576x64xf32, #tpu.memory_space<vmem>> -> memref<144x64xf32, #tpu.memory_space<vmem>>
      %dma_start3A_120 = tpu.memref_slice %arg5[%add3A_99] : memref<9216xi32, #tpu.memory_space<vmem>> -> memref<144xi32, #tpu.memory_space<vmem>>
      %dma_start3A_121 = arith.constant 0 : i32
      %dma_start3A_122 = arith.constant 0 : i32
      %dma_start3A_123 = tpu.memref_slice %arg2[%dma_start3A_121, %dma_start3A_122] : memref<57344x64xf32, #tpu.memory_space<hbm>> -> memref<57344x64xf32, #tpu.memory_space<hbm>>
      tpu.enqueue_indirect_dma source(%dma_start3A_123 : memref<57344x64xf32, #tpu.memory_space<hbm>>) target(%dma_start3A_119 : memref<144x64xf32, #tpu.memory_space<vmem>>) offsets(%dma_start3A_120 : memref<144xi32, #tpu.memory_space<vmem>>) semaphore(%arg11 : memref<!tpu.dma_semaphore, #tpu.memory_space<semaphore_mem>>)
      %dma_start3A_124 = arith.constant 288 : i32
      %dma_start3A_125 = arith.constant 0 : i32
      %dma_start3A_126 = tpu.memref_slice %arg7[%dma_start3A_124, %dma_start3A_125] : memref<576x64xf32, #tpu.memory_space<vmem>> -> memref<144x64xf32, #tpu.memory_space<vmem>>
      %dma_start3A_127 = tpu.memref_slice %arg5[%add3A_103] : memref<9216xi32, #tpu.memory_space<vmem>> -> memref<144xi32, #tpu.memory_space<vmem>>
      %dma_start3A_128 = arith.constant 0 : i32
      %dma_start3A_129 = arith.constant 0 : i32
      %dma_start3A_130 = tpu.memref_slice %arg2[%dma_start3A_128, %dma_start3A_129] : memref<57344x64xf32, #tpu.memory_space<hbm>> -> memref<57344x64xf32, #tpu.memory_space<hbm>>
      tpu.enqueue_indirect_dma source(%dma_start3A_130 : memref<57344x64xf32, #tpu.memory_space<hbm>>) target(%dma_start3A_126 : memref<144x64xf32, #tpu.memory_space<vmem>>) offsets(%dma_start3A_127 : memref<144xi32, #tpu.memory_space<vmem>>) semaphore(%arg11 : memref<!tpu.dma_semaphore, #tpu.memory_space<semaphore_mem>>)
      %dma_start3A_131 = arith.constant 432 : i32
      %dma_start3A_132 = arith.constant 0 : i32
      %dma_start3A_133 = tpu.memref_slice %arg7[%dma_start3A_131, %dma_start3A_132] : memref<576x64xf32, #tpu.memory_space<vmem>> -> memref<144x64xf32, #tpu.memory_space<vmem>>
      %dma_start3A_134 = tpu.memref_slice %arg5[%add3A_109] : memref<9216xi32, #tpu.memory_space<vmem>> -> memref<144xi32, #tpu.memory_space<vmem>>
      %dma_start3A_135 = arith.constant 0 : i32
      %dma_start3A_136 = arith.constant 0 : i32
      %dma_start3A_137 = tpu.memref_slice %arg2[%dma_start3A_135, %dma_start3A_136] : memref<57344x64xf32, #tpu.memory_space<hbm>> -> memref<57344x64xf32, #tpu.memory_space<hbm>>
      tpu.enqueue_indirect_dma source(%dma_start3A_137 : memref<57344x64xf32, #tpu.memory_space<hbm>>) target(%dma_start3A_133 : memref<144x64xf32, #tpu.memory_space<vmem>>) offsets(%dma_start3A_134 : memref<144xi32, #tpu.memory_space<vmem>>) semaphore(%arg11 : memref<!tpu.dma_semaphore, #tpu.memory_space<semaphore_mem>>)
      %mul3A_138 = arith.constant 288 : i32
      %mul3A_139 = arith.muli %mul3A_91, %mul3A_138 : i32
      %mul3A_140 = arith.constant 288 : i32
      %mul3A_141 = arith.muli %mul3A_91, %mul3A_140 : i32
      %add3A_142 = arith.constant 144 : i32
      %add3A_143 = arith.addi %mul3A_141, %add3A_142 : i32
      %mul3A_144 = arith.constant 288 : i32
      %mul3A_145 = arith.muli %mul3A_91, %mul3A_144 : i32
      %add3A_146 = arith.constant 4608 : i32
      %add3A_147 = arith.addi %add3A_146, %mul3A_145 : i32
      %mul3A_148 = arith.constant 288 : i32
      %mul3A_149 = arith.muli %mul3A_91, %mul3A_148 : i32
      %add3A_150 = arith.constant 4608 : i32
      %add3A_151 = arith.addi %add3A_150, %mul3A_149 : i32
      %add3A_152 = arith.constant 144 : i32
      %add3A_153 = arith.addi %add3A_151, %add3A_152 : i32
      %dma_wait3A_154 = arith.constant 0 : i32
      %dma_wait3A_155 = arith.constant 0 : i32
      %dma_wait3A_156 = tpu.memref_slice %arg6[%dma_wait3A_154, %dma_wait3A_155] : memref<576x64xf32, #tpu.memory_space<vmem>> -> memref<144x64xf32, #tpu.memory_space<vmem>>
      %dma_wait3A_157 = tpu.memref_slice %arg5[%mul3A_139] : memref<9216xi32, #tpu.memory_space<vmem>> -> memref<144xi32, #tpu.memory_space<vmem>>
      %dma_wait3A_158 = arith.constant 0 : i32
      %dma_wait3A_159 = arith.constant 0 : i32
      %dma_wait3A_160 = tpu.memref_slice %arg2[%dma_wait3A_158, %dma_wait3A_159] : memref<57344x64xf32, #tpu.memory_space<hbm>> -> memref<57344x64xf32, #tpu.memory_space<hbm>>
      tpu.wait_indirect_dma semaphore(%arg10 : memref<!tpu.dma_semaphore, #tpu.memory_space<semaphore_mem>>) src(%dma_wait3A_160 : memref<57344x64xf32, #tpu.memory_space<hbm>>) dst(%dma_wait3A_156 : memref<144x64xf32, #tpu.memory_space<vmem>>)
      %dma_wait3A_161 = arith.constant 144 : i32
      %dma_wait3A_162 = arith.constant 0 : i32
      %dma_wait3A_163 = tpu.memref_slice %arg6[%dma_wait3A_161, %dma_wait3A_162] : memref<576x64xf32, #tpu.memory_space<vmem>> -> memref<144x64xf32, #tpu.memory_space<vmem>>
      %dma_wait3A_164 = tpu.memref_slice %arg5[%add3A_143] : memref<9216xi32, #tpu.memory_space<vmem>> -> memref<144xi32, #tpu.memory_space<vmem>>
      %dma_wait3A_165 = arith.constant 0 : i32
      %dma_wait3A_166 = arith.constant 0 : i32
      %dma_wait3A_167 = tpu.memref_slice %arg2[%dma_wait3A_165, %dma_wait3A_166] : memref<57344x64xf32, #tpu.memory_space<hbm>> -> memref<57344x64xf32, #tpu.memory_space<hbm>>
      tpu.wait_indirect_dma semaphore(%arg10 : memref<!tpu.dma_semaphore, #tpu.memory_space<semaphore_mem>>) src(%dma_wait3A_167 : memref<57344x64xf32, #tpu.memory_space<hbm>>) dst(%dma_wait3A_163 : memref<144x64xf32, #tpu.memory_space<vmem>>)
      %dma_wait3A_168 = arith.constant 288 : i32
      %dma_wait3A_169 = arith.constant 0 : i32
      %dma_wait3A_170 = tpu.memref_slice %arg6[%dma_wait3A_168, %dma_wait3A_169] : memref<576x64xf32, #tpu.memory_space<vmem>> -> memref<144x64xf32, #tpu.memory_space<vmem>>
      %dma_wait3A_171 = tpu.memref_slice %arg5[%add3A_147] : memref<9216xi32, #tpu.memory_space<vmem>> -> memref<144xi32, #tpu.memory_space<vmem>>
      %dma_wait3A_172 = arith.constant 0 : i32
      %dma_wait3A_173 = arith.constant 0 : i32
      %dma_wait3A_174 = tpu.memref_slice %arg2[%dma_wait3A_172, %dma_wait3A_173] : memref<57344x64xf32, #tpu.memory_space<hbm>> -> memref<57344x64xf32, #tpu.memory_space<hbm>>
      tpu.wait_indirect_dma semaphore(%arg10 : memref<!tpu.dma_semaphore, #tpu.memory_space<semaphore_mem>>) src(%dma_wait3A_174 : memref<57344x64xf32, #tpu.memory_space<hbm>>) dst(%dma_wait3A_170 : memref<144x64xf32, #tpu.memory_space<vmem>>)
      %dma_wait3A_175 = arith.constant 432 : i32
      %dma_wait3A_176 = arith.constant 0 : i32
      %dma_wait3A_177 = tpu.memref_slice %arg6[%dma_wait3A_175, %dma_wait3A_176] : memref<576x64xf32, #tpu.memory_space<vmem>> -> memref<144x64xf32, #tpu.memory_space<vmem>>
      %dma_wait3A_178 = tpu.memref_slice %arg5[%add3A_153] : memref<9216xi32, #tpu.memory_space<vmem>> -> memref<144xi32, #tpu.memory_space<vmem>>
      %dma_wait3A_179 = arith.constant 0 : i32
      %dma_wait3A_180 = arith.constant 0 : i32
      %dma_wait3A_181 = tpu.memref_slice %arg2[%dma_wait3A_179, %dma_wait3A_180] : memref<57344x64xf32, #tpu.memory_space<hbm>> -> memref<57344x64xf32, #tpu.memory_space<hbm>>
      tpu.wait_indirect_dma semaphore(%arg10 : memref<!tpu.dma_semaphore, #tpu.memory_space<semaphore_mem>>) src(%dma_wait3A_181 : memref<57344x64xf32, #tpu.memory_space<hbm>>) dst(%dma_wait3A_177 : memref<144x64xf32, #tpu.memory_space<vmem>>)
      %gt3A = arith.constant 0 : i32
      %gt3A_182 = arith.cmpi sgt, %add3A_89, %gt3A : i32
      %convert_element_type3A = arith.extui %gt3A_182 : i1 to i32
      %cond3A = arith.constant 0 : i32
      %cond3A_183 = arith.cmpi ne, %convert_element_type3A, %cond3A : i32
      scf.if %cond3A_183 {
        %sub3A_263 = arith.constant 2 : i32
        %sub3A_264 = arith.subi %mul3A_91, %sub3A_263 : i32
        %mul3A_265 = arith.constant 24 : i32
        %mul3A_266 = arith.muli %sub3A_264, %mul3A_265 : i32
        %add3A_267 = arith.addi %add3A_24, %mul3A_266 : i32
        %dma_wait3A_268 = arith.constant 0 : i32
        %dma_wait3A_269 = tpu.memref_slice %arg4[%add3A_267, %dma_wait3A_268] : memref<12288x128xf32, #tpu.memory_space<hbm>> -> memref<24x128xf32, #tpu.memory_space<hbm>>
        %dma_wait3A_270 = arith.constant 0 : i32
        %dma_wait3A_271 = tpu.memref_slice %arg4[%add3A_267, %dma_wait3A_270] : memref<12288x128xf32, #tpu.memory_space<hbm>> -> memref<24x128xf32, #tpu.memory_space<hbm>>
        tpu.wait_dma2 semaphore(%arg12 : memref<!tpu.dma_semaphore, #tpu.memory_space<semaphore_mem>>) src(%arg8 : memref<24x128xf32, #tpu.memory_space<vmem>>) dst(%dma_wait3A_271 : memref<24x128xf32, #tpu.memory_space<hbm>>)
      } else {
      }
      %scan3A_184 = arith.constant 0 : i32
      %scan3A_185 = arith.constant 24 : i32
      %scan3A_186 = arith.addi %scan3A_184, %scan3A_185 : i32
      %scan3A_187 = arith.constant 1 : i32
      scf.for %scan3A_263 = %scan3A_184 to %scan3A_186 step %scan3A_187  : i32 {
        %mul3A_264 = arith.constant 1 : i32
        %mul3A_265 = arith.muli %scan3A_263, %mul3A_264 : i32
        %add3A_266 = arith.constant 0 : i32
        %add3A_267 = arith.addi %add3A_266, %mul3A_265 : i32
        %mul3A_268 = arith.constant 12 : i32
        %mul3A_269 = arith.muli %add3A_267, %mul3A_268 : i32
        %add3A_270 = arith.constant 0 : i32
        %add3A_271 = arith.addi %add3A_270, %mul3A_269 : i32
        %add3A_272 = arith.constant 0 : i32
        %add3A_273 = arith.addi %add3A_271, %add3A_272 : i32
        %get3A = arith.index_cast %add3A_273 : i32 to index
        %get3A_274 = arith.constant 0 : index
        %get3A_275 = tpu.vector_load %arg6[%get3A, %get3A_274] {strides = array<i32>} : memref<576x64xf32, #tpu.memory_space<vmem>>, vector<1x16xf32>,
        %get3A_276 = vector.shape_cast %get3A_275 : vector<1x16xf32> to vector<16xf32>
        %add3A_277 = arith.constant 1 : i32
        %add3A_278 = arith.addi %add3A_271, %add3A_277 : i32
        %get3A_279 = arith.index_cast %add3A_278 : i32 to index
        %get3A_280 = arith.constant 0 : index
        %get3A_281 = tpu.vector_load %arg6[%get3A_279, %get3A_280] {strides = array<i32>} : memref<576x64xf32, #tpu.memory_space<vmem>>, vector<1x16xf32>,
        %get3A_282 = vector.shape_cast %get3A_281 : vector<1x16xf32> to vector<16xf32>
        %add3A_283 = arith.constant 2 : i32
        %add3A_284 = arith.addi %add3A_271, %add3A_283 : i32
        %get3A_285 = arith.index_cast %add3A_284 : i32 to index
        %get3A_286 = arith.constant 0 : index
        %get3A_287 = tpu.vector_load %arg6[%get3A_285, %get3A_286] {strides = array<i32>} : memref<576x64xf32, #tpu.memory_space<vmem>>, vector<1x16xf32>,
        %get3A_288 = vector.shape_cast %get3A_287 : vector<1x16xf32> to vector<16xf32>
        %add3A_289 = arith.constant 3 : i32
        %add3A_290 = arith.addi %add3A_271, %add3A_289 : i32
        %get3A_291 = arith.index_cast %add3A_290 : i32 to index
        %get3A_292 = arith.constant 0 : index
        %get3A_293 = tpu.vector_load %arg6[%get3A_291, %get3A_292] {strides = array<i32>} : memref<576x64xf32, #tpu.memory_space<vmem>>, vector<1x16xf32>,
        %get3A_294 = vector.shape_cast %get3A_293 : vector<1x16xf32> to vector<16xf32>
        %add3A_295 = arith.constant 4 : i32
        %add3A_296 = arith.addi %add3A_271, %add3A_295 : i32
        %get3A_297 = arith.index_cast %add3A_296 : i32 to index
        %get3A_298 = arith.constant 0 : index
        %get3A_299 = tpu.vector_load %arg6[%get3A_297, %get3A_298] {strides = array<i32>} : memref<576x64xf32, #tpu.memory_space<vmem>>, vector<1x16xf32>,
        %get3A_300 = vector.shape_cast %get3A_299 : vector<1x16xf32> to vector<16xf32>
        %add3A_301 = arith.constant 5 : i32
        %add3A_302 = arith.addi %add3A_271, %add3A_301 : i32
        %get3A_303 = arith.index_cast %add3A_302 : i32 to index
        %get3A_304 = arith.constant 0 : index
        %get3A_305 = tpu.vector_load %arg6[%get3A_303, %get3A_304] {strides = array<i32>} : memref<576x64xf32, #tpu.memory_space<vmem>>, vector<1x16xf32>,
        %get3A_306 = vector.shape_cast %get3A_305 : vector<1x16xf32> to vector<16xf32>
        %add3A_307 = arith.constant 6 : i32
        %add3A_308 = arith.addi %add3A_271, %add3A_307 : i32
        %get3A_309 = arith.index_cast %add3A_308 : i32 to index
        %get3A_310 = arith.constant 0 : index
        %get3A_311 = tpu.vector_load %arg6[%get3A_309, %get3A_310] {strides = array<i32>} : memref<576x64xf32, #tpu.memory_space<vmem>>, vector<1x16xf32>,
        %get3A_312 = vector.shape_cast %get3A_311 : vector<1x16xf32> to vector<16xf32>
        %add3A_313 = arith.constant 7 : i32
        %add3A_314 = arith.addi %add3A_271, %add3A_313 : i32
        %get3A_315 = arith.index_cast %add3A_314 : i32 to index
        %get3A_316 = arith.constant 0 : index
        %get3A_317 = tpu.vector_load %arg6[%get3A_315, %get3A_316] {strides = array<i32>} : memref<576x64xf32, #tpu.memory_space<vmem>>, vector<1x16xf32>,
        %get3A_318 = vector.shape_cast %get3A_317 : vector<1x16xf32> to vector<16xf32>
        %add3A_319 = arith.constant 8 : i32
        %add3A_320 = arith.addi %add3A_271, %add3A_319 : i32
        %get3A_321 = arith.index_cast %add3A_320 : i32 to index
        %get3A_322 = arith.constant 0 : index
        %get3A_323 = tpu.vector_load %arg6[%get3A_321, %get3A_322] {strides = array<i32>} : memref<576x64xf32, #tpu.memory_space<vmem>>, vector<1x16xf32>,
        %get3A_324 = vector.shape_cast %get3A_323 : vector<1x16xf32> to vector<16xf32>
        %add3A_325 = arith.constant 9 : i32
        %add3A_326 = arith.addi %add3A_271, %add3A_325 : i32
        %get3A_327 = arith.index_cast %add3A_326 : i32 to index
        %get3A_328 = arith.constant 0 : index
        %get3A_329 = tpu.vector_load %arg6[%get3A_327, %get3A_328] {strides = array<i32>} : memref<576x64xf32, #tpu.memory_space<vmem>>, vector<1x16xf32>,
        %get3A_330 = vector.shape_cast %get3A_329 : vector<1x16xf32> to vector<16xf32>
        %add3A_331 = arith.constant 10 : i32
        %add3A_332 = arith.addi %add3A_271, %add3A_331 : i32
        %get3A_333 = arith.index_cast %add3A_332 : i32 to index
        %get3A_334 = arith.constant 0 : index
        %get3A_335 = tpu.vector_load %arg6[%get3A_333, %get3A_334] {strides = array<i32>} : memref<576x64xf32, #tpu.memory_space<vmem>>, vector<1x16xf32>,
        %get3A_336 = vector.shape_cast %get3A_335 : vector<1x16xf32> to vector<16xf32>
        %add3A_337 = arith.constant 11 : i32
        %add3A_338 = arith.addi %add3A_271, %add3A_337 : i32
        %get3A_339 = arith.index_cast %add3A_338 : i32 to index
        %get3A_340 = arith.constant 0 : index
        %get3A_341 = tpu.vector_load %arg6[%get3A_339, %get3A_340] {strides = array<i32>} : memref<576x64xf32, #tpu.memory_space<vmem>>, vector<1x16xf32>,
        %get3A_342 = vector.shape_cast %get3A_341 : vector<1x16xf32> to vector<16xf32>
        %add3A_343 = arith.addf %get3A_276, %get3A_282 : vector<16xf32>
        %add3A_344 = arith.addf %get3A_288, %get3A_294 : vector<16xf32>
        %add3A_345 = arith.addf %get3A_300, %get3A_306 : vector<16xf32>
        %add3A_346 = arith.addf %get3A_312, %get3A_318 : vector<16xf32>
        %add3A_347 = arith.addf %get3A_324, %get3A_330 : vector<16xf32>
        %add3A_348 = arith.addf %get3A_336, %get3A_342 : vector<16xf32>
        %add3A_349 = arith.addf %add3A_343, %add3A_344 : vector<16xf32>
        %add3A_350 = arith.addf %add3A_345, %add3A_346 : vector<16xf32>
        %add3A_351 = arith.addf %add3A_347, %add3A_348 : vector<16xf32>
        %add3A_352 = arith.addf %add3A_349, %add3A_350 : vector<16xf32>
        %add3A_353 = arith.addf %add3A_352, %add3A_351 : vector<16xf32>
        %swap3A = arith.index_cast %add3A_267 : i32 to index
        %swap3A_354 = arith.constant 0 : index
        %swap3A_355 = tpu.vector_load %arg8[%swap3A, %swap3A_354] {strides = array<i32>} : memref<24x128xf32, #tpu.memory_space<vmem>>, vector<1x16xf32>,
        %swap3A_356 = vector.shape_cast %swap3A_355 : vector<1x16xf32> to vector<16xf32>
        %swap3A_357 = vector.shape_cast %add3A_353 : vector<16xf32> to vector<1x16xf32>
        tpu.vector_store %arg8[%swap3A, %swap3A_354], %swap3A_357 {strides = array<i32>} : memref<24x128xf32, #tpu.memory_space<vmem>>, vector<1x16xf32>,
        %add3A_358 = arith.constant 0 : i32
        %add3A_359 = arith.addi %add3A_271, %add3A_358 : i32
        %get3A_360 = arith.index_cast %add3A_359 : i32 to index
        %get3A_361 = arith.constant 16 : index
        %get3A_362 = tpu.vector_load %arg6[%get3A_360, %get3A_361] {strides = array<i32>} : memref<576x64xf32, #tpu.memory_space<vmem>>, vector<1x16xf32>,
        %get3A_363 = vector.shape_cast %get3A_362 : vector<1x16xf32> to vector<16xf32>
        %add3A_364 = arith.constant 1 : i32
        %add3A_365 = arith.addi %add3A_271, %add3A_364 : i32
        %get3A_366 = arith.index_cast %add3A_365 : i32 to index
        %get3A_367 = arith.constant 16 : index
        %get3A_368 = tpu.vector_load %arg6[%get3A_366, %get3A_367] {strides = array<i32>} : memref<576x64xf32, #tpu.memory_space<vmem>>, vector<1x16xf32>,
        %get3A_369 = vector.shape_cast %get3A_368 : vector<1x16xf32> to vector<16xf32>
        %add3A_370 = arith.constant 2 : i32
        %add3A_371 = arith.addi %add3A_271, %add3A_370 : i32
        %get3A_372 = arith.index_cast %add3A_371 : i32 to index
        %get3A_373 = arith.constant 16 : index
        %get3A_374 = tpu.vector_load %arg6[%get3A_372, %get3A_373] {strides = array<i32>} : memref<576x64xf32, #tpu.memory_space<vmem>>, vector<1x16xf32>,
        %get3A_375 = vector.shape_cast %get3A_374 : vector<1x16xf32> to vector<16xf32>
        %add3A_376 = arith.constant 3 : i32
        %add3A_377 = arith.addi %add3A_271, %add3A_376 : i32
        %get3A_378 = arith.index_cast %add3A_377 : i32 to index
        %get3A_379 = arith.constant 16 : index
        %get3A_380 = tpu.vector_load %arg6[%get3A_378, %get3A_379] {strides = array<i32>} : memref<576x64xf32, #tpu.memory_space<vmem>>, vector<1x16xf32>,
        %get3A_381 = vector.shape_cast %get3A_380 : vector<1x16xf32> to vector<16xf32>
        %add3A_382 = arith.constant 4 : i32
        %add3A_383 = arith.addi %add3A_271, %add3A_382 : i32
        %get3A_384 = arith.index_cast %add3A_383 : i32 to index
        %get3A_385 = arith.constant 16 : index
        %get3A_386 = tpu.vector_load %arg6[%get3A_384, %get3A_385] {strides = array<i32>} : memref<576x64xf32, #tpu.memory_space<vmem>>, vector<1x16xf32>,
        %get3A_387 = vector.shape_cast %get3A_386 : vector<1x16xf32> to vector<16xf32>
        %add3A_388 = arith.constant 5 : i32
        %add3A_389 = arith.addi %add3A_271, %add3A_388 : i32
        %get3A_390 = arith.index_cast %add3A_389 : i32 to index
        %get3A_391 = arith.constant 16 : index
        %get3A_392 = tpu.vector_load %arg6[%get3A_390, %get3A_391] {strides = array<i32>} : memref<576x64xf32, #tpu.memory_space<vmem>>, vector<1x16xf32>,
        %get3A_393 = vector.shape_cast %get3A_392 : vector<1x16xf32> to vector<16xf32>
        %add3A_394 = arith.constant 6 : i32
        %add3A_395 = arith.addi %add3A_271, %add3A_394 : i32
        %get3A_396 = arith.index_cast %add3A_395 : i32 to index
        %get3A_397 = arith.constant 16 : index
        %get3A_398 = tpu.vector_load %arg6[%get3A_396, %get3A_397] {strides = array<i32>} : memref<576x64xf32, #tpu.memory_space<vmem>>, vector<1x16xf32>,
        %get3A_399 = vector.shape_cast %get3A_398 : vector<1x16xf32> to vector<16xf32>
        %add3A_400 = arith.constant 7 : i32
        %add3A_401 = arith.addi %add3A_271, %add3A_400 : i32
        %get3A_402 = arith.index_cast %add3A_401 : i32 to index
        %get3A_403 = arith.constant 16 : index
        %get3A_404 = tpu.vector_load %arg6[%get3A_402, %get3A_403] {strides = array<i32>} : memref<576x64xf32, #tpu.memory_space<vmem>>, vector<1x16xf32>,
        %get3A_405 = vector.shape_cast %get3A_404 : vector<1x16xf32> to vector<16xf32>
        %add3A_406 = arith.constant 8 : i32
        %add3A_407 = arith.addi %add3A_271, %add3A_406 : i32
        %get3A_408 = arith.index_cast %add3A_407 : i32 to index
        %get3A_409 = arith.constant 16 : index
        %get3A_410 = tpu.vector_load %arg6[%get3A_408, %get3A_409] {strides = array<i32>} : memref<576x64xf32, #tpu.memory_space<vmem>>, vector<1x16xf32>,
        %get3A_411 = vector.shape_cast %get3A_410 : vector<1x16xf32> to vector<16xf32>
        %add3A_412 = arith.constant 9 : i32
        %add3A_413 = arith.addi %add3A_271, %add3A_412 : i32
        %get3A_414 = arith.index_cast %add3A_413 : i32 to index
        %get3A_415 = arith.constant 16 : index
        %get3A_416 = tpu.vector_load %arg6[%get3A_414, %get3A_415] {strides = array<i32>} : memref<576x64xf32, #tpu.memory_space<vmem>>, vector<1x16xf32>,
        %get3A_417 = vector.shape_cast %get3A_416 : vector<1x16xf32> to vector<16xf32>
        %add3A_418 = arith.constant 10 : i32
        %add3A_419 = arith.addi %add3A_271, %add3A_418 : i32
        %get3A_420 = arith.index_cast %add3A_419 : i32 to index
        %get3A_421 = arith.constant 16 : index
        %get3A_422 = tpu.vector_load %arg6[%get3A_420, %get3A_421] {strides = array<i32>} : memref<576x64xf32, #tpu.memory_space<vmem>>, vector<1x16xf32>,
        %get3A_423 = vector.shape_cast %get3A_422 : vector<1x16xf32> to vector<16xf32>
        %add3A_424 = arith.constant 11 : i32
        %add3A_425 = arith.addi %add3A_271, %add3A_424 : i32
        %get3A_426 = arith.index_cast %add3A_425 : i32 to index
        %get3A_427 = arith.constant 16 : index
        %get3A_428 = tpu.vector_load %arg6[%get3A_426, %get3A_427] {strides = array<i32>} : memref<576x64xf32, #tpu.memory_space<vmem>>, vector<1x16xf32>,
        %get3A_429 = vector.shape_cast %get3A_428 : vector<1x16xf32> to vector<16xf32>
        %add3A_430 = arith.addf %get3A_363, %get3A_369 : vector<16xf32>
        %add3A_431 = arith.addf %get3A_375, %get3A_381 : vector<16xf32>
        %add3A_432 = arith.addf %get3A_387, %get3A_393 : vector<16xf32>
        %add3A_433 = arith.addf %get3A_399, %get3A_405 : vector<16xf32>
        %add3A_434 = arith.addf %get3A_411, %get3A_417 : vector<16xf32>
        %add3A_435 = arith.addf %get3A_423, %get3A_429 : vector<16xf32>
        %add3A_436 = arith.addf %add3A_430, %add3A_431 : vector<16xf32>
        %add3A_437 = arith.addf %add3A_432, %add3A_433 : vector<16xf32>
        %add3A_438 = arith.addf %add3A_434, %add3A_435 : vector<16xf32>
        %add3A_439 = arith.addf %add3A_436, %add3A_437 : vector<16xf32>
        %add3A_440 = arith.addf %add3A_439, %add3A_438 : vector<16xf32>
        %swap3A_441 = arith.index_cast %add3A_267 : i32 to index
        %swap3A_442 = arith.constant 16 : index
        %swap3A_443 = tpu.vector_load %arg8[%swap3A_441, %swap3A_442] {strides = array<i32>} : memref<24x128xf32, #tpu.memory_space<vmem>>, vector<1x16xf32>,
        %swap3A_444 = vector.shape_cast %swap3A_443 : vector<1x16xf32> to vector<16xf32>
        %swap3A_445 = vector.shape_cast %add3A_440 : vector<16xf32> to vector<1x16xf32>
        tpu.vector_store %arg8[%swap3A_441, %swap3A_442], %swap3A_445 {strides = array<i32>} : memref<24x128xf32, #tpu.memory_space<vmem>>, vector<1x16xf32>,
        %add3A_446 = arith.constant 0 : i32
        %add3A_447 = arith.addi %add3A_271, %add3A_446 : i32
        %get3A_448 = arith.index_cast %add3A_447 : i32 to index
        %get3A_449 = arith.constant 32 : index
        %get3A_450 = tpu.vector_load %arg6[%get3A_448, %get3A_449] {strides = array<i32>} : memref<576x64xf32, #tpu.memory_space<vmem>>, vector<1x16xf32>,
        %get3A_451 = vector.shape_cast %get3A_450 : vector<1x16xf32> to vector<16xf32>
        %add3A_452 = arith.constant 1 : i32
        %add3A_453 = arith.addi %add3A_271, %add3A_452 : i32
        %get3A_454 = arith.index_cast %add3A_453 : i32 to index
        %get3A_455 = arith.constant 32 : index
        %get3A_456 = tpu.vector_load %arg6[%get3A_454, %get3A_455] {strides = array<i32>} : memref<576x64xf32, #tpu.memory_space<vmem>>, vector<1x16xf32>,
        %get3A_457 = vector.shape_cast %get3A_456 : vector<1x16xf32> to vector<16xf32>
        %add3A_458 = arith.constant 2 : i32
        %add3A_459 = arith.addi %add3A_271, %add3A_458 : i32
        %get3A_460 = arith.index_cast %add3A_459 : i32 to index
        %get3A_461 = arith.constant 32 : index
        %get3A_462 = tpu.vector_load %arg6[%get3A_460, %get3A_461] {strides = array<i32>} : memref<576x64xf32, #tpu.memory_space<vmem>>, vector<1x16xf32>,
        %get3A_463 = vector.shape_cast %get3A_462 : vector<1x16xf32> to vector<16xf32>
        %add3A_464 = arith.constant 3 : i32
        %add3A_465 = arith.addi %add3A_271, %add3A_464 : i32
        %get3A_466 = arith.index_cast %add3A_465 : i32 to index
        %get3A_467 = arith.constant 32 : index
        %get3A_468 = tpu.vector_load %arg6[%get3A_466, %get3A_467] {strides = array<i32>} : memref<576x64xf32, #tpu.memory_space<vmem>>, vector<1x16xf32>,
        %get3A_469 = vector.shape_cast %get3A_468 : vector<1x16xf32> to vector<16xf32>
        %add3A_470 = arith.constant 4 : i32
        %add3A_471 = arith.addi %add3A_271, %add3A_470 : i32
        %get3A_472 = arith.index_cast %add3A_471 : i32 to index
        %get3A_473 = arith.constant 32 : index
        %get3A_474 = tpu.vector_load %arg6[%get3A_472, %get3A_473] {strides = array<i32>} : memref<576x64xf32, #tpu.memory_space<vmem>>, vector<1x16xf32>,
        %get3A_475 = vector.shape_cast %get3A_474 : vector<1x16xf32> to vector<16xf32>
        %add3A_476 = arith.constant 5 : i32
        %add3A_477 = arith.addi %add3A_271, %add3A_476 : i32
        %get3A_478 = arith.index_cast %add3A_477 : i32 to index
        %get3A_479 = arith.constant 32 : index
        %get3A_480 = tpu.vector_load %arg6[%get3A_478, %get3A_479] {strides = array<i32>} : memref<576x64xf32, #tpu.memory_space<vmem>>, vector<1x16xf32>,
        %get3A_481 = vector.shape_cast %get3A_480 : vector<1x16xf32> to vector<16xf32>
        %add3A_482 = arith.constant 6 : i32
        %add3A_483 = arith.addi %add3A_271, %add3A_482 : i32
        %get3A_484 = arith.index_cast %add3A_483 : i32 to index
        %get3A_485 = arith.constant 32 : index
        %get3A_486 = tpu.vector_load %arg6[%get3A_484, %get3A_485] {strides = array<i32>} : memref<576x64xf32, #tpu.memory_space<vmem>>, vector<1x16xf32>,
        %get3A_487 = vector.shape_cast %get3A_486 : vector<1x16xf32> to vector<16xf32>
        %add3A_488 = arith.constant 7 : i32
        %add3A_489 = arith.addi %add3A_271, %add3A_488 : i32
        %get3A_490 = arith.index_cast %add3A_489 : i32 to index
        %get3A_491 = arith.constant 32 : index
        %get3A_492 = tpu.vector_load %arg6[%get3A_490, %get3A_491] {strides = array<i32>} : memref<576x64xf32, #tpu.memory_space<vmem>>, vector<1x16xf32>,
        %get3A_493 = vector.shape_cast %get3A_492 : vector<1x16xf32> to vector<16xf32>
        %add3A_494 = arith.constant 8 : i32
        %add3A_495 = arith.addi %add3A_271, %add3A_494 : i32
        %get3A_496 = arith.index_cast %add3A_495 : i32 to index
        %get3A_497 = arith.constant 32 : index
        %get3A_498 = tpu.vector_load %arg6[%get3A_496, %get3A_497] {strides = array<i32>} : memref<576x64xf32, #tpu.memory_space<vmem>>, vector<1x16xf32>,
        %get3A_499 = vector.shape_cast %get3A_498 : vector<1x16xf32> to vector<16xf32>
        %add3A_500 = arith.constant 9 : i32
        %add3A_501 = arith.addi %add3A_271, %add3A_500 : i32
        %get3A_502 = arith.index_cast %add3A_501 : i32 to index
        %get3A_503 = arith.constant 32 : index
        %get3A_504 = tpu.vector_load %arg6[%get3A_502, %get3A_503] {strides = array<i32>} : memref<576x64xf32, #tpu.memory_space<vmem>>, vector<1x16xf32>,
        %get3A_505 = vector.shape_cast %get3A_504 : vector<1x16xf32> to vector<16xf32>
        %add3A_506 = arith.constant 10 : i32
        %add3A_507 = arith.addi %add3A_271, %add3A_506 : i32
        %get3A_508 = arith.index_cast %add3A_507 : i32 to index
        %get3A_509 = arith.constant 32 : index
        %get3A_510 = tpu.vector_load %arg6[%get3A_508, %get3A_509] {strides = array<i32>} : memref<576x64xf32, #tpu.memory_space<vmem>>, vector<1x16xf32>,
        %get3A_511 = vector.shape_cast %get3A_510 : vector<1x16xf32> to vector<16xf32>
        %add3A_512 = arith.constant 11 : i32
        %add3A_513 = arith.addi %add3A_271, %add3A_512 : i32
        %get3A_514 = arith.index_cast %add3A_513 : i32 to index
        %get3A_515 = arith.constant 32 : index
        %get3A_516 = tpu.vector_load %arg6[%get3A_514, %get3A_515] {strides = array<i32>} : memref<576x64xf32, #tpu.memory_space<vmem>>, vector<1x16xf32>,
        %get3A_517 = vector.shape_cast %get3A_516 : vector<1x16xf32> to vector<16xf32>
        %add3A_518 = arith.addf %get3A_451, %get3A_457 : vector<16xf32>
        %add3A_519 = arith.addf %get3A_463, %get3A_469 : vector<16xf32>
        %add3A_520 = arith.addf %get3A_475, %get3A_481 : vector<16xf32>
        %add3A_521 = arith.addf %get3A_487, %get3A_493 : vector<16xf32>
        %add3A_522 = arith.addf %get3A_499, %get3A_505 : vector<16xf32>
        %add3A_523 = arith.addf %get3A_511, %get3A_517 : vector<16xf32>
        %add3A_524 = arith.addf %add3A_518, %add3A_519 : vector<16xf32>
        %add3A_525 = arith.addf %add3A_520, %add3A_521 : vector<16xf32>
        %add3A_526 = arith.addf %add3A_522, %add3A_523 : vector<16xf32>
        %add3A_527 = arith.addf %add3A_524, %add3A_525 : vector<16xf32>
        %add3A_528 = arith.addf %add3A_527, %add3A_526 : vector<16xf32>
        %swap3A_529 = arith.index_cast %add3A_267 : i32 to index
        %swap3A_530 = arith.constant 32 : index
        %swap3A_531 = tpu.vector_load %arg8[%swap3A_529, %swap3A_530] {strides = array<i32>} : memref<24x128xf32, #tpu.memory_space<vmem>>, vector<1x16xf32>,
        %swap3A_532 = vector.shape_cast %swap3A_531 : vector<1x16xf32> to vector<16xf32>
        %swap3A_533 = vector.shape_cast %add3A_528 : vector<16xf32> to vector<1x16xf32>
        tpu.vector_store %arg8[%swap3A_529, %swap3A_530], %swap3A_533 {strides = array<i32>} : memref<24x128xf32, #tpu.memory_space<vmem>>, vector<1x16xf32>,
        %add3A_534 = arith.constant 0 : i32
        %add3A_535 = arith.addi %add3A_271, %add3A_534 : i32
        %get3A_536 = arith.index_cast %add3A_535 : i32 to index
        %get3A_537 = arith.constant 48 : index
        %get3A_538 = tpu.vector_load %arg6[%get3A_536, %get3A_537] {strides = array<i32>} : memref<576x64xf32, #tpu.memory_space<vmem>>, vector<1x16xf32>,
        %get3A_539 = vector.shape_cast %get3A_538 : vector<1x16xf32> to vector<16xf32>
        %add3A_540 = arith.constant 1 : i32
        %add3A_541 = arith.addi %add3A_271, %add3A_540 : i32
        %get3A_542 = arith.index_cast %add3A_541 : i32 to index
        %get3A_543 = arith.constant 48 : index
        %get3A_544 = tpu.vector_load %arg6[%get3A_542, %get3A_543] {strides = array<i32>} : memref<576x64xf32, #tpu.memory_space<vmem>>, vector<1x16xf32>,
        %get3A_545 = vector.shape_cast %get3A_544 : vector<1x16xf32> to vector<16xf32>
        %add3A_546 = arith.constant 2 : i32
        %add3A_547 = arith.addi %add3A_271, %add3A_546 : i32
        %get3A_548 = arith.index_cast %add3A_547 : i32 to index
        %get3A_549 = arith.constant 48 : index
        %get3A_550 = tpu.vector_load %arg6[%get3A_548, %get3A_549] {strides = array<i32>} : memref<576x64xf32, #tpu.memory_space<vmem>>, vector<1x16xf32>,
        %get3A_551 = vector.shape_cast %get3A_550 : vector<1x16xf32> to vector<16xf32>
        %add3A_552 = arith.constant 3 : i32
        %add3A_553 = arith.addi %add3A_271, %add3A_552 : i32
        %get3A_554 = arith.index_cast %add3A_553 : i32 to index
        %get3A_555 = arith.constant 48 : index
        %get3A_556 = tpu.vector_load %arg6[%get3A_554, %get3A_555] {strides = array<i32>} : memref<576x64xf32, #tpu.memory_space<vmem>>, vector<1x16xf32>,
        %get3A_557 = vector.shape_cast %get3A_556 : vector<1x16xf32> to vector<16xf32>
        %add3A_558 = arith.constant 4 : i32
        %add3A_559 = arith.addi %add3A_271, %add3A_558 : i32
        %get3A_560 = arith.index_cast %add3A_559 : i32 to index
        %get3A_561 = arith.constant 48 : index
        %get3A_562 = tpu.vector_load %arg6[%get3A_560, %get3A_561] {strides = array<i32>} : memref<576x64xf32, #tpu.memory_space<vmem>>, vector<1x16xf32>,
        %get3A_563 = vector.shape_cast %get3A_562 : vector<1x16xf32> to vector<16xf32>
        %add3A_564 = arith.constant 5 : i32
        %add3A_565 = arith.addi %add3A_271, %add3A_564 : i32
        %get3A_566 = arith.index_cast %add3A_565 : i32 to index
        %get3A_567 = arith.constant 48 : index
        %get3A_568 = tpu.vector_load %arg6[%get3A_566, %get3A_567] {strides = array<i32>} : memref<576x64xf32, #tpu.memory_space<vmem>>, vector<1x16xf32>,
        %get3A_569 = vector.shape_cast %get3A_568 : vector<1x16xf32> to vector<16xf32>
        %add3A_570 = arith.constant 6 : i32
        %add3A_571 = arith.addi %add3A_271, %add3A_570 : i32
        %get3A_572 = arith.index_cast %add3A_571 : i32 to index
        %get3A_573 = arith.constant 48 : index
        %get3A_574 = tpu.vector_load %arg6[%get3A_572, %get3A_573] {strides = array<i32>} : memref<576x64xf32, #tpu.memory_space<vmem>>, vector<1x16xf32>,
        %get3A_575 = vector.shape_cast %get3A_574 : vector<1x16xf32> to vector<16xf32>
        %add3A_576 = arith.constant 7 : i32
        %add3A_577 = arith.addi %add3A_271, %add3A_576 : i32
        %get3A_578 = arith.index_cast %add3A_577 : i32 to index
        %get3A_579 = arith.constant 48 : index
        %get3A_580 = tpu.vector_load %arg6[%get3A_578, %get3A_579] {strides = array<i32>} : memref<576x64xf32, #tpu.memory_space<vmem>>, vector<1x16xf32>,
        %get3A_581 = vector.shape_cast %get3A_580 : vector<1x16xf32> to vector<16xf32>
        %add3A_582 = arith.constant 8 : i32
        %add3A_583 = arith.addi %add3A_271, %add3A_582 : i32
        %get3A_584 = arith.index_cast %add3A_583 : i32 to index
        %get3A_585 = arith.constant 48 : index
        %get3A_586 = tpu.vector_load %arg6[%get3A_584, %get3A_585] {strides = array<i32>} : memref<576x64xf32, #tpu.memory_space<vmem>>, vector<1x16xf32>,
        %get3A_587 = vector.shape_cast %get3A_586 : vector<1x16xf32> to vector<16xf32>
        %add3A_588 = arith.constant 9 : i32
        %add3A_589 = arith.addi %add3A_271, %add3A_588 : i32
        %get3A_590 = arith.index_cast %add3A_589 : i32 to index
        %get3A_591 = arith.constant 48 : index
        %get3A_592 = tpu.vector_load %arg6[%get3A_590, %get3A_591] {strides = array<i32>} : memref<576x64xf32, #tpu.memory_space<vmem>>, vector<1x16xf32>,
        %get3A_593 = vector.shape_cast %get3A_592 : vector<1x16xf32> to vector<16xf32>
        %add3A_594 = arith.constant 10 : i32
        %add3A_595 = arith.addi %add3A_271, %add3A_594 : i32
        %get3A_596 = arith.index_cast %add3A_595 : i32 to index
        %get3A_597 = arith.constant 48 : index
        %get3A_598 = tpu.vector_load %arg6[%get3A_596, %get3A_597] {strides = array<i32>} : memref<576x64xf32, #tpu.memory_space<vmem>>, vector<1x16xf32>,
        %get3A_599 = vector.shape_cast %get3A_598 : vector<1x16xf32> to vector<16xf32>
        %add3A_600 = arith.constant 11 : i32
        %add3A_601 = arith.addi %add3A_271, %add3A_600 : i32
        %get3A_602 = arith.index_cast %add3A_601 : i32 to index
        %get3A_603 = arith.constant 48 : index
        %get3A_604 = tpu.vector_load %arg6[%get3A_602, %get3A_603] {strides = array<i32>} : memref<576x64xf32, #tpu.memory_space<vmem>>, vector<1x16xf32>,
        %get3A_605 = vector.shape_cast %get3A_604 : vector<1x16xf32> to vector<16xf32>
        %add3A_606 = arith.addf %get3A_539, %get3A_545 : vector<16xf32>
        %add3A_607 = arith.addf %get3A_551, %get3A_557 : vector<16xf32>
        %add3A_608 = arith.addf %get3A_563, %get3A_569 : vector<16xf32>
        %add3A_609 = arith.addf %get3A_575, %get3A_581 : vector<16xf32>
        %add3A_610 = arith.addf %get3A_587, %get3A_593 : vector<16xf32>
        %add3A_611 = arith.addf %get3A_599, %get3A_605 : vector<16xf32>
        %add3A_612 = arith.addf %add3A_606, %add3A_607 : vector<16xf32>
        %add3A_613 = arith.addf %add3A_608, %add3A_609 : vector<16xf32>
        %add3A_614 = arith.addf %add3A_610, %add3A_611 : vector<16xf32>
        %add3A_615 = arith.addf %add3A_612, %add3A_613 : vector<16xf32>
        %add3A_616 = arith.addf %add3A_615, %add3A_614 : vector<16xf32>
        %swap3A_617 = arith.index_cast %add3A_267 : i32 to index
        %swap3A_618 = arith.constant 48 : index
        %swap3A_619 = tpu.vector_load %arg8[%swap3A_617, %swap3A_618] {strides = array<i32>} : memref<24x128xf32, #tpu.memory_space<vmem>>, vector<1x16xf32>,
        %swap3A_620 = vector.shape_cast %swap3A_619 : vector<1x16xf32> to vector<16xf32>
        %swap3A_621 = vector.shape_cast %add3A_616 : vector<16xf32> to vector<1x16xf32>
        tpu.vector_store %arg8[%swap3A_617, %swap3A_618], %swap3A_621 {strides = array<i32>} : memref<24x128xf32, #tpu.memory_space<vmem>>, vector<1x16xf32>,
        %mul3A_622 = arith.constant 12 : i32
        %mul3A_623 = arith.muli %add3A_267, %mul3A_622 : i32
        %add3A_624 = arith.constant 288 : i32
        %add3A_625 = arith.addi %add3A_624, %mul3A_623 : i32
        %add3A_626 = arith.constant 0 : i32
        %add3A_627 = arith.addi %add3A_625, %add3A_626 : i32
        %get3A_628 = arith.index_cast %add3A_627 : i32 to index
        %get3A_629 = arith.constant 0 : index
        %get3A_630 = tpu.vector_load %arg6[%get3A_628, %get3A_629] {strides = array<i32>} : memref<576x64xf32, #tpu.memory_space<vmem>>, vector<1x16xf32>,
        %get3A_631 = vector.shape_cast %get3A_630 : vector<1x16xf32> to vector<16xf32>
        %add3A_632 = arith.constant 1 : i32
        %add3A_633 = arith.addi %add3A_625, %add3A_632 : i32
        %get3A_634 = arith.index_cast %add3A_633 : i32 to index
        %get3A_635 = arith.constant 0 : index
        %get3A_636 = tpu.vector_load %arg6[%get3A_634, %get3A_635] {strides = array<i32>} : memref<576x64xf32, #tpu.memory_space<vmem>>, vector<1x16xf32>,
        %get3A_637 = vector.shape_cast %get3A_636 : vector<1x16xf32> to vector<16xf32>
        %add3A_638 = arith.constant 2 : i32
        %add3A_639 = arith.addi %add3A_625, %add3A_638 : i32
        %get3A_640 = arith.index_cast %add3A_639 : i32 to index
        %get3A_641 = arith.constant 0 : index
        %get3A_642 = tpu.vector_load %arg6[%get3A_640, %get3A_641] {strides = array<i32>} : memref<576x64xf32, #tpu.memory_space<vmem>>, vector<1x16xf32>,
        %get3A_643 = vector.shape_cast %get3A_642 : vector<1x16xf32> to vector<16xf32>
        %add3A_644 = arith.constant 3 : i32
        %add3A_645 = arith.addi %add3A_625, %add3A_644 : i32
        %get3A_646 = arith.index_cast %add3A_645 : i32 to index
        %get3A_647 = arith.constant 0 : index
        %get3A_648 = tpu.vector_load %arg6[%get3A_646, %get3A_647] {strides = array<i32>} : memref<576x64xf32, #tpu.memory_space<vmem>>, vector<1x16xf32>,
        %get3A_649 = vector.shape_cast %get3A_648 : vector<1x16xf32> to vector<16xf32>
        %add3A_650 = arith.constant 4 : i32
        %add3A_651 = arith.addi %add3A_625, %add3A_650 : i32
        %get3A_652 = arith.index_cast %add3A_651 : i32 to index
        %get3A_653 = arith.constant 0 : index
        %get3A_654 = tpu.vector_load %arg6[%get3A_652, %get3A_653] {strides = array<i32>} : memref<576x64xf32, #tpu.memory_space<vmem>>, vector<1x16xf32>,
        %get3A_655 = vector.shape_cast %get3A_654 : vector<1x16xf32> to vector<16xf32>
        %add3A_656 = arith.constant 5 : i32
        %add3A_657 = arith.addi %add3A_625, %add3A_656 : i32
        %get3A_658 = arith.index_cast %add3A_657 : i32 to index
        %get3A_659 = arith.constant 0 : index
        %get3A_660 = tpu.vector_load %arg6[%get3A_658, %get3A_659] {strides = array<i32>} : memref<576x64xf32, #tpu.memory_space<vmem>>, vector<1x16xf32>,
        %get3A_661 = vector.shape_cast %get3A_660 : vector<1x16xf32> to vector<16xf32>
        %add3A_662 = arith.constant 6 : i32
        %add3A_663 = arith.addi %add3A_625, %add3A_662 : i32
        %get3A_664 = arith.index_cast %add3A_663 : i32 to index
        %get3A_665 = arith.constant 0 : index
        %get3A_666 = tpu.vector_load %arg6[%get3A_664, %get3A_665] {strides = array<i32>} : memref<576x64xf32, #tpu.memory_space<vmem>>, vector<1x16xf32>,
        %get3A_667 = vector.shape_cast %get3A_666 : vector<1x16xf32> to vector<16xf32>
        %add3A_668 = arith.constant 7 : i32
        %add3A_669 = arith.addi %add3A_625, %add3A_668 : i32
        %get3A_670 = arith.index_cast %add3A_669 : i32 to index
        %get3A_671 = arith.constant 0 : index
        %get3A_672 = tpu.vector_load %arg6[%get3A_670, %get3A_671] {strides = array<i32>} : memref<576x64xf32, #tpu.memory_space<vmem>>, vector<1x16xf32>,
        %get3A_673 = vector.shape_cast %get3A_672 : vector<1x16xf32> to vector<16xf32>
        %add3A_674 = arith.constant 8 : i32
        %add3A_675 = arith.addi %add3A_625, %add3A_674 : i32
        %get3A_676 = arith.index_cast %add3A_675 : i32 to index
        %get3A_677 = arith.constant 0 : index
        %get3A_678 = tpu.vector_load %arg6[%get3A_676, %get3A_677] {strides = array<i32>} : memref<576x64xf32, #tpu.memory_space<vmem>>, vector<1x16xf32>,
        %get3A_679 = vector.shape_cast %get3A_678 : vector<1x16xf32> to vector<16xf32>
        %add3A_680 = arith.constant 9 : i32
        %add3A_681 = arith.addi %add3A_625, %add3A_680 : i32
        %get3A_682 = arith.index_cast %add3A_681 : i32 to index
        %get3A_683 = arith.constant 0 : index
        %get3A_684 = tpu.vector_load %arg6[%get3A_682, %get3A_683] {strides = array<i32>} : memref<576x64xf32, #tpu.memory_space<vmem>>, vector<1x16xf32>,
        %get3A_685 = vector.shape_cast %get3A_684 : vector<1x16xf32> to vector<16xf32>
        %add3A_686 = arith.constant 10 : i32
        %add3A_687 = arith.addi %add3A_625, %add3A_686 : i32
        %get3A_688 = arith.index_cast %add3A_687 : i32 to index
        %get3A_689 = arith.constant 0 : index
        %get3A_690 = tpu.vector_load %arg6[%get3A_688, %get3A_689] {strides = array<i32>} : memref<576x64xf32, #tpu.memory_space<vmem>>, vector<1x16xf32>,
        %get3A_691 = vector.shape_cast %get3A_690 : vector<1x16xf32> to vector<16xf32>
        %add3A_692 = arith.constant 11 : i32
        %add3A_693 = arith.addi %add3A_625, %add3A_692 : i32
        %get3A_694 = arith.index_cast %add3A_693 : i32 to index
        %get3A_695 = arith.constant 0 : index
        %get3A_696 = tpu.vector_load %arg6[%get3A_694, %get3A_695] {strides = array<i32>} : memref<576x64xf32, #tpu.memory_space<vmem>>, vector<1x16xf32>,
        %get3A_697 = vector.shape_cast %get3A_696 : vector<1x16xf32> to vector<16xf32>
        %add3A_698 = arith.addf %get3A_631, %get3A_637 : vector<16xf32>
        %add3A_699 = arith.addf %get3A_643, %get3A_649 : vector<16xf32>
        %add3A_700 = arith.addf %get3A_655, %get3A_661 : vector<16xf32>
        %add3A_701 = arith.addf %get3A_667, %get3A_673 : vector<16xf32>
        %add3A_702 = arith.addf %get3A_679, %get3A_685 : vector<16xf32>
        %add3A_703 = arith.addf %get3A_691, %get3A_697 : vector<16xf32>
        %add3A_704 = arith.addf %add3A_698, %add3A_699 : vector<16xf32>
        %add3A_705 = arith.addf %add3A_700, %add3A_701 : vector<16xf32>
        %add3A_706 = arith.addf %add3A_702, %add3A_703 : vector<16xf32>
        %add3A_707 = arith.addf %add3A_704, %add3A_705 : vector<16xf32>
        %add3A_708 = arith.addf %add3A_707, %add3A_706 : vector<16xf32>
        %swap3A_709 = arith.index_cast %add3A_267 : i32 to index
        %swap3A_710 = arith.constant 64 : index
        %swap3A_711 = tpu.vector_load %arg8[%swap3A_709, %swap3A_710] {strides = array<i32>} : memref<24x128xf32, #tpu.memory_space<vmem>>, vector<1x16xf32>,
        %swap3A_712 = vector.shape_cast %swap3A_711 : vector<1x16xf32> to vector<16xf32>
        %swap3A_713 = vector.shape_cast %add3A_708 : vector<16xf32> to vector<1x16xf32>
        tpu.vector_store %arg8[%swap3A_709, %swap3A_710], %swap3A_713 {strides = array<i32>} : memref<24x128xf32, #tpu.memory_space<vmem>>, vector<1x16xf32>,
        %add3A_714 = arith.constant 0 : i32
        %add3A_715 = arith.addi %add3A_625, %add3A_714 : i32
        %get3A_716 = arith.index_cast %add3A_715 : i32 to index
        %get3A_717 = arith.constant 16 : index
        %get3A_718 = tpu.vector_load %arg6[%get3A_716, %get3A_717] {strides = array<i32>} : memref<576x64xf32, #tpu.memory_space<vmem>>, vector<1x16xf32>,
        %get3A_719 = vector.shape_cast %get3A_718 : vector<1x16xf32> to vector<16xf32>
        %add3A_720 = arith.constant 1 : i32
        %add3A_721 = arith.addi %add3A_625, %add3A_720 : i32
        %get3A_722 = arith.index_cast %add3A_721 : i32 to index
        %get3A_723 = arith.constant 16 : index
        %get3A_724 = tpu.vector_load %arg6[%get3A_722, %get3A_723] {strides = array<i32>} : memref<576x64xf32, #tpu.memory_space<vmem>>, vector<1x16xf32>,
        %get3A_725 = vector.shape_cast %get3A_724 : vector<1x16xf32> to vector<16xf32>
        %add3A_726 = arith.constant 2 : i32
        %add3A_727 = arith.addi %add3A_625, %add3A_726 : i32
        %get3A_728 = arith.index_cast %add3A_727 : i32 to index
        %get3A_729 = arith.constant 16 : index
        %get3A_730 = tpu.vector_load %arg6[%get3A_728, %get3A_729] {strides = array<i32>} : memref<576x64xf32, #tpu.memory_space<vmem>>, vector<1x16xf32>,
        %get3A_731 = vector.shape_cast %get3A_730 : vector<1x16xf32> to vector<16xf32>
        %add3A_732 = arith.constant 3 : i32
        %add3A_733 = arith.addi %add3A_625, %add3A_732 : i32
        %get3A_734 = arith.index_cast %add3A_733 : i32 to index
        %get3A_735 = arith.constant 16 : index
        %get3A_736 = tpu.vector_load %arg6[%get3A_734, %get3A_735] {strides = array<i32>} : memref<576x64xf32, #tpu.memory_space<vmem>>, vector<1x16xf32>,
        %get3A_737 = vector.shape_cast %get3A_736 : vector<1x16xf32> to vector<16xf32>
        %add3A_738 = arith.constant 4 : i32
        %add3A_739 = arith.addi %add3A_625, %add3A_738 : i32
        %get3A_740 = arith.index_cast %add3A_739 : i32 to index
        %get3A_741 = arith.constant 16 : index
        %get3A_742 = tpu.vector_load %arg6[%get3A_740, %get3A_741] {strides = array<i32>} : memref<576x64xf32, #tpu.memory_space<vmem>>, vector<1x16xf32>,
        %get3A_743 = vector.shape_cast %get3A_742 : vector<1x16xf32> to vector<16xf32>
        %add3A_744 = arith.constant 5 : i32
        %add3A_745 = arith.addi %add3A_625, %add3A_744 : i32
        %get3A_746 = arith.index_cast %add3A_745 : i32 to index
        %get3A_747 = arith.constant 16 : index
        %get3A_748 = tpu.vector_load %arg6[%get3A_746, %get3A_747] {strides = array<i32>} : memref<576x64xf32, #tpu.memory_space<vmem>>, vector<1x16xf32>,
        %get3A_749 = vector.shape_cast %get3A_748 : vector<1x16xf32> to vector<16xf32>
        %add3A_750 = arith.constant 6 : i32
        %add3A_751 = arith.addi %add3A_625, %add3A_750 : i32
        %get3A_752 = arith.index_cast %add3A_751 : i32 to index
        %get3A_753 = arith.constant 16 : index
        %get3A_754 = tpu.vector_load %arg6[%get3A_752, %get3A_753] {strides = array<i32>} : memref<576x64xf32, #tpu.memory_space<vmem>>, vector<1x16xf32>,
        %get3A_755 = vector.shape_cast %get3A_754 : vector<1x16xf32> to vector<16xf32>
        %add3A_756 = arith.constant 7 : i32
        %add3A_757 = arith.addi %add3A_625, %add3A_756 : i32
        %get3A_758 = arith.index_cast %add3A_757 : i32 to index
        %get3A_759 = arith.constant 16 : index
        %get3A_760 = tpu.vector_load %arg6[%get3A_758, %get3A_759] {strides = array<i32>} : memref<576x64xf32, #tpu.memory_space<vmem>>, vector<1x16xf32>,
        %get3A_761 = vector.shape_cast %get3A_760 : vector<1x16xf32> to vector<16xf32>
        %add3A_762 = arith.constant 8 : i32
        %add3A_763 = arith.addi %add3A_625, %add3A_762 : i32
        %get3A_764 = arith.index_cast %add3A_763 : i32 to index
        %get3A_765 = arith.constant 16 : index
        %get3A_766 = tpu.vector_load %arg6[%get3A_764, %get3A_765] {strides = array<i32>} : memref<576x64xf32, #tpu.memory_space<vmem>>, vector<1x16xf32>,
        %get3A_767 = vector.shape_cast %get3A_766 : vector<1x16xf32> to vector<16xf32>
        %add3A_768 = arith.constant 9 : i32
        %add3A_769 = arith.addi %add3A_625, %add3A_768 : i32
        %get3A_770 = arith.index_cast %add3A_769 : i32 to index
        %get3A_771 = arith.constant 16 : index
        %get3A_772 = tpu.vector_load %arg6[%get3A_770, %get3A_771] {strides = array<i32>} : memref<576x64xf32, #tpu.memory_space<vmem>>, vector<1x16xf32>,
        %get3A_773 = vector.shape_cast %get3A_772 : vector<1x16xf32> to vector<16xf32>
        %add3A_774 = arith.constant 10 : i32
        %add3A_775 = arith.addi %add3A_625, %add3A_774 : i32
        %get3A_776 = arith.index_cast %add3A_775 : i32 to index
        %get3A_777 = arith.constant 16 : index
        %get3A_778 = tpu.vector_load %arg6[%get3A_776, %get3A_777] {strides = array<i32>} : memref<576x64xf32, #tpu.memory_space<vmem>>, vector<1x16xf32>,
        %get3A_779 = vector.shape_cast %get3A_778 : vector<1x16xf32> to vector<16xf32>
        %add3A_780 = arith.constant 11 : i32
        %add3A_781 = arith.addi %add3A_625, %add3A_780 : i32
        %get3A_782 = arith.index_cast %add3A_781 : i32 to index
        %get3A_783 = arith.constant 16 : index
        %get3A_784 = tpu.vector_load %arg6[%get3A_782, %get3A_783] {strides = array<i32>} : memref<576x64xf32, #tpu.memory_space<vmem>>, vector<1x16xf32>,
        %get3A_785 = vector.shape_cast %get3A_784 : vector<1x16xf32> to vector<16xf32>
        %add3A_786 = arith.addf %get3A_719, %get3A_725 : vector<16xf32>
        %add3A_787 = arith.addf %get3A_731, %get3A_737 : vector<16xf32>
        %add3A_788 = arith.addf %get3A_743, %get3A_749 : vector<16xf32>
        %add3A_789 = arith.addf %get3A_755, %get3A_761 : vector<16xf32>
        %add3A_790 = arith.addf %get3A_767, %get3A_773 : vector<16xf32>
        %add3A_791 = arith.addf %get3A_779, %get3A_785 : vector<16xf32>
        %add3A_792 = arith.addf %add3A_786, %add3A_787 : vector<16xf32>
        %add3A_793 = arith.addf %add3A_788, %add3A_789 : vector<16xf32>
        %add3A_794 = arith.addf %add3A_790, %add3A_791 : vector<16xf32>
        %add3A_795 = arith.addf %add3A_792, %add3A_793 : vector<16xf32>
        %add3A_796 = arith.addf %add3A_795, %add3A_794 : vector<16xf32>
        %swap3A_797 = arith.index_cast %add3A_267 : i32 to index
        %swap3A_798 = arith.constant 80 : index
        %swap3A_799 = tpu.vector_load %arg8[%swap3A_797, %swap3A_798] {strides = array<i32>} : memref<24x128xf32, #tpu.memory_space<vmem>>, vector<1x16xf32>,
        %swap3A_800 = vector.shape_cast %swap3A_799 : vector<1x16xf32> to vector<16xf32>
        %swap3A_801 = vector.shape_cast %add3A_796 : vector<16xf32> to vector<1x16xf32>
        tpu.vector_store %arg8[%swap3A_797, %swap3A_798], %swap3A_801 {strides = array<i32>} : memref<24x128xf32, #tpu.memory_space<vmem>>, vector<1x16xf32>,
        %add3A_802 = arith.constant 0 : i32
        %add3A_803 = arith.addi %add3A_625, %add3A_802 : i32
        %get3A_804 = arith.index_cast %add3A_803 : i32 to index
        %get3A_805 = arith.constant 32 : index
        %get3A_806 = tpu.vector_load %arg6[%get3A_804, %get3A_805] {strides = array<i32>} : memref<576x64xf32, #tpu.memory_space<vmem>>, vector<1x16xf32>,
        %get3A_807 = vector.shape_cast %get3A_806 : vector<1x16xf32> to vector<16xf32>
        %add3A_808 = arith.constant 1 : i32
        %add3A_809 = arith.addi %add3A_625, %add3A_808 : i32
        %get3A_810 = arith.index_cast %add3A_809 : i32 to index
        %get3A_811 = arith.constant 32 : index
        %get3A_812 = tpu.vector_load %arg6[%get3A_810, %get3A_811] {strides = array<i32>} : memref<576x64xf32, #tpu.memory_space<vmem>>, vector<1x16xf32>,
        %get3A_813 = vector.shape_cast %get3A_812 : vector<1x16xf32> to vector<16xf32>
        %add3A_814 = arith.constant 2 : i32
        %add3A_815 = arith.addi %add3A_625, %add3A_814 : i32
        %get3A_816 = arith.index_cast %add3A_815 : i32 to index
        %get3A_817 = arith.constant 32 : index
        %get3A_818 = tpu.vector_load %arg6[%get3A_816, %get3A_817] {strides = array<i32>} : memref<576x64xf32, #tpu.memory_space<vmem>>, vector<1x16xf32>,
        %get3A_819 = vector.shape_cast %get3A_818 : vector<1x16xf32> to vector<16xf32>
        %add3A_820 = arith.constant 3 : i32
        %add3A_821 = arith.addi %add3A_625, %add3A_820 : i32
        %get3A_822 = arith.index_cast %add3A_821 : i32 to index
        %get3A_823 = arith.constant 32 : index
        %get3A_824 = tpu.vector_load %arg6[%get3A_822, %get3A_823] {strides = array<i32>} : memref<576x64xf32, #tpu.memory_space<vmem>>, vector<1x16xf32>,
        %get3A_825 = vector.shape_cast %get3A_824 : vector<1x16xf32> to vector<16xf32>
        %add3A_826 = arith.constant 4 : i32
        %add3A_827 = arith.addi %add3A_625, %add3A_826 : i32
        %get3A_828 = arith.index_cast %add3A_827 : i32 to index
        %get3A_829 = arith.constant 32 : index
        %get3A_830 = tpu.vector_load %arg6[%get3A_828, %get3A_829] {strides = array<i32>} : memref<576x64xf32, #tpu.memory_space<vmem>>, vector<1x16xf32>,
        %get3A_831 = vector.shape_cast %get3A_830 : vector<1x16xf32> to vector<16xf32>
        %add3A_832 = arith.constant 5 : i32
        %add3A_833 = arith.addi %add3A_625, %add3A_832 : i32
        %get3A_834 = arith.index_cast %add3A_833 : i32 to index
        %get3A_835 = arith.constant 32 : index
        %get3A_836 = tpu.vector_load %arg6[%get3A_834, %get3A_835] {strides = array<i32>} : memref<576x64xf32, #tpu.memory_space<vmem>>, vector<1x16xf32>,
        %get3A_837 = vector.shape_cast %get3A_836 : vector<1x16xf32> to vector<16xf32>
        %add3A_838 = arith.constant 6 : i32
        %add3A_839 = arith.addi %add3A_625, %add3A_838 : i32
        %get3A_840 = arith.index_cast %add3A_839 : i32 to index
        %get3A_841 = arith.constant 32 : index
        %get3A_842 = tpu.vector_load %arg6[%get3A_840, %get3A_841] {strides = array<i32>} : memref<576x64xf32, #tpu.memory_space<vmem>>, vector<1x16xf32>,
        %get3A_843 = vector.shape_cast %get3A_842 : vector<1x16xf32> to vector<16xf32>
        %add3A_844 = arith.constant 7 : i32
        %add3A_845 = arith.addi %add3A_625, %add3A_844 : i32
        %get3A_846 = arith.index_cast %add3A_845 : i32 to index
        %get3A_847 = arith.constant 32 : index
        %get3A_848 = tpu.vector_load %arg6[%get3A_846, %get3A_847] {strides = array<i32>} : memref<576x64xf32, #tpu.memory_space<vmem>>, vector<1x16xf32>,
        %get3A_849 = vector.shape_cast %get3A_848 : vector<1x16xf32> to vector<16xf32>
        %add3A_850 = arith.constant 8 : i32
        %add3A_851 = arith.addi %add3A_625, %add3A_850 : i32
        %get3A_852 = arith.index_cast %add3A_851 : i32 to index
        %get3A_853 = arith.constant 32 : index
        %get3A_854 = tpu.vector_load %arg6[%get3A_852, %get3A_853] {strides = array<i32>} : memref<576x64xf32, #tpu.memory_space<vmem>>, vector<1x16xf32>,
        %get3A_855 = vector.shape_cast %get3A_854 : vector<1x16xf32> to vector<16xf32>
        %add3A_856 = arith.constant 9 : i32
        %add3A_857 = arith.addi %add3A_625, %add3A_856 : i32
        %get3A_858 = arith.index_cast %add3A_857 : i32 to index
        %get3A_859 = arith.constant 32 : index
        %get3A_860 = tpu.vector_load %arg6[%get3A_858, %get3A_859] {strides = array<i32>} : memref<576x64xf32, #tpu.memory_space<vmem>>, vector<1x16xf32>,
        %get3A_861 = vector.shape_cast %get3A_860 : vector<1x16xf32> to vector<16xf32>
        %add3A_862 = arith.constant 10 : i32
        %add3A_863 = arith.addi %add3A_625, %add3A_862 : i32
        %get3A_864 = arith.index_cast %add3A_863 : i32 to index
        %get3A_865 = arith.constant 32 : index
        %get3A_866 = tpu.vector_load %arg6[%get3A_864, %get3A_865] {strides = array<i32>} : memref<576x64xf32, #tpu.memory_space<vmem>>, vector<1x16xf32>,
        %get3A_867 = vector.shape_cast %get3A_866 : vector<1x16xf32> to vector<16xf32>
        %add3A_868 = arith.constant 11 : i32
        %add3A_869 = arith.addi %add3A_625, %add3A_868 : i32
        %get3A_870 = arith.index_cast %add3A_869 : i32 to index
        %get3A_871 = arith.constant 32 : index
        %get3A_872 = tpu.vector_load %arg6[%get3A_870, %get3A_871] {strides = array<i32>} : memref<576x64xf32, #tpu.memory_space<vmem>>, vector<1x16xf32>,
        %get3A_873 = vector.shape_cast %get3A_872 : vector<1x16xf32> to vector<16xf32>
        %add3A_874 = arith.addf %get3A_807, %get3A_813 : vector<16xf32>
        %add3A_875 = arith.addf %get3A_819, %get3A_825 : vector<16xf32>
        %add3A_876 = arith.addf %get3A_831, %get3A_837 : vector<16xf32>
        %add3A_877 = arith.addf %get3A_843, %get3A_849 : vector<16xf32>
        %add3A_878 = arith.addf %get3A_855, %get3A_861 : vector<16xf32>
        %add3A_879 = arith.addf %get3A_867, %get3A_873 : vector<16xf32>
        %add3A_880 = arith.addf %add3A_874, %add3A_875 : vector<16xf32>
        %add3A_881 = arith.addf %add3A_876, %add3A_877 : vector<16xf32>
        %add3A_882 = arith.addf %add3A_878, %add3A_879 : vector<16xf32>
        %add3A_883 = arith.addf %add3A_880, %add3A_881 : vector<16xf32>
        %add3A_884 = arith.addf %add3A_883, %add3A_882 : vector<16xf32>
        %swap3A_885 = arith.index_cast %add3A_267 : i32 to index
        %swap3A_886 = arith.constant 96 : index
        %swap3A_887 = tpu.vector_load %arg8[%swap3A_885, %swap3A_886] {strides = array<i32>} : memref<24x128xf32, #tpu.memory_space<vmem>>, vector<1x16xf32>,
        %swap3A_888 = vector.shape_cast %swap3A_887 : vector<1x16xf32> to vector<16xf32>
        %swap3A_889 = vector.shape_cast %add3A_884 : vector<16xf32> to vector<1x16xf32>
        tpu.vector_store %arg8[%swap3A_885, %swap3A_886], %swap3A_889 {strides = array<i32>} : memref<24x128xf32, #tpu.memory_space<vmem>>, vector<1x16xf32>,
        %add3A_890 = arith.constant 0 : i32
        %add3A_891 = arith.addi %add3A_625, %add3A_890 : i32
        %get3A_892 = arith.index_cast %add3A_891 : i32 to index
        %get3A_893 = arith.constant 48 : index
        %get3A_894 = tpu.vector_load %arg6[%get3A_892, %get3A_893] {strides = array<i32>} : memref<576x64xf32, #tpu.memory_space<vmem>>, vector<1x16xf32>,
        %get3A_895 = vector.shape_cast %get3A_894 : vector<1x16xf32> to vector<16xf32>
        %add3A_896 = arith.constant 1 : i32
        %add3A_897 = arith.addi %add3A_625, %add3A_896 : i32
        %get3A_898 = arith.index_cast %add3A_897 : i32 to index
        %get3A_899 = arith.constant 48 : index
        %get3A_900 = tpu.vector_load %arg6[%get3A_898, %get3A_899] {strides = array<i32>} : memref<576x64xf32, #tpu.memory_space<vmem>>, vector<1x16xf32>,
        %get3A_901 = vector.shape_cast %get3A_900 : vector<1x16xf32> to vector<16xf32>
        %add3A_902 = arith.constant 2 : i32
        %add3A_903 = arith.addi %add3A_625, %add3A_902 : i32
        %get3A_904 = arith.index_cast %add3A_903 : i32 to index
        %get3A_905 = arith.constant 48 : index
        %get3A_906 = tpu.vector_load %arg6[%get3A_904, %get3A_905] {strides = array<i32>} : memref<576x64xf32, #tpu.memory_space<vmem>>, vector<1x16xf32>,
        %get3A_907 = vector.shape_cast %get3A_906 : vector<1x16xf32> to vector<16xf32>
        %add3A_908 = arith.constant 3 : i32
        %add3A_909 = arith.addi %add3A_625, %add3A_908 : i32
        %get3A_910 = arith.index_cast %add3A_909 : i32 to index
        %get3A_911 = arith.constant 48 : index
        %get3A_912 = tpu.vector_load %arg6[%get3A_910, %get3A_911] {strides = array<i32>} : memref<576x64xf32, #tpu.memory_space<vmem>>, vector<1x16xf32>,
        %get3A_913 = vector.shape_cast %get3A_912 : vector<1x16xf32> to vector<16xf32>
        %add3A_914 = arith.constant 4 : i32
        %add3A_915 = arith.addi %add3A_625, %add3A_914 : i32
        %get3A_916 = arith.index_cast %add3A_915 : i32 to index
        %get3A_917 = arith.constant 48 : index
        %get3A_918 = tpu.vector_load %arg6[%get3A_916, %get3A_917] {strides = array<i32>} : memref<576x64xf32, #tpu.memory_space<vmem>>, vector<1x16xf32>,
        %get3A_919 = vector.shape_cast %get3A_918 : vector<1x16xf32> to vector<16xf32>
        %add3A_920 = arith.constant 5 : i32
        %add3A_921 = arith.addi %add3A_625, %add3A_920 : i32
        %get3A_922 = arith.index_cast %add3A_921 : i32 to index
        %get3A_923 = arith.constant 48 : index
        %get3A_924 = tpu.vector_load %arg6[%get3A_922, %get3A_923] {strides = array<i32>} : memref<576x64xf32, #tpu.memory_space<vmem>>, vector<1x16xf32>,
        %get3A_925 = vector.shape_cast %get3A_924 : vector<1x16xf32> to vector<16xf32>
        %add3A_926 = arith.constant 6 : i32
        %add3A_927 = arith.addi %add3A_625, %add3A_926 : i32
        %get3A_928 = arith.index_cast %add3A_927 : i32 to index
        %get3A_929 = arith.constant 48 : index
        %get3A_930 = tpu.vector_load %arg6[%get3A_928, %get3A_929] {strides = array<i32>} : memref<576x64xf32, #tpu.memory_space<vmem>>, vector<1x16xf32>,
        %get3A_931 = vector.shape_cast %get3A_930 : vector<1x16xf32> to vector<16xf32>
        %add3A_932 = arith.constant 7 : i32
        %add3A_933 = arith.addi %add3A_625, %add3A_932 : i32
        %get3A_934 = arith.index_cast %add3A_933 : i32 to index
        %get3A_935 = arith.constant 48 : index
        %get3A_936 = tpu.vector_load %arg6[%get3A_934, %get3A_935] {strides = array<i32>} : memref<576x64xf32, #tpu.memory_space<vmem>>, vector<1x16xf32>,
        %get3A_937 = vector.shape_cast %get3A_936 : vector<1x16xf32> to vector<16xf32>
        %add3A_938 = arith.constant 8 : i32
        %add3A_939 = arith.addi %add3A_625, %add3A_938 : i32
        %get3A_940 = arith.index_cast %add3A_939 : i32 to index
        %get3A_941 = arith.constant 48 : index
        %get3A_942 = tpu.vector_load %arg6[%get3A_940, %get3A_941] {strides = array<i32>} : memref<576x64xf32, #tpu.memory_space<vmem>>, vector<1x16xf32>,
        %get3A_943 = vector.shape_cast %get3A_942 : vector<1x16xf32> to vector<16xf32>
        %add3A_944 = arith.constant 9 : i32
        %add3A_945 = arith.addi %add3A_625, %add3A_944 : i32
        %get3A_946 = arith.index_cast %add3A_945 : i32 to index
        %get3A_947 = arith.constant 48 : index
        %get3A_948 = tpu.vector_load %arg6[%get3A_946, %get3A_947] {strides = array<i32>} : memref<576x64xf32, #tpu.memory_space<vmem>>, vector<1x16xf32>,
        %get3A_949 = vector.shape_cast %get3A_948 : vector<1x16xf32> to vector<16xf32>
        %add3A_950 = arith.constant 10 : i32
        %add3A_951 = arith.addi %add3A_625, %add3A_950 : i32
        %get3A_952 = arith.index_cast %add3A_951 : i32 to index
        %get3A_953 = arith.constant 48 : index
        %get3A_954 = tpu.vector_load %arg6[%get3A_952, %get3A_953] {strides = array<i32>} : memref<576x64xf32, #tpu.memory_space<vmem>>, vector<1x16xf32>,
        %get3A_955 = vector.shape_cast %get3A_954 : vector<1x16xf32> to vector<16xf32>
        %add3A_956 = arith.constant 11 : i32
        %add3A_957 = arith.addi %add3A_625, %add3A_956 : i32
        %get3A_958 = arith.index_cast %add3A_957 : i32 to index
        %get3A_959 = arith.constant 48 : index
        %get3A_960 = tpu.vector_load %arg6[%get3A_958, %get3A_959] {strides = array<i32>} : memref<576x64xf32, #tpu.memory_space<vmem>>, vector<1x16xf32>,
        %get3A_961 = vector.shape_cast %get3A_960 : vector<1x16xf32> to vector<16xf32>
        %add3A_962 = arith.addf %get3A_895, %get3A_901 : vector<16xf32>
        %add3A_963 = arith.addf %get3A_907, %get3A_913 : vector<16xf32>
        %add3A_964 = arith.addf %get3A_919, %get3A_925 : vector<16xf32>
        %add3A_965 = arith.addf %get3A_931, %get3A_937 : vector<16xf32>
        %add3A_966 = arith.addf %get3A_943, %get3A_949 : vector<16xf32>
        %add3A_967 = arith.addf %get3A_955, %get3A_961 : vector<16xf32>
        %add3A_968 = arith.addf %add3A_962, %add3A_963 : vector<16xf32>
        %add3A_969 = arith.addf %add3A_964, %add3A_965 : vector<16xf32>
        %add3A_970 = arith.addf %add3A_966, %add3A_967 : vector<16xf32>
        %add3A_971 = arith.addf %add3A_968, %add3A_969 : vector<16xf32>
        %add3A_972 = arith.addf %add3A_971, %add3A_970 : vector<16xf32>
        %swap3A_973 = arith.index_cast %add3A_267 : i32 to index
        %swap3A_974 = arith.constant 112 : index
        %swap3A_975 = tpu.vector_load %arg8[%swap3A_973, %swap3A_974] {strides = array<i32>} : memref<24x128xf32, #tpu.memory_space<vmem>>, vector<1x16xf32>,
        %swap3A_976 = vector.shape_cast %swap3A_975 : vector<1x16xf32> to vector<16xf32>
        %swap3A_977 = vector.shape_cast %add3A_972 : vector<16xf32> to vector<1x16xf32>
        tpu.vector_store %arg8[%swap3A_973, %swap3A_974], %swap3A_977 {strides = array<i32>} : memref<24x128xf32, #tpu.memory_space<vmem>>, vector<1x16xf32>,
      }
      %scan3A_188 = arith.constant 24 : i32
      %mul3A_189 = arith.constant 24 : i32
      %mul3A_190 = arith.muli %mul3A_91, %mul3A_189 : i32
      %add3A_191 = arith.addi %add3A_24, %mul3A_190 : i32
      %dma_start3A_192 = arith.constant 0 : i32
      %dma_start3A_193 = tpu.memref_slice %arg4[%add3A_191, %dma_start3A_192] : memref<12288x128xf32, #tpu.memory_space<hbm>> -> memref<24x128xf32, #tpu.memory_space<hbm>>
      %dma_start3A_194 = arith.constant 0 : i32
      %dma_start3A_195 = tpu.memref_slice %arg4[%add3A_191, %dma_start3A_194] : memref<12288x128xf32, #tpu.memory_space<hbm>> -> memref<24x128xf32, #tpu.memory_space<hbm>>
      tpu.enqueue_dma source(%arg8 : memref<24x128xf32, #tpu.memory_space<vmem>>) target(%dma_start3A_195 : memref<24x128xf32, #tpu.memory_space<hbm>>) target_semaphore(%arg12 : memref<!tpu.dma_semaphore, #tpu.memory_space<semaphore_mem>>)
      %add3A_196 = arith.constant 1 : i32
      %add3A_197 = arith.addi %add3A_93, %add3A_196 : i32
      %lt3A = arith.constant 16 : i32
      %lt3A_198 = arith.cmpi slt, %add3A_197, %lt3A : i32
      %convert_element_type3A_199 = arith.extui %lt3A_198 : i1 to i32
      %cond3A_200 = arith.constant 0 : i32
      %cond3A_201 = arith.cmpi ne, %convert_element_type3A_199, %cond3A_200 : i32
      scf.if %cond3A_201 {
        %add3A_263 = arith.constant 1 : i32
        %add3A_264 = arith.addi %add3A_93, %add3A_263 : i32
        %mul3A_265 = arith.constant 288 : i32
        %mul3A_266 = arith.muli %add3A_264, %mul3A_265 : i32
        %mul3A_267 = arith.constant 288 : i32
        %mul3A_268 = arith.muli %add3A_264, %mul3A_267 : i32
        %add3A_269 = arith.constant 144 : i32
        %add3A_270 = arith.addi %mul3A_268, %add3A_269 : i32
        %mul3A_271 = arith.constant 288 : i32
        %mul3A_272 = arith.muli %add3A_264, %mul3A_271 : i32
        %add3A_273 = arith.constant 4608 : i32
        %add3A_274 = arith.addi %add3A_273, %mul3A_272 : i32
        %mul3A_275 = arith.constant 288 : i32
        %mul3A_276 = arith.muli %add3A_264, %mul3A_275 : i32
        %add3A_277 = arith.constant 4608 : i32
        %add3A_278 = arith.addi %add3A_277, %mul3A_276 : i32
        %add3A_279 = arith.constant 144 : i32
        %add3A_280 = arith.addi %add3A_278, %add3A_279 : i32
        %dma_start3A_281 = arith.constant 0 : i32
        %dma_start3A_282 = arith.constant 0 : i32
        %dma_start3A_283 = tpu.memref_slice %arg6[%dma_start3A_281, %dma_start3A_282] : memref<576x64xf32, #tpu.memory_space<vmem>> -> memref<144x64xf32, #tpu.memory_space<vmem>>
        %dma_start3A_284 = tpu.memref_slice %arg5[%mul3A_266] : memref<9216xi32, #tpu.memory_space<vmem>> -> memref<144xi32, #tpu.memory_space<vmem>>
        %dma_start3A_285 = arith.constant 0 : i32
        %dma_start3A_286 = arith.constant 0 : i32
        %dma_start3A_287 = tpu.memref_slice %arg2[%dma_start3A_285, %dma_start3A_286] : memref<57344x64xf32, #tpu.memory_space<hbm>> -> memref<57344x64xf32, #tpu.memory_space<hbm>>
        tpu.enqueue_indirect_dma source(%dma_start3A_287 : memref<57344x64xf32, #tpu.memory_space<hbm>>) target(%dma_start3A_283 : memref<144x64xf32, #tpu.memory_space<vmem>>) offsets(%dma_start3A_284 : memref<144xi32, #tpu.memory_space<vmem>>) semaphore(%arg10 : memref<!tpu.dma_semaphore, #tpu.memory_space<semaphore_mem>>)
        %dma_start3A_288 = arith.constant 144 : i32
        %dma_start3A_289 = arith.constant 0 : i32
        %dma_start3A_290 = tpu.memref_slice %arg6[%dma_start3A_288, %dma_start3A_289] : memref<576x64xf32, #tpu.memory_space<vmem>> -> memref<144x64xf32, #tpu.memory_space<vmem>>
        %dma_start3A_291 = tpu.memref_slice %arg5[%add3A_270] : memref<9216xi32, #tpu.memory_space<vmem>> -> memref<144xi32, #tpu.memory_space<vmem>>
        %dma_start3A_292 = arith.constant 0 : i32
        %dma_start3A_293 = arith.constant 0 : i32
        %dma_start3A_294 = tpu.memref_slice %arg2[%dma_start3A_292, %dma_start3A_293] : memref<57344x64xf32, #tpu.memory_space<hbm>> -> memref<57344x64xf32, #tpu.memory_space<hbm>>
        tpu.enqueue_indirect_dma source(%dma_start3A_294 : memref<57344x64xf32, #tpu.memory_space<hbm>>) target(%dma_start3A_290 : memref<144x64xf32, #tpu.memory_space<vmem>>) offsets(%dma_start3A_291 : memref<144xi32, #tpu.memory_space<vmem>>) semaphore(%arg10 : memref<!tpu.dma_semaphore, #tpu.memory_space<semaphore_mem>>)
        %dma_start3A_295 = arith.constant 288 : i32
        %dma_start3A_296 = arith.constant 0 : i32
        %dma_start3A_297 = tpu.memref_slice %arg6[%dma_start3A_295, %dma_start3A_296] : memref<576x64xf32, #tpu.memory_space<vmem>> -> memref<144x64xf32, #tpu.memory_space<vmem>>
        %dma_start3A_298 = tpu.memref_slice %arg5[%add3A_274] : memref<9216xi32, #tpu.memory_space<vmem>> -> memref<144xi32, #tpu.memory_space<vmem>>
        %dma_start3A_299 = arith.constant 0 : i32
        %dma_start3A_300 = arith.constant 0 : i32
        %dma_start3A_301 = tpu.memref_slice %arg2[%dma_start3A_299, %dma_start3A_300] : memref<57344x64xf32, #tpu.memory_space<hbm>> -> memref<57344x64xf32, #tpu.memory_space<hbm>>
        tpu.enqueue_indirect_dma source(%dma_start3A_301 : memref<57344x64xf32, #tpu.memory_space<hbm>>) target(%dma_start3A_297 : memref<144x64xf32, #tpu.memory_space<vmem>>) offsets(%dma_start3A_298 : memref<144xi32, #tpu.memory_space<vmem>>) semaphore(%arg10 : memref<!tpu.dma_semaphore, #tpu.memory_space<semaphore_mem>>)
        %dma_start3A_302 = arith.constant 432 : i32
        %dma_start3A_303 = arith.constant 0 : i32
        %dma_start3A_304 = tpu.memref_slice %arg6[%dma_start3A_302, %dma_start3A_303] : memref<576x64xf32, #tpu.memory_space<vmem>> -> memref<144x64xf32, #tpu.memory_space<vmem>>
        %dma_start3A_305 = tpu.memref_slice %arg5[%add3A_280] : memref<9216xi32, #tpu.memory_space<vmem>> -> memref<144xi32, #tpu.memory_space<vmem>>
        %dma_start3A_306 = arith.constant 0 : i32
        %dma_start3A_307 = arith.constant 0 : i32
        %dma_start3A_308 = tpu.memref_slice %arg2[%dma_start3A_306, %dma_start3A_307] : memref<57344x64xf32, #tpu.memory_space<hbm>> -> memref<57344x64xf32, #tpu.memory_space<hbm>>
        tpu.enqueue_indirect_dma source(%dma_start3A_308 : memref<57344x64xf32, #tpu.memory_space<hbm>>) target(%dma_start3A_304 : memref<144x64xf32, #tpu.memory_space<vmem>>) offsets(%dma_start3A_305 : memref<144xi32, #tpu.memory_space<vmem>>) semaphore(%arg10 : memref<!tpu.dma_semaphore, #tpu.memory_space<semaphore_mem>>)
      } else {
      }
      %mul3A_202 = arith.constant 288 : i32
      %mul3A_203 = arith.muli %add3A_93, %mul3A_202 : i32
      %mul3A_204 = arith.constant 288 : i32
      %mul3A_205 = arith.muli %add3A_93, %mul3A_204 : i32
      %add3A_206 = arith.constant 144 : i32
      %add3A_207 = arith.addi %mul3A_205, %add3A_206 : i32
      %mul3A_208 = arith.constant 288 : i32
      %mul3A_209 = arith.muli %add3A_93, %mul3A_208 : i32
      %add3A_210 = arith.constant 4608 : i32
      %add3A_211 = arith.addi %add3A_210, %mul3A_209 : i32
      %mul3A_212 = arith.constant 288 : i32
      %mul3A_213 = arith.muli %add3A_93, %mul3A_212 : i32
      %add3A_214 = arith.constant 4608 : i32
      %add3A_215 = arith.addi %add3A_214, %mul3A_213 : i32
      %add3A_216 = arith.constant 144 : i32
      %add3A_217 = arith.addi %add3A_215, %add3A_216 : i32
      %dma_wait3A_218 = arith.constant 0 : i32
      %dma_wait3A_219 = arith.constant 0 : i32
      %dma_wait3A_220 = tpu.memref_slice %arg7[%dma_wait3A_218, %dma_wait3A_219] : memref<576x64xf32, #tpu.memory_space<vmem>> -> memref<144x64xf32, #tpu.memory_space<vmem>>
      %dma_wait3A_221 = tpu.memref_slice %arg5[%mul3A_203] : memref<9216xi32, #tpu.memory_space<vmem>> -> memref<144xi32, #tpu.memory_space<vmem>>
      %dma_wait3A_222 = arith.constant 0 : i32
      %dma_wait3A_223 = arith.constant 0 : i32
      %dma_wait3A_224 = tpu.memref_slice %arg2[%dma_wait3A_222, %dma_wait3A_223] : memref<57344x64xf32, #tpu.memory_space<hbm>> -> memref<57344x64xf32, #tpu.memory_space<hbm>>
      tpu.wait_indirect_dma semaphore(%arg11 : memref<!tpu.dma_semaphore, #tpu.memory_space<semaphore_mem>>) src(%dma_wait3A_224 : memref<57344x64xf32, #tpu.memory_space<hbm>>) dst(%dma_wait3A_220 : memref<144x64xf32, #tpu.memory_space<vmem>>)
      %dma_wait3A_225 = arith.constant 144 : i32
      %dma_wait3A_226 = arith.constant 0 : i32
      %dma_wait3A_227 = tpu.memref_slice %arg7[%dma_wait3A_225, %dma_wait3A_226] : memref<576x64xf32, #tpu.memory_space<vmem>> -> memref<144x64xf32, #tpu.memory_space<vmem>>
      %dma_wait3A_228 = tpu.memref_slice %arg5[%add3A_207] : memref<9216xi32, #tpu.memory_space<vmem>> -> memref<144xi32, #tpu.memory_space<vmem>>
      %dma_wait3A_229 = arith.constant 0 : i32
      %dma_wait3A_230 = arith.constant 0 : i32
      %dma_wait3A_231 = tpu.memref_slice %arg2[%dma_wait3A_229, %dma_wait3A_230] : memref<57344x64xf32, #tpu.memory_space<hbm>> -> memref<57344x64xf32, #tpu.memory_space<hbm>>
      tpu.wait_indirect_dma semaphore(%arg11 : memref<!tpu.dma_semaphore, #tpu.memory_space<semaphore_mem>>) src(%dma_wait3A_231 : memref<57344x64xf32, #tpu.memory_space<hbm>>) dst(%dma_wait3A_227 : memref<144x64xf32, #tpu.memory_space<vmem>>)
      %dma_wait3A_232 = arith.constant 288 : i32
      %dma_wait3A_233 = arith.constant 0 : i32
      %dma_wait3A_234 = tpu.memref_slice %arg7[%dma_wait3A_232, %dma_wait3A_233] : memref<576x64xf32, #tpu.memory_space<vmem>> -> memref<144x64xf32, #tpu.memory_space<vmem>>
      %dma_wait3A_235 = tpu.memref_slice %arg5[%add3A_211] : memref<9216xi32, #tpu.memory_space<vmem>> -> memref<144xi32, #tpu.memory_space<vmem>>
      %dma_wait3A_236 = arith.constant 0 : i32
      %dma_wait3A_237 = arith.constant 0 : i32
      %dma_wait3A_238 = tpu.memref_slice %arg2[%dma_wait3A_236, %dma_wait3A_237] : memref<57344x64xf32, #tpu.memory_space<hbm>> -> memref<57344x64xf32, #tpu.memory_space<hbm>>
      tpu.wait_indirect_dma semaphore(%arg11 : memref<!tpu.dma_semaphore, #tpu.memory_space<semaphore_mem>>) src(%dma_wait3A_238 : memref<57344x64xf32, #tpu.memory_space<hbm>>) dst(%dma_wait3A_234 : memref<144x64xf32, #tpu.memory_space<vmem>>)
      %dma_wait3A_239 = arith.constant 432 : i32
      %dma_wait3A_240 = arith.constant 0 : i32
      %dma_wait3A_241 = tpu.memref_slice %arg7[%dma_wait3A_239, %dma_wait3A_240] : memref<576x64xf32, #tpu.memory_space<vmem>> -> memref<144x64xf32, #tpu.memory_space<vmem>>
      %dma_wait3A_242 = tpu.memref_slice %arg5[%add3A_217] : memref<9216xi32, #tpu.memory_space<vmem>> -> memref<144xi32, #tpu.memory_space<vmem>>
      %dma_wait3A_243 = arith.constant 0 : i32
      %dma_wait3A_244 = arith.constant 0 : i32
      %dma_wait3A_245 = tpu.memref_slice %arg2[%dma_wait3A_243, %dma_wait3A_244] : memref<57344x64xf32, #tpu.memory_space<hbm>> -> memref<57344x64xf32, #tpu.memory_space<hbm>>
      tpu.wait_indirect_dma semaphore(%arg11 : memref<!tpu.dma_semaphore, #tpu.memory_space<semaphore_mem>>) src(%dma_wait3A_245 : memref<57344x64xf32, #tpu.memory_space<hbm>>) dst(%dma_wait3A_241 : memref<144x64xf32, #tpu.memory_space<vmem>>)
      %gt3A_246 = arith.constant 0 : i32
      %gt3A_247 = arith.cmpi sgt, %add3A_89, %gt3A_246 : i32
      %convert_element_type3A_248 = arith.extui %gt3A_247 : i1 to i32
      %cond3A_249 = arith.constant 0 : i32
      %cond3A_250 = arith.cmpi ne, %convert_element_type3A_248, %cond3A_249 : i32
      scf.if %cond3A_250 {
        %sub3A_263 = arith.constant 2 : i32
        %sub3A_264 = arith.subi %add3A_93, %sub3A_263 : i32
        %mul3A_265 = arith.constant 24 : i32
        %mul3A_266 = arith.muli %sub3A_264, %mul3A_265 : i32
        %add3A_267 = arith.addi %add3A_24, %mul3A_266 : i32
        %dma_wait3A_268 = arith.constant 0 : i32
        %dma_wait3A_269 = tpu.memref_slice %arg4[%add3A_267, %dma_wait3A_268] : memref<12288x128xf32, #tpu.memory_space<hbm>> -> memref<24x128xf32, #tpu.memory_space<hbm>>
        %dma_wait3A_270 = arith.constant 0 : i32
        %dma_wait3A_271 = tpu.memref_slice %arg4[%add3A_267, %dma_wait3A_270] : memref<12288x128xf32, #tpu.memory_space<hbm>> -> memref<24x128xf32, #tpu.memory_space<hbm>>
        tpu.wait_dma2 semaphore(%arg13 : memref<!tpu.dma_semaphore, #tpu.memory_space<semaphore_mem>>) src(%arg9 : memref<24x128xf32, #tpu.memory_space<vmem>>) dst(%dma_wait3A_271 : memref<24x128xf32, #tpu.memory_space<hbm>>)
      } else {
      }
      %scan3A_251 = arith.constant 0 : i32
      %scan3A_252 = arith.constant 24 : i32
      %scan3A_253 = arith.addi %scan3A_251, %scan3A_252 : i32
      %scan3A_254 = arith.constant 1 : i32
      scf.for %scan3A_263 = %scan3A_251 to %scan3A_253 step %scan3A_254  : i32 {
        %mul3A_264 = arith.constant 1 : i32
        %mul3A_265 = arith.muli %scan3A_263, %mul3A_264 : i32
        %add3A_266 = arith.constant 0 : i32
        %add3A_267 = arith.addi %add3A_266, %mul3A_265 : i32
        %mul3A_268 = arith.constant 12 : i32
        %mul3A_269 = arith.muli %add3A_267, %mul3A_268 : i32
        %add3A_270 = arith.constant 0 : i32
        %add3A_271 = arith.addi %add3A_270, %mul3A_269 : i32
        %add3A_272 = arith.constant 0 : i32
        %add3A_273 = arith.addi %add3A_271, %add3A_272 : i32
        %get3A = arith.index_cast %add3A_273 : i32 to index
        %get3A_274 = arith.constant 0 : index
        %get3A_275 = tpu.vector_load %arg7[%get3A, %get3A_274] {strides = array<i32>} : memref<576x64xf32, #tpu.memory_space<vmem>>, vector<1x16xf32>,
        %get3A_276 = vector.shape_cast %get3A_275 : vector<1x16xf32> to vector<16xf32>
        %add3A_277 = arith.constant 1 : i32
        %add3A_278 = arith.addi %add3A_271, %add3A_277 : i32
        %get3A_279 = arith.index_cast %add3A_278 : i32 to index
        %get3A_280 = arith.constant 0 : index
        %get3A_281 = tpu.vector_load %arg7[%get3A_279, %get3A_280] {strides = array<i32>} : memref<576x64xf32, #tpu.memory_space<vmem>>, vector<1x16xf32>,
        %get3A_282 = vector.shape_cast %get3A_281 : vector<1x16xf32> to vector<16xf32>
        %add3A_283 = arith.constant 2 : i32
        %add3A_284 = arith.addi %add3A_271, %add3A_283 : i32
        %get3A_285 = arith.index_cast %add3A_284 : i32 to index
        %get3A_286 = arith.constant 0 : index
        %get3A_287 = tpu.vector_load %arg7[%get3A_285, %get3A_286] {strides = array<i32>} : memref<576x64xf32, #tpu.memory_space<vmem>>, vector<1x16xf32>,
        %get3A_288 = vector.shape_cast %get3A_287 : vector<1x16xf32> to vector<16xf32>
        %add3A_289 = arith.constant 3 : i32
        %add3A_290 = arith.addi %add3A_271, %add3A_289 : i32
        %get3A_291 = arith.index_cast %add3A_290 : i32 to index
        %get3A_292 = arith.constant 0 : index
        %get3A_293 = tpu.vector_load %arg7[%get3A_291, %get3A_292] {strides = array<i32>} : memref<576x64xf32, #tpu.memory_space<vmem>>, vector<1x16xf32>,
        %get3A_294 = vector.shape_cast %get3A_293 : vector<1x16xf32> to vector<16xf32>
        %add3A_295 = arith.constant 4 : i32
        %add3A_296 = arith.addi %add3A_271, %add3A_295 : i32
        %get3A_297 = arith.index_cast %add3A_296 : i32 to index
        %get3A_298 = arith.constant 0 : index
        %get3A_299 = tpu.vector_load %arg7[%get3A_297, %get3A_298] {strides = array<i32>} : memref<576x64xf32, #tpu.memory_space<vmem>>, vector<1x16xf32>,
        %get3A_300 = vector.shape_cast %get3A_299 : vector<1x16xf32> to vector<16xf32>
        %add3A_301 = arith.constant 5 : i32
        %add3A_302 = arith.addi %add3A_271, %add3A_301 : i32
        %get3A_303 = arith.index_cast %add3A_302 : i32 to index
        %get3A_304 = arith.constant 0 : index
        %get3A_305 = tpu.vector_load %arg7[%get3A_303, %get3A_304] {strides = array<i32>} : memref<576x64xf32, #tpu.memory_space<vmem>>, vector<1x16xf32>,
        %get3A_306 = vector.shape_cast %get3A_305 : vector<1x16xf32> to vector<16xf32>
        %add3A_307 = arith.constant 6 : i32
        %add3A_308 = arith.addi %add3A_271, %add3A_307 : i32
        %get3A_309 = arith.index_cast %add3A_308 : i32 to index
        %get3A_310 = arith.constant 0 : index
        %get3A_311 = tpu.vector_load %arg7[%get3A_309, %get3A_310] {strides = array<i32>} : memref<576x64xf32, #tpu.memory_space<vmem>>, vector<1x16xf32>,
        %get3A_312 = vector.shape_cast %get3A_311 : vector<1x16xf32> to vector<16xf32>
        %add3A_313 = arith.constant 7 : i32
        %add3A_314 = arith.addi %add3A_271, %add3A_313 : i32
        %get3A_315 = arith.index_cast %add3A_314 : i32 to index
        %get3A_316 = arith.constant 0 : index
        %get3A_317 = tpu.vector_load %arg7[%get3A_315, %get3A_316] {strides = array<i32>} : memref<576x64xf32, #tpu.memory_space<vmem>>, vector<1x16xf32>,
        %get3A_318 = vector.shape_cast %get3A_317 : vector<1x16xf32> to vector<16xf32>
        %add3A_319 = arith.constant 8 : i32
        %add3A_320 = arith.addi %add3A_271, %add3A_319 : i32
        %get3A_321 = arith.index_cast %add3A_320 : i32 to index
        %get3A_322 = arith.constant 0 : index
        %get3A_323 = tpu.vector_load %arg7[%get3A_321, %get3A_322] {strides = array<i32>} : memref<576x64xf32, #tpu.memory_space<vmem>>, vector<1x16xf32>,
        %get3A_324 = vector.shape_cast %get3A_323 : vector<1x16xf32> to vector<16xf32>
        %add3A_325 = arith.constant 9 : i32
        %add3A_326 = arith.addi %add3A_271, %add3A_325 : i32
        %get3A_327 = arith.index_cast %add3A_326 : i32 to index
        %get3A_328 = arith.constant 0 : index
        %get3A_329 = tpu.vector_load %arg7[%get3A_327, %get3A_328] {strides = array<i32>} : memref<576x64xf32, #tpu.memory_space<vmem>>, vector<1x16xf32>,
        %get3A_330 = vector.shape_cast %get3A_329 : vector<1x16xf32> to vector<16xf32>
        %add3A_331 = arith.constant 10 : i32
        %add3A_332 = arith.addi %add3A_271, %add3A_331 : i32
        %get3A_333 = arith.index_cast %add3A_332 : i32 to index
        %get3A_334 = arith.constant 0 : index
        %get3A_335 = tpu.vector_load %arg7[%get3A_333, %get3A_334] {strides = array<i32>} : memref<576x64xf32, #tpu.memory_space<vmem>>, vector<1x16xf32>,
        %get3A_336 = vector.shape_cast %get3A_335 : vector<1x16xf32> to vector<16xf32>
        %add3A_337 = arith.constant 11 : i32
        %add3A_338 = arith.addi %add3A_271, %add3A_337 : i32
        %get3A_339 = arith.index_cast %add3A_338 : i32 to index
        %get3A_340 = arith.constant 0 : index
        %get3A_341 = tpu.vector_load %arg7[%get3A_339, %get3A_340] {strides = array<i32>} : memref<576x64xf32, #tpu.memory_space<vmem>>, vector<1x16xf32>,
        %get3A_342 = vector.shape_cast %get3A_341 : vector<1x16xf32> to vector<16xf32>
        %add3A_343 = arith.addf %get3A_276, %get3A_282 : vector<16xf32>
        %add3A_344 = arith.addf %get3A_288, %get3A_294 : vector<16xf32>
        %add3A_345 = arith.addf %get3A_300, %get3A_306 : vector<16xf32>
        %add3A_346 = arith.addf %get3A_312, %get3A_318 : vector<16xf32>
        %add3A_347 = arith.addf %get3A_324, %get3A_330 : vector<16xf32>
        %add3A_348 = arith.addf %get3A_336, %get3A_342 : vector<16xf32>
        %add3A_349 = arith.addf %add3A_343, %add3A_344 : vector<16xf32>
        %add3A_350 = arith.addf %add3A_345, %add3A_346 : vector<16xf32>
        %add3A_351 = arith.addf %add3A_347, %add3A_348 : vector<16xf32>
        %add3A_352 = arith.addf %add3A_349, %add3A_350 : vector<16xf32>
        %add3A_353 = arith.addf %add3A_352, %add3A_351 : vector<16xf32>
        %swap3A = arith.index_cast %add3A_267 : i32 to index
        %swap3A_354 = arith.constant 0 : index
        %swap3A_355 = tpu.vector_load %arg9[%swap3A, %swap3A_354] {strides = array<i32>} : memref<24x128xf32, #tpu.memory_space<vmem>>, vector<1x16xf32>,
        %swap3A_356 = vector.shape_cast %swap3A_355 : vector<1x16xf32> to vector<16xf32>
        %swap3A_357 = vector.shape_cast %add3A_353 : vector<16xf32> to vector<1x16xf32>
        tpu.vector_store %arg9[%swap3A, %swap3A_354], %swap3A_357 {strides = array<i32>} : memref<24x128xf32, #tpu.memory_space<vmem>>, vector<1x16xf32>,
        %add3A_358 = arith.constant 0 : i32
        %add3A_359 = arith.addi %add3A_271, %add3A_358 : i32
        %get3A_360 = arith.index_cast %add3A_359 : i32 to index
        %get3A_361 = arith.constant 16 : index
        %get3A_362 = tpu.vector_load %arg7[%get3A_360, %get3A_361] {strides = array<i32>} : memref<576x64xf32, #tpu.memory_space<vmem>>, vector<1x16xf32>,
        %get3A_363 = vector.shape_cast %get3A_362 : vector<1x16xf32> to vector<16xf32>
        %add3A_364 = arith.constant 1 : i32
        %add3A_365 = arith.addi %add3A_271, %add3A_364 : i32
        %get3A_366 = arith.index_cast %add3A_365 : i32 to index
        %get3A_367 = arith.constant 16 : index
        %get3A_368 = tpu.vector_load %arg7[%get3A_366, %get3A_367] {strides = array<i32>} : memref<576x64xf32, #tpu.memory_space<vmem>>, vector<1x16xf32>,
        %get3A_369 = vector.shape_cast %get3A_368 : vector<1x16xf32> to vector<16xf32>
        %add3A_370 = arith.constant 2 : i32
        %add3A_371 = arith.addi %add3A_271, %add3A_370 : i32
        %get3A_372 = arith.index_cast %add3A_371 : i32 to index
        %get3A_373 = arith.constant 16 : index
        %get3A_374 = tpu.vector_load %arg7[%get3A_372, %get3A_373] {strides = array<i32>} : memref<576x64xf32, #tpu.memory_space<vmem>>, vector<1x16xf32>,
        %get3A_375 = vector.shape_cast %get3A_374 : vector<1x16xf32> to vector<16xf32>
        %add3A_376 = arith.constant 3 : i32
        %add3A_377 = arith.addi %add3A_271, %add3A_376 : i32
        %get3A_378 = arith.index_cast %add3A_377 : i32 to index
        %get3A_379 = arith.constant 16 : index
        %get3A_380 = tpu.vector_load %arg7[%get3A_378, %get3A_379] {strides = array<i32>} : memref<576x64xf32, #tpu.memory_space<vmem>>, vector<1x16xf32>,
        %get3A_381 = vector.shape_cast %get3A_380 : vector<1x16xf32> to vector<16xf32>
        %add3A_382 = arith.constant 4 : i32
        %add3A_383 = arith.addi %add3A_271, %add3A_382 : i32
        %get3A_384 = arith.index_cast %add3A_383 : i32 to index
        %get3A_385 = arith.constant 16 : index
        %get3A_386 = tpu.vector_load %arg7[%get3A_384, %get3A_385] {strides = array<i32>} : memref<576x64xf32, #tpu.memory_space<vmem>>, vector<1x16xf32>,
        %get3A_387 = vector.shape_cast %get3A_386 : vector<1x16xf32> to vector<16xf32>
        %add3A_388 = arith.constant 5 : i32
        %add3A_389 = arith.addi %add3A_271, %add3A_388 : i32
        %get3A_390 = arith.index_cast %add3A_389 : i32 to index
        %get3A_391 = arith.constant 16 : index
        %get3A_392 = tpu.vector_load %arg7[%get3A_390, %get3A_391] {strides = array<i32>} : memref<576x64xf32, #tpu.memory_space<vmem>>, vector<1x16xf32>,
        %get3A_393 = vector.shape_cast %get3A_392 : vector<1x16xf32> to vector<16xf32>
        %add3A_394 = arith.constant 6 : i32
        %add3A_395 = arith.addi %add3A_271, %add3A_394 : i32
        %get3A_396 = arith.index_cast %add3A_395 : i32 to index
        %get3A_397 = arith.constant 16 : index
        %get3A_398 = tpu.vector_load %arg7[%get3A_396, %get3A_397] {strides = array<i32>} : memref<576x64xf32, #tpu.memory_space<vmem>>, vector<1x16xf32>,
        %get3A_399 = vector.shape_cast %get3A_398 : vector<1x16xf32> to vector<16xf32>
        %add3A_400 = arith.constant 7 : i32
        %add3A_401 = arith.addi %add3A_271, %add3A_400 : i32
        %get3A_402 = arith.index_cast %add3A_401 : i32 to index
        %get3A_403 = arith.constant 16 : index
        %get3A_404 = tpu.vector_load %arg7[%get3A_402, %get3A_403] {strides = array<i32>} : memref<576x64xf32, #tpu.memory_space<vmem>>, vector<1x16xf32>,
        %get3A_405 = vector.shape_cast %get3A_404 : vector<1x16xf32> to vector<16xf32>
        %add3A_406 = arith.constant 8 : i32
        %add3A_407 = arith.addi %add3A_271, %add3A_406 : i32
        %get3A_408 = arith.index_cast %add3A_407 : i32 to index
        %get3A_409 = arith.constant 16 : index
        %get3A_410 = tpu.vector_load %arg7[%get3A_408, %get3A_409] {strides = array<i32>} : memref<576x64xf32, #tpu.memory_space<vmem>>, vector<1x16xf32>,
        %get3A_411 = vector.shape_cast %get3A_410 : vector<1x16xf32> to vector<16xf32>
        %add3A_412 = arith.constant 9 : i32
        %add3A_413 = arith.addi %add3A_271, %add3A_412 : i32
        %get3A_414 = arith.index_cast %add3A_413 : i32 to index
        %get3A_415 = arith.constant 16 : index
        %get3A_416 = tpu.vector_load %arg7[%get3A_414, %get3A_415] {strides = array<i32>} : memref<576x64xf32, #tpu.memory_space<vmem>>, vector<1x16xf32>,
        %get3A_417 = vector.shape_cast %get3A_416 : vector<1x16xf32> to vector<16xf32>
        %add3A_418 = arith.constant 10 : i32
        %add3A_419 = arith.addi %add3A_271, %add3A_418 : i32
        %get3A_420 = arith.index_cast %add3A_419 : i32 to index
        %get3A_421 = arith.constant 16 : index
        %get3A_422 = tpu.vector_load %arg7[%get3A_420, %get3A_421] {strides = array<i32>} : memref<576x64xf32, #tpu.memory_space<vmem>>, vector<1x16xf32>,
        %get3A_423 = vector.shape_cast %get3A_422 : vector<1x16xf32> to vector<16xf32>
        %add3A_424 = arith.constant 11 : i32
        %add3A_425 = arith.addi %add3A_271, %add3A_424 : i32
        %get3A_426 = arith.index_cast %add3A_425 : i32 to index
        %get3A_427 = arith.constant 16 : index
        %get3A_428 = tpu.vector_load %arg7[%get3A_426, %get3A_427] {strides = array<i32>} : memref<576x64xf32, #tpu.memory_space<vmem>>, vector<1x16xf32>,
        %get3A_429 = vector.shape_cast %get3A_428 : vector<1x16xf32> to vector<16xf32>
        %add3A_430 = arith.addf %get3A_363, %get3A_369 : vector<16xf32>
        %add3A_431 = arith.addf %get3A_375, %get3A_381 : vector<16xf32>
        %add3A_432 = arith.addf %get3A_387, %get3A_393 : vector<16xf32>
        %add3A_433 = arith.addf %get3A_399, %get3A_405 : vector<16xf32>
        %add3A_434 = arith.addf %get3A_411, %get3A_417 : vector<16xf32>
        %add3A_435 = arith.addf %get3A_423, %get3A_429 : vector<16xf32>
        %add3A_436 = arith.addf %add3A_430, %add3A_431 : vector<16xf32>
        %add3A_437 = arith.addf %add3A_432, %add3A_433 : vector<16xf32>
        %add3A_438 = arith.addf %add3A_434, %add3A_435 : vector<16xf32>
        %add3A_439 = arith.addf %add3A_436, %add3A_437 : vector<16xf32>
        %add3A_440 = arith.addf %add3A_439, %add3A_438 : vector<16xf32>
        %swap3A_441 = arith.index_cast %add3A_267 : i32 to index
        %swap3A_442 = arith.constant 16 : index
        %swap3A_443 = tpu.vector_load %arg9[%swap3A_441, %swap3A_442] {strides = array<i32>} : memref<24x128xf32, #tpu.memory_space<vmem>>, vector<1x16xf32>,
        %swap3A_444 = vector.shape_cast %swap3A_443 : vector<1x16xf32> to vector<16xf32>
        %swap3A_445 = vector.shape_cast %add3A_440 : vector<16xf32> to vector<1x16xf32>
        tpu.vector_store %arg9[%swap3A_441, %swap3A_442], %swap3A_445 {strides = array<i32>} : memref<24x128xf32, #tpu.memory_space<vmem>>, vector<1x16xf32>,
        %add3A_446 = arith.constant 0 : i32
        %add3A_447 = arith.addi %add3A_271, %add3A_446 : i32
        %get3A_448 = arith.index_cast %add3A_447 : i32 to index
        %get3A_449 = arith.constant 32 : index
        %get3A_450 = tpu.vector_load %arg7[%get3A_448, %get3A_449] {strides = array<i32>} : memref<576x64xf32, #tpu.memory_space<vmem>>, vector<1x16xf32>,
        %get3A_451 = vector.shape_cast %get3A_450 : vector<1x16xf32> to vector<16xf32>
        %add3A_452 = arith.constant 1 : i32
        %add3A_453 = arith.addi %add3A_271, %add3A_452 : i32
        %get3A_454 = arith.index_cast %add3A_453 : i32 to index
        %get3A_455 = arith.constant 32 : index
        %get3A_456 = tpu.vector_load %arg7[%get3A_454, %get3A_455] {strides = array<i32>} : memref<576x64xf32, #tpu.memory_space<vmem>>, vector<1x16xf32>,
        %get3A_457 = vector.shape_cast %get3A_456 : vector<1x16xf32> to vector<16xf32>
        %add3A_458 = arith.constant 2 : i32
        %add3A_459 = arith.addi %add3A_271, %add3A_458 : i32
        %get3A_460 = arith.index_cast %add3A_459 : i32 to index
        %get3A_461 = arith.constant 32 : index
        %get3A_462 = tpu.vector_load %arg7[%get3A_460, %get3A_461] {strides = array<i32>} : memref<576x64xf32, #tpu.memory_space<vmem>>, vector<1x16xf32>,
        %get3A_463 = vector.shape_cast %get3A_462 : vector<1x16xf32> to vector<16xf32>
        %add3A_464 = arith.constant 3 : i32
        %add3A_465 = arith.addi %add3A_271, %add3A_464 : i32
        %get3A_466 = arith.index_cast %add3A_465 : i32 to index
        %get3A_467 = arith.constant 32 : index
        %get3A_468 = tpu.vector_load %arg7[%get3A_466, %get3A_467] {strides = array<i32>} : memref<576x64xf32, #tpu.memory_space<vmem>>, vector<1x16xf32>,
        %get3A_469 = vector.shape_cast %get3A_468 : vector<1x16xf32> to vector<16xf32>
        %add3A_470 = arith.constant 4 : i32
        %add3A_471 = arith.addi %add3A_271, %add3A_470 : i32
        %get3A_472 = arith.index_cast %add3A_471 : i32 to index
        %get3A_473 = arith.constant 32 : index
        %get3A_474 = tpu.vector_load %arg7[%get3A_472, %get3A_473] {strides = array<i32>} : memref<576x64xf32, #tpu.memory_space<vmem>>, vector<1x16xf32>,
        %get3A_475 = vector.shape_cast %get3A_474 : vector<1x16xf32> to vector<16xf32>
        %add3A_476 = arith.constant 5 : i32
        %add3A_477 = arith.addi %add3A_271, %add3A_476 : i32
        %get3A_478 = arith.index_cast %add3A_477 : i32 to index
        %get3A_479 = arith.constant 32 : index
        %get3A_480 = tpu.vector_load %arg7[%get3A_478, %get3A_479] {strides = array<i32>} : memref<576x64xf32, #tpu.memory_space<vmem>>, vector<1x16xf32>,
        %get3A_481 = vector.shape_cast %get3A_480 : vector<1x16xf32> to vector<16xf32>
        %add3A_482 = arith.constant 6 : i32
        %add3A_483 = arith.addi %add3A_271, %add3A_482 : i32
        %get3A_484 = arith.index_cast %add3A_483 : i32 to index
        %get3A_485 = arith.constant 32 : index
        %get3A_486 = tpu.vector_load %arg7[%get3A_484, %get3A_485] {strides = array<i32>} : memref<576x64xf32, #tpu.memory_space<vmem>>, vector<1x16xf32>,
        %get3A_487 = vector.shape_cast %get3A_486 : vector<1x16xf32> to vector<16xf32>
        %add3A_488 = arith.constant 7 : i32
        %add3A_489 = arith.addi %add3A_271, %add3A_488 : i32
        %get3A_490 = arith.index_cast %add3A_489 : i32 to index
        %get3A_491 = arith.constant 32 : index
        %get3A_492 = tpu.vector_load %arg7[%get3A_490, %get3A_491] {strides = array<i32>} : memref<576x64xf32, #tpu.memory_space<vmem>>, vector<1x16xf32>,
        %get3A_493 = vector.shape_cast %get3A_492 : vector<1x16xf32> to vector<16xf32>
        %add3A_494 = arith.constant 8 : i32
        %add3A_495 = arith.addi %add3A_271, %add3A_494 : i32
        %get3A_496 = arith.index_cast %add3A_495 : i32 to index
        %get3A_497 = arith.constant 32 : index
        %get3A_498 = tpu.vector_load %arg7[%get3A_496, %get3A_497] {strides = array<i32>} : memref<576x64xf32, #tpu.memory_space<vmem>>, vector<1x16xf32>,
        %get3A_499 = vector.shape_cast %get3A_498 : vector<1x16xf32> to vector<16xf32>
        %add3A_500 = arith.constant 9 : i32
        %add3A_501 = arith.addi %add3A_271, %add3A_500 : i32
        %get3A_502 = arith.index_cast %add3A_501 : i32 to index
        %get3A_503 = arith.constant 32 : index
        %get3A_504 = tpu.vector_load %arg7[%get3A_502, %get3A_503] {strides = array<i32>} : memref<576x64xf32, #tpu.memory_space<vmem>>, vector<1x16xf32>,
        %get3A_505 = vector.shape_cast %get3A_504 : vector<1x16xf32> to vector<16xf32>
        %add3A_506 = arith.constant 10 : i32
        %add3A_507 = arith.addi %add3A_271, %add3A_506 : i32
        %get3A_508 = arith.index_cast %add3A_507 : i32 to index
        %get3A_509 = arith.constant 32 : index
        %get3A_510 = tpu.vector_load %arg7[%get3A_508, %get3A_509] {strides = array<i32>} : memref<576x64xf32, #tpu.memory_space<vmem>>, vector<1x16xf32>,
        %get3A_511 = vector.shape_cast %get3A_510 : vector<1x16xf32> to vector<16xf32>
        %add3A_512 = arith.constant 11 : i32
        %add3A_513 = arith.addi %add3A_271, %add3A_512 : i32
        %get3A_514 = arith.index_cast %add3A_513 : i32 to index
        %get3A_515 = arith.constant 32 : index
        %get3A_516 = tpu.vector_load %arg7[%get3A_514, %get3A_515] {strides = array<i32>} : memref<576x64xf32, #tpu.memory_space<vmem>>, vector<1x16xf32>,
        %get3A_517 = vector.shape_cast %get3A_516 : vector<1x16xf32> to vector<16xf32>
        %add3A_518 = arith.addf %get3A_451, %get3A_457 : vector<16xf32>
        %add3A_519 = arith.addf %get3A_463, %get3A_469 : vector<16xf32>
        %add3A_520 = arith.addf %get3A_475, %get3A_481 : vector<16xf32>
        %add3A_521 = arith.addf %get3A_487, %get3A_493 : vector<16xf32>
        %add3A_522 = arith.addf %get3A_499, %get3A_505 : vector<16xf32>
        %add3A_523 = arith.addf %get3A_511, %get3A_517 : vector<16xf32>
        %add3A_524 = arith.addf %add3A_518, %add3A_519 : vector<16xf32>
        %add3A_525 = arith.addf %add3A_520, %add3A_521 : vector<16xf32>
        %add3A_526 = arith.addf %add3A_522, %add3A_523 : vector<16xf32>
        %add3A_527 = arith.addf %add3A_524, %add3A_525 : vector<16xf32>
        %add3A_528 = arith.addf %add3A_527, %add3A_526 : vector<16xf32>
        %swap3A_529 = arith.index_cast %add3A_267 : i32 to index
        %swap3A_530 = arith.constant 32 : index
        %swap3A_531 = tpu.vector_load %arg9[%swap3A_529, %swap3A_530] {strides = array<i32>} : memref<24x128xf32, #tpu.memory_space<vmem>>, vector<1x16xf32>,
        %swap3A_532 = vector.shape_cast %swap3A_531 : vector<1x16xf32> to vector<16xf32>
        %swap3A_533 = vector.shape_cast %add3A_528 : vector<16xf32> to vector<1x16xf32>
        tpu.vector_store %arg9[%swap3A_529, %swap3A_530], %swap3A_533 {strides = array<i32>} : memref<24x128xf32, #tpu.memory_space<vmem>>, vector<1x16xf32>,
        %add3A_534 = arith.constant 0 : i32
        %add3A_535 = arith.addi %add3A_271, %add3A_534 : i32
        %get3A_536 = arith.index_cast %add3A_535 : i32 to index
        %get3A_537 = arith.constant 48 : index
        %get3A_538 = tpu.vector_load %arg7[%get3A_536, %get3A_537] {strides = array<i32>} : memref<576x64xf32, #tpu.memory_space<vmem>>, vector<1x16xf32>,
        %get3A_539 = vector.shape_cast %get3A_538 : vector<1x16xf32> to vector<16xf32>
        %add3A_540 = arith.constant 1 : i32
        %add3A_541 = arith.addi %add3A_271, %add3A_540 : i32
        %get3A_542 = arith.index_cast %add3A_541 : i32 to index
        %get3A_543 = arith.constant 48 : index
        %get3A_544 = tpu.vector_load %arg7[%get3A_542, %get3A_543] {strides = array<i32>} : memref<576x64xf32, #tpu.memory_space<vmem>>, vector<1x16xf32>,
        %get3A_545 = vector.shape_cast %get3A_544 : vector<1x16xf32> to vector<16xf32>
        %add3A_546 = arith.constant 2 : i32
        %add3A_547 = arith.addi %add3A_271, %add3A_546 : i32
        %get3A_548 = arith.index_cast %add3A_547 : i32 to index
        %get3A_549 = arith.constant 48 : index
        %get3A_550 = tpu.vector_load %arg7[%get3A_548, %get3A_549] {strides = array<i32>} : memref<576x64xf32, #tpu.memory_space<vmem>>, vector<1x16xf32>,
        %get3A_551 = vector.shape_cast %get3A_550 : vector<1x16xf32> to vector<16xf32>
        %add3A_552 = arith.constant 3 : i32
        %add3A_553 = arith.addi %add3A_271, %add3A_552 : i32
        %get3A_554 = arith.index_cast %add3A_553 : i32 to index
        %get3A_555 = arith.constant 48 : index
        %get3A_556 = tpu.vector_load %arg7[%get3A_554, %get3A_555] {strides = array<i32>} : memref<576x64xf32, #tpu.memory_space<vmem>>, vector<1x16xf32>,
        %get3A_557 = vector.shape_cast %get3A_556 : vector<1x16xf32> to vector<16xf32>
        %add3A_558 = arith.constant 4 : i32
        %add3A_559 = arith.addi %add3A_271, %add3A_558 : i32
        %get3A_560 = arith.index_cast %add3A_559 : i32 to index
        %get3A_561 = arith.constant 48 : index
        %get3A_562 = tpu.vector_load %arg7[%get3A_560, %get3A_561] {strides = array<i32>} : memref<576x64xf32, #tpu.memory_space<vmem>>, vector<1x16xf32>,
        %get3A_563 = vector.shape_cast %get3A_562 : vector<1x16xf32> to vector<16xf32>
        %add3A_564 = arith.constant 5 : i32
        %add3A_565 = arith.addi %add3A_271, %add3A_564 : i32
        %get3A_566 = arith.index_cast %add3A_565 : i32 to index
        %get3A_567 = arith.constant 48 : index
        %get3A_568 = tpu.vector_load %arg7[%get3A_566, %get3A_567] {strides = array<i32>} : memref<576x64xf32, #tpu.memory_space<vmem>>, vector<1x16xf32>,
        %get3A_569 = vector.shape_cast %get3A_568 : vector<1x16xf32> to vector<16xf32>
        %add3A_570 = arith.constant 6 : i32
        %add3A_571 = arith.addi %add3A_271, %add3A_570 : i32
        %get3A_572 = arith.index_cast %add3A_571 : i32 to index
        %get3A_573 = arith.constant 48 : index
        %get3A_574 = tpu.vector_load %arg7[%get3A_572, %get3A_573] {strides = array<i32>} : memref<576x64xf32, #tpu.memory_space<vmem>>, vector<1x16xf32>,
        %get3A_575 = vector.shape_cast %get3A_574 : vector<1x16xf32> to vector<16xf32>
        %add3A_576 = arith.constant 7 : i32
        %add3A_577 = arith.addi %add3A_271, %add3A_576 : i32
        %get3A_578 = arith.index_cast %add3A_577 : i32 to index
        %get3A_579 = arith.constant 48 : index
        %get3A_580 = tpu.vector_load %arg7[%get3A_578, %get3A_579] {strides = array<i32>} : memref<576x64xf32, #tpu.memory_space<vmem>>, vector<1x16xf32>,
        %get3A_581 = vector.shape_cast %get3A_580 : vector<1x16xf32> to vector<16xf32>
        %add3A_582 = arith.constant 8 : i32
        %add3A_583 = arith.addi %add3A_271, %add3A_582 : i32
        %get3A_584 = arith.index_cast %add3A_583 : i32 to index
        %get3A_585 = arith.constant 48 : index
        %get3A_586 = tpu.vector_load %arg7[%get3A_584, %get3A_585] {strides = array<i32>} : memref<576x64xf32, #tpu.memory_space<vmem>>, vector<1x16xf32>,
        %get3A_587 = vector.shape_cast %get3A_586 : vector<1x16xf32> to vector<16xf32>
        %add3A_588 = arith.constant 9 : i32
        %add3A_589 = arith.addi %add3A_271, %add3A_588 : i32
        %get3A_590 = arith.index_cast %add3A_589 : i32 to index
        %get3A_591 = arith.constant 48 : index
        %get3A_592 = tpu.vector_load %arg7[%get3A_590, %get3A_591] {strides = array<i32>} : memref<576x64xf32, #tpu.memory_space<vmem>>, vector<1x16xf32>,
        %get3A_593 = vector.shape_cast %get3A_592 : vector<1x16xf32> to vector<16xf32>
        %add3A_594 = arith.constant 10 : i32
        %add3A_595 = arith.addi %add3A_271, %add3A_594 : i32
        %get3A_596 = arith.index_cast %add3A_595 : i32 to index
        %get3A_597 = arith.constant 48 : index
        %get3A_598 = tpu.vector_load %arg7[%get3A_596, %get3A_597] {strides = array<i32>} : memref<576x64xf32, #tpu.memory_space<vmem>>, vector<1x16xf32>,
        %get3A_599 = vector.shape_cast %get3A_598 : vector<1x16xf32> to vector<16xf32>
        %add3A_600 = arith.constant 11 : i32
        %add3A_601 = arith.addi %add3A_271, %add3A_600 : i32
        %get3A_602 = arith.index_cast %add3A_601 : i32 to index
        %get3A_603 = arith.constant 48 : index
        %get3A_604 = tpu.vector_load %arg7[%get3A_602, %get3A_603] {strides = array<i32>} : memref<576x64xf32, #tpu.memory_space<vmem>>, vector<1x16xf32>,
        %get3A_605 = vector.shape_cast %get3A_604 : vector<1x16xf32> to vector<16xf32>
        %add3A_606 = arith.addf %get3A_539, %get3A_545 : vector<16xf32>
        %add3A_607 = arith.addf %get3A_551, %get3A_557 : vector<16xf32>
        %add3A_608 = arith.addf %get3A_563, %get3A_569 : vector<16xf32>
        %add3A_609 = arith.addf %get3A_575, %get3A_581 : vector<16xf32>
        %add3A_610 = arith.addf %get3A_587, %get3A_593 : vector<16xf32>
        %add3A_611 = arith.addf %get3A_599, %get3A_605 : vector<16xf32>
        %add3A_612 = arith.addf %add3A_606, %add3A_607 : vector<16xf32>
        %add3A_613 = arith.addf %add3A_608, %add3A_609 : vector<16xf32>
        %add3A_614 = arith.addf %add3A_610, %add3A_611 : vector<16xf32>
        %add3A_615 = arith.addf %add3A_612, %add3A_613 : vector<16xf32>
        %add3A_616 = arith.addf %add3A_615, %add3A_614 : vector<16xf32>
        %swap3A_617 = arith.index_cast %add3A_267 : i32 to index
        %swap3A_618 = arith.constant 48 : index
        %swap3A_619 = tpu.vector_load %arg9[%swap3A_617, %swap3A_618] {strides = array<i32>} : memref<24x128xf32, #tpu.memory_space<vmem>>, vector<1x16xf32>,
        %swap3A_620 = vector.shape_cast %swap3A_619 : vector<1x16xf32> to vector<16xf32>
        %swap3A_621 = vector.shape_cast %add3A_616 : vector<16xf32> to vector<1x16xf32>
        tpu.vector_store %arg9[%swap3A_617, %swap3A_618], %swap3A_621 {strides = array<i32>} : memref<24x128xf32, #tpu.memory_space<vmem>>, vector<1x16xf32>,
        %mul3A_622 = arith.constant 12 : i32
        %mul3A_623 = arith.muli %add3A_267, %mul3A_622 : i32
        %add3A_624 = arith.constant 288 : i32
        %add3A_625 = arith.addi %add3A_624, %mul3A_623 : i32
        %add3A_626 = arith.constant 0 : i32
        %add3A_627 = arith.addi %add3A_625, %add3A_626 : i32
        %get3A_628 = arith.index_cast %add3A_627 : i32 to index
        %get3A_629 = arith.constant 0 : index
        %get3A_630 = tpu.vector_load %arg7[%get3A_628, %get3A_629] {strides = array<i32>} : memref<576x64xf32, #tpu.memory_space<vmem>>, vector<1x16xf32>,
        %get3A_631 = vector.shape_cast %get3A_630 : vector<1x16xf32> to vector<16xf32>
        %add3A_632 = arith.constant 1 : i32
        %add3A_633 = arith.addi %add3A_625, %add3A_632 : i32
        %get3A_634 = arith.index_cast %add3A_633 : i32 to index
        %get3A_635 = arith.constant 0 : index
        %get3A_636 = tpu.vector_load %arg7[%get3A_634, %get3A_635] {strides = array<i32>} : memref<576x64xf32, #tpu.memory_space<vmem>>, vector<1x16xf32>,
        %get3A_637 = vector.shape_cast %get3A_636 : vector<1x16xf32> to vector<16xf32>
        %add3A_638 = arith.constant 2 : i32
        %add3A_639 = arith.addi %add3A_625, %add3A_638 : i32
        %get3A_640 = arith.index_cast %add3A_639 : i32 to index
        %get3A_641 = arith.constant 0 : index
        %get3A_642 = tpu.vector_load %arg7[%get3A_640, %get3A_641] {strides = array<i32>} : memref<576x64xf32, #tpu.memory_space<vmem>>, vector<1x16xf32>,
        %get3A_643 = vector.shape_cast %get3A_642 : vector<1x16xf32> to vector<16xf32>
        %add3A_644 = arith.constant 3 : i32
        %add3A_645 = arith.addi %add3A_625, %add3A_644 : i32
        %get3A_646 = arith.index_cast %add3A_645 : i32 to index
        %get3A_647 = arith.constant 0 : index
        %get3A_648 = tpu.vector_load %arg7[%get3A_646, %get3A_647] {strides = array<i32>} : memref<576x64xf32, #tpu.memory_space<vmem>>, vector<1x16xf32>,
        %get3A_649 = vector.shape_cast %get3A_648 : vector<1x16xf32> to vector<16xf32>
        %add3A_650 = arith.constant 4 : i32
        %add3A_651 = arith.addi %add3A_625, %add3A_650 : i32
        %get3A_652 = arith.index_cast %add3A_651 : i32 to index
        %get3A_653 = arith.constant 0 : index
        %get3A_654 = tpu.vector_load %arg7[%get3A_652, %get3A_653] {strides = array<i32>} : memref<576x64xf32, #tpu.memory_space<vmem>>, vector<1x16xf32>,
        %get3A_655 = vector.shape_cast %get3A_654 : vector<1x16xf32> to vector<16xf32>
        %add3A_656 = arith.constant 5 : i32
        %add3A_657 = arith.addi %add3A_625, %add3A_656 : i32
        %get3A_658 = arith.index_cast %add3A_657 : i32 to index
        %get3A_659 = arith.constant 0 : index
        %get3A_660 = tpu.vector_load %arg7[%get3A_658, %get3A_659] {strides = array<i32>} : memref<576x64xf32, #tpu.memory_space<vmem>>, vector<1x16xf32>,
        %get3A_661 = vector.shape_cast %get3A_660 : vector<1x16xf32> to vector<16xf32>
        %add3A_662 = arith.constant 6 : i32
        %add3A_663 = arith.addi %add3A_625, %add3A_662 : i32
        %get3A_664 = arith.index_cast %add3A_663 : i32 to index
        %get3A_665 = arith.constant 0 : index
        %get3A_666 = tpu.vector_load %arg7[%get3A_664, %get3A_665] {strides = array<i32>} : memref<576x64xf32, #tpu.memory_space<vmem>>, vector<1x16xf32>,
        %get3A_667 = vector.shape_cast %get3A_666 : vector<1x16xf32> to vector<16xf32>
        %add3A_668 = arith.constant 7 : i32
        %add3A_669 = arith.addi %add3A_625, %add3A_668 : i32
        %get3A_670 = arith.index_cast %add3A_669 : i32 to index
        %get3A_671 = arith.constant 0 : index
        %get3A_672 = tpu.vector_load %arg7[%get3A_670, %get3A_671] {strides = array<i32>} : memref<576x64xf32, #tpu.memory_space<vmem>>, vector<1x16xf32>,
        %get3A_673 = vector.shape_cast %get3A_672 : vector<1x16xf32> to vector<16xf32>
        %add3A_674 = arith.constant 8 : i32
        %add3A_675 = arith.addi %add3A_625, %add3A_674 : i32
        %get3A_676 = arith.index_cast %add3A_675 : i32 to index
        %get3A_677 = arith.constant 0 : index
        %get3A_678 = tpu.vector_load %arg7[%get3A_676, %get3A_677] {strides = array<i32>} : memref<576x64xf32, #tpu.memory_space<vmem>>, vector<1x16xf32>,
        %get3A_679 = vector.shape_cast %get3A_678 : vector<1x16xf32> to vector<16xf32>
        %add3A_680 = arith.constant 9 : i32
        %add3A_681 = arith.addi %add3A_625, %add3A_680 : i32
        %get3A_682 = arith.index_cast %add3A_681 : i32 to index
        %get3A_683 = arith.constant 0 : index
        %get3A_684 = tpu.vector_load %arg7[%get3A_682, %get3A_683] {strides = array<i32>} : memref<576x64xf32, #tpu.memory_space<vmem>>, vector<1x16xf32>,
        %get3A_685 = vector.shape_cast %get3A_684 : vector<1x16xf32> to vector<16xf32>
        %add3A_686 = arith.constant 10 : i32
        %add3A_687 = arith.addi %add3A_625, %add3A_686 : i32
        %get3A_688 = arith.index_cast %add3A_687 : i32 to index
        %get3A_689 = arith.constant 0 : index
        %get3A_690 = tpu.vector_load %arg7[%get3A_688, %get3A_689] {strides = array<i32>} : memref<576x64xf32, #tpu.memory_space<vmem>>, vector<1x16xf32>,
        %get3A_691 = vector.shape_cast %get3A_690 : vector<1x16xf32> to vector<16xf32>
        %add3A_692 = arith.constant 11 : i32
        %add3A_693 = arith.addi %add3A_625, %add3A_692 : i32
        %get3A_694 = arith.index_cast %add3A_693 : i32 to index
        %get3A_695 = arith.constant 0 : index
        %get3A_696 = tpu.vector_load %arg7[%get3A_694, %get3A_695] {strides = array<i32>} : memref<576x64xf32, #tpu.memory_space<vmem>>, vector<1x16xf32>,
        %get3A_697 = vector.shape_cast %get3A_696 : vector<1x16xf32> to vector<16xf32>
        %add3A_698 = arith.addf %get3A_631, %get3A_637 : vector<16xf32>
        %add3A_699 = arith.addf %get3A_643, %get3A_649 : vector<16xf32>
        %add3A_700 = arith.addf %get3A_655, %get3A_661 : vector<16xf32>
        %add3A_701 = arith.addf %get3A_667, %get3A_673 : vector<16xf32>
        %add3A_702 = arith.addf %get3A_679, %get3A_685 : vector<16xf32>
        %add3A_703 = arith.addf %get3A_691, %get3A_697 : vector<16xf32>
        %add3A_704 = arith.addf %add3A_698, %add3A_699 : vector<16xf32>
        %add3A_705 = arith.addf %add3A_700, %add3A_701 : vector<16xf32>
        %add3A_706 = arith.addf %add3A_702, %add3A_703 : vector<16xf32>
        %add3A_707 = arith.addf %add3A_704, %add3A_705 : vector<16xf32>
        %add3A_708 = arith.addf %add3A_707, %add3A_706 : vector<16xf32>
        %swap3A_709 = arith.index_cast %add3A_267 : i32 to index
        %swap3A_710 = arith.constant 64 : index
        %swap3A_711 = tpu.vector_load %arg9[%swap3A_709, %swap3A_710] {strides = array<i32>} : memref<24x128xf32, #tpu.memory_space<vmem>>, vector<1x16xf32>,
        %swap3A_712 = vector.shape_cast %swap3A_711 : vector<1x16xf32> to vector<16xf32>
        %swap3A_713 = vector.shape_cast %add3A_708 : vector<16xf32> to vector<1x16xf32>
        tpu.vector_store %arg9[%swap3A_709, %swap3A_710], %swap3A_713 {strides = array<i32>} : memref<24x128xf32, #tpu.memory_space<vmem>>, vector<1x16xf32>,
        %add3A_714 = arith.constant 0 : i32
        %add3A_715 = arith.addi %add3A_625, %add3A_714 : i32
        %get3A_716 = arith.index_cast %add3A_715 : i32 to index
        %get3A_717 = arith.constant 16 : index
        %get3A_718 = tpu.vector_load %arg7[%get3A_716, %get3A_717] {strides = array<i32>} : memref<576x64xf32, #tpu.memory_space<vmem>>, vector<1x16xf32>,
        %get3A_719 = vector.shape_cast %get3A_718 : vector<1x16xf32> to vector<16xf32>
        %add3A_720 = arith.constant 1 : i32
        %add3A_721 = arith.addi %add3A_625, %add3A_720 : i32
        %get3A_722 = arith.index_cast %add3A_721 : i32 to index
        %get3A_723 = arith.constant 16 : index
        %get3A_724 = tpu.vector_load %arg7[%get3A_722, %get3A_723] {strides = array<i32>} : memref<576x64xf32, #tpu.memory_space<vmem>>, vector<1x16xf32>,
        %get3A_725 = vector.shape_cast %get3A_724 : vector<1x16xf32> to vector<16xf32>
        %add3A_726 = arith.constant 2 : i32
        %add3A_727 = arith.addi %add3A_625, %add3A_726 : i32
        %get3A_728 = arith.index_cast %add3A_727 : i32 to index
        %get3A_729 = arith.constant 16 : index
        %get3A_730 = tpu.vector_load %arg7[%get3A_728, %get3A_729] {strides = array<i32>} : memref<576x64xf32, #tpu.memory_space<vmem>>, vector<1x16xf32>,
        %get3A_731 = vector.shape_cast %get3A_730 : vector<1x16xf32> to vector<16xf32>
        %add3A_732 = arith.constant 3 : i32
        %add3A_733 = arith.addi %add3A_625, %add3A_732 : i32
        %get3A_734 = arith.index_cast %add3A_733 : i32 to index
        %get3A_735 = arith.constant 16 : index
        %get3A_736 = tpu.vector_load %arg7[%get3A_734, %get3A_735] {strides = array<i32>} : memref<576x64xf32, #tpu.memory_space<vmem>>, vector<1x16xf32>,
        %get3A_737 = vector.shape_cast %get3A_736 : vector<1x16xf32> to vector<16xf32>
        %add3A_738 = arith.constant 4 : i32
        %add3A_739 = arith.addi %add3A_625, %add3A_738 : i32
        %get3A_740 = arith.index_cast %add3A_739 : i32 to index
        %get3A_741 = arith.constant 16 : index
        %get3A_742 = tpu.vector_load %arg7[%get3A_740, %get3A_741] {strides = array<i32>} : memref<576x64xf32, #tpu.memory_space<vmem>>, vector<1x16xf32>,
        %get3A_743 = vector.shape_cast %get3A_742 : vector<1x16xf32> to vector<16xf32>
        %add3A_744 = arith.constant 5 : i32
        %add3A_745 = arith.addi %add3A_625, %add3A_744 : i32
        %get3A_746 = arith.index_cast %add3A_745 : i32 to index
        %get3A_747 = arith.constant 16 : index
        %get3A_748 = tpu.vector_load %arg7[%get3A_746, %get3A_747] {strides = array<i32>} : memref<576x64xf32, #tpu.memory_space<vmem>>, vector<1x16xf32>,
        %get3A_749 = vector.shape_cast %get3A_748 : vector<1x16xf32> to vector<16xf32>
        %add3A_750 = arith.constant 6 : i32
        %add3A_751 = arith.addi %add3A_625, %add3A_750 : i32
        %get3A_752 = arith.index_cast %add3A_751 : i32 to index
        %get3A_753 = arith.constant 16 : index
        %get3A_754 = tpu.vector_load %arg7[%get3A_752, %get3A_753] {strides = array<i32>} : memref<576x64xf32, #tpu.memory_space<vmem>>, vector<1x16xf32>,
        %get3A_755 = vector.shape_cast %get3A_754 : vector<1x16xf32> to vector<16xf32>
        %add3A_756 = arith.constant 7 : i32
        %add3A_757 = arith.addi %add3A_625, %add3A_756 : i32
        %get3A_758 = arith.index_cast %add3A_757 : i32 to index
        %get3A_759 = arith.constant 16 : index
        %get3A_760 = tpu.vector_load %arg7[%get3A_758, %get3A_759] {strides = array<i32>} : memref<576x64xf32, #tpu.memory_space<vmem>>, vector<1x16xf32>,
        %get3A_761 = vector.shape_cast %get3A_760 : vector<1x16xf32> to vector<16xf32>
        %add3A_762 = arith.constant 8 : i32
        %add3A_763 = arith.addi %add3A_625, %add3A_762 : i32
        %get3A_764 = arith.index_cast %add3A_763 : i32 to index
        %get3A_765 = arith.constant 16 : index
        %get3A_766 = tpu.vector_load %arg7[%get3A_764, %get3A_765] {strides = array<i32>} : memref<576x64xf32, #tpu.memory_space<vmem>>, vector<1x16xf32>,
        %get3A_767 = vector.shape_cast %get3A_766 : vector<1x16xf32> to vector<16xf32>
        %add3A_768 = arith.constant 9 : i32
        %add3A_769 = arith.addi %add3A_625, %add3A_768 : i32
        %get3A_770 = arith.index_cast %add3A_769 : i32 to index
        %get3A_771 = arith.constant 16 : index
        %get3A_772 = tpu.vector_load %arg7[%get3A_770, %get3A_771] {strides = array<i32>} : memref<576x64xf32, #tpu.memory_space<vmem>>, vector<1x16xf32>,
        %get3A_773 = vector.shape_cast %get3A_772 : vector<1x16xf32> to vector<16xf32>
        %add3A_774 = arith.constant 10 : i32
        %add3A_775 = arith.addi %add3A_625, %add3A_774 : i32
        %get3A_776 = arith.index_cast %add3A_775 : i32 to index
        %get3A_777 = arith.constant 16 : index
        %get3A_778 = tpu.vector_load %arg7[%get3A_776, %get3A_777] {strides = array<i32>} : memref<576x64xf32, #tpu.memory_space<vmem>>, vector<1x16xf32>,
        %get3A_779 = vector.shape_cast %get3A_778 : vector<1x16xf32> to vector<16xf32>
        %add3A_780 = arith.constant 11 : i32
        %add3A_781 = arith.addi %add3A_625, %add3A_780 : i32
        %get3A_782 = arith.index_cast %add3A_781 : i32 to index
        %get3A_783 = arith.constant 16 : index
        %get3A_784 = tpu.vector_load %arg7[%get3A_782, %get3A_783] {strides = array<i32>} : memref<576x64xf32, #tpu.memory_space<vmem>>, vector<1x16xf32>,
        %get3A_785 = vector.shape_cast %get3A_784 : vector<1x16xf32> to vector<16xf32>
        %add3A_786 = arith.addf %get3A_719, %get3A_725 : vector<16xf32>
        %add3A_787 = arith.addf %get3A_731, %get3A_737 : vector<16xf32>
        %add3A_788 = arith.addf %get3A_743, %get3A_749 : vector<16xf32>
        %add3A_789 = arith.addf %get3A_755, %get3A_761 : vector<16xf32>
        %add3A_790 = arith.addf %get3A_767, %get3A_773 : vector<16xf32>
        %add3A_791 = arith.addf %get3A_779, %get3A_785 : vector<16xf32>
        %add3A_792 = arith.addf %add3A_786, %add3A_787 : vector<16xf32>
        %add3A_793 = arith.addf %add3A_788, %add3A_789 : vector<16xf32>
        %add3A_794 = arith.addf %add3A_790, %add3A_791 : vector<16xf32>
        %add3A_795 = arith.addf %add3A_792, %add3A_793 : vector<16xf32>
        %add3A_796 = arith.addf %add3A_795, %add3A_794 : vector<16xf32>
        %swap3A_797 = arith.index_cast %add3A_267 : i32 to index
        %swap3A_798 = arith.constant 80 : index
        %swap3A_799 = tpu.vector_load %arg9[%swap3A_797, %swap3A_798] {strides = array<i32>} : memref<24x128xf32, #tpu.memory_space<vmem>>, vector<1x16xf32>,
        %swap3A_800 = vector.shape_cast %swap3A_799 : vector<1x16xf32> to vector<16xf32>
        %swap3A_801 = vector.shape_cast %add3A_796 : vector<16xf32> to vector<1x16xf32>
        tpu.vector_store %arg9[%swap3A_797, %swap3A_798], %swap3A_801 {strides = array<i32>} : memref<24x128xf32, #tpu.memory_space<vmem>>, vector<1x16xf32>,
        %add3A_802 = arith.constant 0 : i32
        %add3A_803 = arith.addi %add3A_625, %add3A_802 : i32
        %get3A_804 = arith.index_cast %add3A_803 : i32 to index
        %get3A_805 = arith.constant 32 : index
        %get3A_806 = tpu.vector_load %arg7[%get3A_804, %get3A_805] {strides = array<i32>} : memref<576x64xf32, #tpu.memory_space<vmem>>, vector<1x16xf32>,
        %get3A_807 = vector.shape_cast %get3A_806 : vector<1x16xf32> to vector<16xf32>
        %add3A_808 = arith.constant 1 : i32
        %add3A_809 = arith.addi %add3A_625, %add3A_808 : i32
        %get3A_810 = arith.index_cast %add3A_809 : i32 to index
        %get3A_811 = arith.constant 32 : index
        %get3A_812 = tpu.vector_load %arg7[%get3A_810, %get3A_811] {strides = array<i32>} : memref<576x64xf32, #tpu.memory_space<vmem>>, vector<1x16xf32>,
        %get3A_813 = vector.shape_cast %get3A_812 : vector<1x16xf32> to vector<16xf32>
        %add3A_814 = arith.constant 2 : i32
        %add3A_815 = arith.addi %add3A_625, %add3A_814 : i32
        %get3A_816 = arith.index_cast %add3A_815 : i32 to index
        %get3A_817 = arith.constant 32 : index
        %get3A_818 = tpu.vector_load %arg7[%get3A_816, %get3A_817] {strides = array<i32>} : memref<576x64xf32, #tpu.memory_space<vmem>>, vector<1x16xf32>,
        %get3A_819 = vector.shape_cast %get3A_818 : vector<1x16xf32> to vector<16xf32>
        %add3A_820 = arith.constant 3 : i32
        %add3A_821 = arith.addi %add3A_625, %add3A_820 : i32
        %get3A_822 = arith.index_cast %add3A_821 : i32 to index
        %get3A_823 = arith.constant 32 : index
        %get3A_824 = tpu.vector_load %arg7[%get3A_822, %get3A_823] {strides = array<i32>} : memref<576x64xf32, #tpu.memory_space<vmem>>, vector<1x16xf32>,
        %get3A_825 = vector.shape_cast %get3A_824 : vector<1x16xf32> to vector<16xf32>
        %add3A_826 = arith.constant 4 : i32
        %add3A_827 = arith.addi %add3A_625, %add3A_826 : i32
        %get3A_828 = arith.index_cast %add3A_827 : i32 to index
        %get3A_829 = arith.constant 32 : index
        %get3A_830 = tpu.vector_load %arg7[%get3A_828, %get3A_829] {strides = array<i32>} : memref<576x64xf32, #tpu.memory_space<vmem>>, vector<1x16xf32>,
        %get3A_831 = vector.shape_cast %get3A_830 : vector<1x16xf32> to vector<16xf32>
        %add3A_832 = arith.constant 5 : i32
        %add3A_833 = arith.addi %add3A_625, %add3A_832 : i32
        %get3A_834 = arith.index_cast %add3A_833 : i32 to index
        %get3A_835 = arith.constant 32 : index
        %get3A_836 = tpu.vector_load %arg7[%get3A_834, %get3A_835] {strides = array<i32>} : memref<576x64xf32, #tpu.memory_space<vmem>>, vector<1x16xf32>,
        %get3A_837 = vector.shape_cast %get3A_836 : vector<1x16xf32> to vector<16xf32>
        %add3A_838 = arith.constant 6 : i32
        %add3A_839 = arith.addi %add3A_625, %add3A_838 : i32
        %get3A_840 = arith.index_cast %add3A_839 : i32 to index
        %get3A_841 = arith.constant 32 : index
        %get3A_842 = tpu.vector_load %arg7[%get3A_840, %get3A_841] {strides = array<i32>} : memref<576x64xf32, #tpu.memory_space<vmem>>, vector<1x16xf32>,
        %get3A_843 = vector.shape_cast %get3A_842 : vector<1x16xf32> to vector<16xf32>
        %add3A_844 = arith.constant 7 : i32
        %add3A_845 = arith.addi %add3A_625, %add3A_844 : i32
        %get3A_846 = arith.index_cast %add3A_845 : i32 to index
        %get3A_847 = arith.constant 32 : index
        %get3A_848 = tpu.vector_load %arg7[%get3A_846, %get3A_847] {strides = array<i32>} : memref<576x64xf32, #tpu.memory_space<vmem>>, vector<1x16xf32>,
        %get3A_849 = vector.shape_cast %get3A_848 : vector<1x16xf32> to vector<16xf32>
        %add3A_850 = arith.constant 8 : i32
        %add3A_851 = arith.addi %add3A_625, %add3A_850 : i32
        %get3A_852 = arith.index_cast %add3A_851 : i32 to index
        %get3A_853 = arith.constant 32 : index
        %get3A_854 = tpu.vector_load %arg7[%get3A_852, %get3A_853] {strides = array<i32>} : memref<576x64xf32, #tpu.memory_space<vmem>>, vector<1x16xf32>,
        %get3A_855 = vector.shape_cast %get3A_854 : vector<1x16xf32> to vector<16xf32>
        %add3A_856 = arith.constant 9 : i32
        %add3A_857 = arith.addi %add3A_625, %add3A_856 : i32
        %get3A_858 = arith.index_cast %add3A_857 : i32 to index
        %get3A_859 = arith.constant 32 : index
        %get3A_860 = tpu.vector_load %arg7[%get3A_858, %get3A_859] {strides = array<i32>} : memref<576x64xf32, #tpu.memory_space<vmem>>, vector<1x16xf32>,
        %get3A_861 = vector.shape_cast %get3A_860 : vector<1x16xf32> to vector<16xf32>
        %add3A_862 = arith.constant 10 : i32
        %add3A_863 = arith.addi %add3A_625, %add3A_862 : i32
        %get3A_864 = arith.index_cast %add3A_863 : i32 to index
        %get3A_865 = arith.constant 32 : index
        %get3A_866 = tpu.vector_load %arg7[%get3A_864, %get3A_865] {strides = array<i32>} : memref<576x64xf32, #tpu.memory_space<vmem>>, vector<1x16xf32>,
        %get3A_867 = vector.shape_cast %get3A_866 : vector<1x16xf32> to vector<16xf32>
        %add3A_868 = arith.constant 11 : i32
        %add3A_869 = arith.addi %add3A_625, %add3A_868 : i32
        %get3A_870 = arith.index_cast %add3A_869 : i32 to index
        %get3A_871 = arith.constant 32 : index
        %get3A_872 = tpu.vector_load %arg7[%get3A_870, %get3A_871] {strides = array<i32>} : memref<576x64xf32, #tpu.memory_space<vmem>>, vector<1x16xf32>,
        %get3A_873 = vector.shape_cast %get3A_872 : vector<1x16xf32> to vector<16xf32>
        %add3A_874 = arith.addf %get3A_807, %get3A_813 : vector<16xf32>
        %add3A_875 = arith.addf %get3A_819, %get3A_825 : vector<16xf32>
        %add3A_876 = arith.addf %get3A_831, %get3A_837 : vector<16xf32>
        %add3A_877 = arith.addf %get3A_843, %get3A_849 : vector<16xf32>
        %add3A_878 = arith.addf %get3A_855, %get3A_861 : vector<16xf32>
        %add3A_879 = arith.addf %get3A_867, %get3A_873 : vector<16xf32>
        %add3A_880 = arith.addf %add3A_874, %add3A_875 : vector<16xf32>
        %add3A_881 = arith.addf %add3A_876, %add3A_877 : vector<16xf32>
        %add3A_882 = arith.addf %add3A_878, %add3A_879 : vector<16xf32>
        %add3A_883 = arith.addf %add3A_880, %add3A_881 : vector<16xf32>
        %add3A_884 = arith.addf %add3A_883, %add3A_882 : vector<16xf32>
        %swap3A_885 = arith.index_cast %add3A_267 : i32 to index
        %swap3A_886 = arith.constant 96 : index
        %swap3A_887 = tpu.vector_load %arg9[%swap3A_885, %swap3A_886] {strides = array<i32>} : memref<24x128xf32, #tpu.memory_space<vmem>>, vector<1x16xf32>,
        %swap3A_888 = vector.shape_cast %swap3A_887 : vector<1x16xf32> to vector<16xf32>
        %swap3A_889 = vector.shape_cast %add3A_884 : vector<16xf32> to vector<1x16xf32>
        tpu.vector_store %arg9[%swap3A_885, %swap3A_886], %swap3A_889 {strides = array<i32>} : memref<24x128xf32, #tpu.memory_space<vmem>>, vector<1x16xf32>,
        %add3A_890 = arith.constant 0 : i32
        %add3A_891 = arith.addi %add3A_625, %add3A_890 : i32
        %get3A_892 = arith.index_cast %add3A_891 : i32 to index
        %get3A_893 = arith.constant 48 : index
        %get3A_894 = tpu.vector_load %arg7[%get3A_892, %get3A_893] {strides = array<i32>} : memref<576x64xf32, #tpu.memory_space<vmem>>, vector<1x16xf32>,
        %get3A_895 = vector.shape_cast %get3A_894 : vector<1x16xf32> to vector<16xf32>
        %add3A_896 = arith.constant 1 : i32
        %add3A_897 = arith.addi %add3A_625, %add3A_896 : i32
        %get3A_898 = arith.index_cast %add3A_897 : i32 to index
        %get3A_899 = arith.constant 48 : index
        %get3A_900 = tpu.vector_load %arg7[%get3A_898, %get3A_899] {strides = array<i32>} : memref<576x64xf32, #tpu.memory_space<vmem>>, vector<1x16xf32>,
        %get3A_901 = vector.shape_cast %get3A_900 : vector<1x16xf32> to vector<16xf32>
        %add3A_902 = arith.constant 2 : i32
        %add3A_903 = arith.addi %add3A_625, %add3A_902 : i32
        %get3A_904 = arith.index_cast %add3A_903 : i32 to index
        %get3A_905 = arith.constant 48 : index
        %get3A_906 = tpu.vector_load %arg7[%get3A_904, %get3A_905] {strides = array<i32>} : memref<576x64xf32, #tpu.memory_space<vmem>>, vector<1x16xf32>,
        %get3A_907 = vector.shape_cast %get3A_906 : vector<1x16xf32> to vector<16xf32>
        %add3A_908 = arith.constant 3 : i32
        %add3A_909 = arith.addi %add3A_625, %add3A_908 : i32
        %get3A_910 = arith.index_cast %add3A_909 : i32 to index
        %get3A_911 = arith.constant 48 : index
        %get3A_912 = tpu.vector_load %arg7[%get3A_910, %get3A_911] {strides = array<i32>} : memref<576x64xf32, #tpu.memory_space<vmem>>, vector<1x16xf32>,
        %get3A_913 = vector.shape_cast %get3A_912 : vector<1x16xf32> to vector<16xf32>
        %add3A_914 = arith.constant 4 : i32
        %add3A_915 = arith.addi %add3A_625, %add3A_914 : i32
        %get3A_916 = arith.index_cast %add3A_915 : i32 to index
        %get3A_917 = arith.constant 48 : index
        %get3A_918 = tpu.vector_load %arg7[%get3A_916, %get3A_917] {strides = array<i32>} : memref<576x64xf32, #tpu.memory_space<vmem>>, vector<1x16xf32>,
        %get3A_919 = vector.shape_cast %get3A_918 : vector<1x16xf32> to vector<16xf32>
        %add3A_920 = arith.constant 5 : i32
        %add3A_921 = arith.addi %add3A_625, %add3A_920 : i32
        %get3A_922 = arith.index_cast %add3A_921 : i32 to index
        %get3A_923 = arith.constant 48 : index
        %get3A_924 = tpu.vector_load %arg7[%get3A_922, %get3A_923] {strides = array<i32>} : memref<576x64xf32, #tpu.memory_space<vmem>>, vector<1x16xf32>,
        %get3A_925 = vector.shape_cast %get3A_924 : vector<1x16xf32> to vector<16xf32>
        %add3A_926 = arith.constant 6 : i32
        %add3A_927 = arith.addi %add3A_625, %add3A_926 : i32
        %get3A_928 = arith.index_cast %add3A_927 : i32 to index
        %get3A_929 = arith.constant 48 : index
        %get3A_930 = tpu.vector_load %arg7[%get3A_928, %get3A_929] {strides = array<i32>} : memref<576x64xf32, #tpu.memory_space<vmem>>, vector<1x16xf32>,
        %get3A_931 = vector.shape_cast %get3A_930 : vector<1x16xf32> to vector<16xf32>
        %add3A_932 = arith.constant 7 : i32
        %add3A_933 = arith.addi %add3A_625, %add3A_932 : i32
        %get3A_934 = arith.index_cast %add3A_933 : i32 to index
        %get3A_935 = arith.constant 48 : index
        %get3A_936 = tpu.vector_load %arg7[%get3A_934, %get3A_935] {strides = array<i32>} : memref<576x64xf32, #tpu.memory_space<vmem>>, vector<1x16xf32>,
        %get3A_937 = vector.shape_cast %get3A_936 : vector<1x16xf32> to vector<16xf32>
        %add3A_938 = arith.constant 8 : i32
        %add3A_939 = arith.addi %add3A_625, %add3A_938 : i32
        %get3A_940 = arith.index_cast %add3A_939 : i32 to index
        %get3A_941 = arith.constant 48 : index
        %get3A_942 = tpu.vector_load %arg7[%get3A_940, %get3A_941] {strides = array<i32>} : memref<576x64xf32, #tpu.memory_space<vmem>>, vector<1x16xf32>,
        %get3A_943 = vector.shape_cast %get3A_942 : vector<1x16xf32> to vector<16xf32>
        %add3A_944 = arith.constant 9 : i32
        %add3A_945 = arith.addi %add3A_625, %add3A_944 : i32
        %get3A_946 = arith.index_cast %add3A_945 : i32 to index
        %get3A_947 = arith.constant 48 : index
        %get3A_948 = tpu.vector_load %arg7[%get3A_946, %get3A_947] {strides = array<i32>} : memref<576x64xf32, #tpu.memory_space<vmem>>, vector<1x16xf32>,
        %get3A_949 = vector.shape_cast %get3A_948 : vector<1x16xf32> to vector<16xf32>
        %add3A_950 = arith.constant 10 : i32
        %add3A_951 = arith.addi %add3A_625, %add3A_950 : i32
        %get3A_952 = arith.index_cast %add3A_951 : i32 to index
        %get3A_953 = arith.constant 48 : index
        %get3A_954 = tpu.vector_load %arg7[%get3A_952, %get3A_953] {strides = array<i32>} : memref<576x64xf32, #tpu.memory_space<vmem>>, vector<1x16xf32>,
        %get3A_955 = vector.shape_cast %get3A_954 : vector<1x16xf32> to vector<16xf32>
        %add3A_956 = arith.constant 11 : i32
        %add3A_957 = arith.addi %add3A_625, %add3A_956 : i32
        %get3A_958 = arith.index_cast %add3A_957 : i32 to index
        %get3A_959 = arith.constant 48 : index
        %get3A_960 = tpu.vector_load %arg7[%get3A_958, %get3A_959] {strides = array<i32>} : memref<576x64xf32, #tpu.memory_space<vmem>>, vector<1x16xf32>,
        %get3A_961 = vector.shape_cast %get3A_960 : vector<1x16xf32> to vector<16xf32>
        %add3A_962 = arith.addf %get3A_895, %get3A_901 : vector<16xf32>
        %add3A_963 = arith.addf %get3A_907, %get3A_913 : vector<16xf32>
        %add3A_964 = arith.addf %get3A_919, %get3A_925 : vector<16xf32>
        %add3A_965 = arith.addf %get3A_931, %get3A_937 : vector<16xf32>
        %add3A_966 = arith.addf %get3A_943, %get3A_949 : vector<16xf32>
        %add3A_967 = arith.addf %get3A_955, %get3A_961 : vector<16xf32>
        %add3A_968 = arith.addf %add3A_962, %add3A_963 : vector<16xf32>
        %add3A_969 = arith.addf %add3A_964, %add3A_965 : vector<16xf32>
        %add3A_970 = arith.addf %add3A_966, %add3A_967 : vector<16xf32>
        %add3A_971 = arith.addf %add3A_968, %add3A_969 : vector<16xf32>
        %add3A_972 = arith.addf %add3A_971, %add3A_970 : vector<16xf32>
        %swap3A_973 = arith.index_cast %add3A_267 : i32 to index
        %swap3A_974 = arith.constant 112 : index
        %swap3A_975 = tpu.vector_load %arg9[%swap3A_973, %swap3A_974] {strides = array<i32>} : memref<24x128xf32, #tpu.memory_space<vmem>>, vector<1x16xf32>,
        %swap3A_976 = vector.shape_cast %swap3A_975 : vector<1x16xf32> to vector<16xf32>
        %swap3A_977 = vector.shape_cast %add3A_972 : vector<16xf32> to vector<1x16xf32>
        tpu.vector_store %arg9[%swap3A_973, %swap3A_974], %swap3A_977 {strides = array<i32>} : memref<24x128xf32, #tpu.memory_space<vmem>>, vector<1x16xf32>,
      }
      %scan3A_255 = arith.constant 24 : i32
      %mul3A_256 = arith.constant 24 : i32
      %mul3A_257 = arith.muli %add3A_93, %mul3A_256 : i32
      %add3A_258 = arith.addi %add3A_24, %mul3A_257 : i32
      %dma_start3A_259 = arith.constant 0 : i32
      %dma_start3A_260 = tpu.memref_slice %arg4[%add3A_258, %dma_start3A_259] : memref<12288x128xf32, #tpu.memory_space<hbm>> -> memref<24x128xf32, #tpu.memory_space<hbm>>
      %dma_start3A_261 = arith.constant 0 : i32
      %dma_start3A_262 = tpu.memref_slice %arg4[%add3A_258, %dma_start3A_261] : memref<12288x128xf32, #tpu.memory_space<hbm>> -> memref<24x128xf32, #tpu.memory_space<hbm>>
      tpu.enqueue_dma source(%arg9 : memref<24x128xf32, #tpu.memory_space<vmem>>) target(%dma_start3A_262 : memref<24x128xf32, #tpu.memory_space<hbm>>) target_semaphore(%arg13 : memref<!tpu.dma_semaphore, #tpu.memory_space<semaphore_mem>>)
    }
    %scan3A_73 = arith.constant 8 : i32
    %add3A_74 = arith.constant 336 : i32
    %add3A_75 = arith.addi %add3A_24, %add3A_74 : i32
    %dma_wait3A = arith.constant 0 : i32
    %dma_wait3A_76 = tpu.memref_slice %arg4[%add3A_75, %dma_wait3A] : memref<12288x128xf32, #tpu.memory_space<hbm>> -> memref<24x128xf32, #tpu.memory_space<hbm>>
    %dma_wait3A_77 = arith.constant 0 : i32
    %dma_wait3A_78 = tpu.memref_slice %arg4[%add3A_75, %dma_wait3A_77] : memref<12288x128xf32, #tpu.memory_space<hbm>> -> memref<24x128xf32, #tpu.memory_space<hbm>>
    tpu.wait_dma2 semaphore(%arg12 : memref<!tpu.dma_semaphore, #tpu.memory_space<semaphore_mem>>) src(%arg8 : memref<24x128xf32, #tpu.memory_space<vmem>>) dst(%dma_wait3A_78 : memref<24x128xf32, #tpu.memory_space<hbm>>)
    %add3A_79 = arith.constant 360 : i32
    %add3A_80 = arith.addi %add3A_24, %add3A_79 : i32
    %dma_wait3A_81 = arith.constant 0 : i32
    %dma_wait3A_82 = tpu.memref_slice %arg4[%add3A_80, %dma_wait3A_81] : memref<12288x128xf32, #tpu.memory_space<hbm>> -> memref<24x128xf32, #tpu.memory_space<hbm>>
    %dma_wait3A_83 = arith.constant 0 : i32
    %dma_wait3A_84 = tpu.memref_slice %arg4[%add3A_80, %dma_wait3A_83] : memref<12288x128xf32, #tpu.memory_space<hbm>> -> memref<24x128xf32, #tpu.memory_space<hbm>>
    tpu.wait_dma2 semaphore(%arg13 : memref<!tpu.dma_semaphore, #tpu.memory_space<semaphore_mem>>) src(%arg9 : memref<24x128xf32, #tpu.memory_space<vmem>>) dst(%dma_wait3A_84 : memref<24x128xf32, #tpu.memory_space<hbm>>)
    return
  }
}

module attributes {stable_mosaic.version = 14 : i64} {
  func.func @_project_body(%arg0: i32, %arg1: memref<8192x128xf32, #tpu.memory_space<vmem>>, %arg2: memref<128x64xf32, #tpu.memory_space<vmem>>, %arg3: memref<4096x128xf32, #tpu.memory_space<vmem>>) attributes {dimension_semantics = [#tpu.dimension_semantics<arbitrary>], iteration_bounds = array<i64: 7>, scalar_prefetch = 0 : i64, scratch_operands = 0 : i64, tpu.core_type = #tpu.core_type<tc>, window_params = [{transform_indices = @transform_0, window_bounds = array<i64: 8192, 128>}, {pipeline_mode = #tpu.pipeline_mode<synchronous>, transform_indices = @transform_1, window_bounds = array<i64: 128, 64>}, {transform_indices = @transform_2, window_bounds = array<i64: 4096, 128>}]} {
    %get3A = arith.constant 0 : index
    %get3A_0 = arith.constant 0 : index
    %get3A_1 = vector.load %arg1[%get3A, %get3A_0] : memref<8192x128xf32, #tpu.memory_space<vmem>>, vector<8192x128xf32>
    %get3A_2 = arith.constant 0 : index
    %get3A_3 = arith.constant 0 : index
    %get3A_4 = vector.load %arg2[%get3A_2, %get3A_3] : memref<128x64xf32, #tpu.memory_space<vmem>>, vector<128x64xf32>
    %dot_general3A = arith.constant dense<0.000000e+00> : vector<8192x64xf32>
    %dot_general3A_5 = tpu.matmul %get3A_1, %get3A_4, %dot_general3A {dimension_numbers = #tpu.dot_dimension_numbers<[1], [0], [0], [1], [0, 0, 1, 1], [], []>, transpose_lhs_hint = false} : vector<8192x128xf32>, vector<128x64xf32>, vector<8192x64xf32> -> vector<8192x64xf32>
    %slice3A = vector.extract_strided_slice %dot_general3A_5 {offsets = [0, 0], sizes = [4096, 64], strides = [1, 1]} : vector<8192x64xf32> to vector<4096x64xf32>
    %slice3A_6 = vector.extract_strided_slice %dot_general3A_5 {offsets = [4096, 0], sizes = [4096, 64], strides = [1, 1]} : vector<8192x64xf32> to vector<4096x64xf32>
    %concatenate3A = tpu.concatenate %slice3A, %slice3A_6 in 1 : vector<4096x64xf32>, vector<4096x64xf32> -> vector<4096x128xf32>
    %swap3A = arith.constant 0 : index
    %swap3A_7 = arith.constant 0 : index
    %swap3A_8 = vector.load %arg3[%swap3A, %swap3A_7] : memref<4096x128xf32, #tpu.memory_space<vmem>>, vector<4096x128xf32>
    tpu.vector_store %arg3[%swap3A, %swap3A_7], %concatenate3A {strides = array<i32>} : memref<4096x128xf32, #tpu.memory_space<vmem>>, vector<4096x128xf32>,
    return
  }
  func.func @transform_0(%arg0: i32) -> (i32, i32) {
    %c0_i32 = arith.constant 0 : i32
    %c0_i32_0 = arith.constant 0 : i32
    return %arg0, %c0_i32 : i32, i32
  }
  func.func @transform_1(%arg0: i32) -> (i32, i32) {
    %c0_i32 = arith.constant 0 : i32
    %c0_i32_0 = arith.constant 0 : i32
    %c0_i32_1 = arith.constant 0 : i32
    return %c0_i32, %c0_i32_0 : i32, i32
  }
  func.func @transform_2(%arg0: i32) -> (i32, i32) {
    %c0_i32 = arith.constant 0 : i32
    %c0_i32_0 = arith.constant 0 : i32
    return %arg0, %c0_i32 : i32, i32
  }
}

module attributes {stable_mosaic.version = 14 : i64} {
  func.func @_dense_body(%arg0: i32, %arg1: memref<6144x128xf32, #tpu.memory_space<vmem>>, %arg2: memref<12288x16xf32, #tpu.memory_space<vmem>>, %arg3: memref<1x64xf32, #tpu.memory_space<vmem>>, %arg4: memref<8x64xf32, #tpu.memory_space<vmem>>, %arg5: memref<1x64xf32, #tpu.memory_space<vmem>>, %arg6: memref<8x64xf32, #tpu.memory_space<vmem>>, %arg7: memref<1x64xf32, #tpu.memory_space<vmem>>, %arg8: memref<64x64xf32, #tpu.memory_space<vmem>>, %arg9: memref<1x64xf32, #tpu.memory_space<vmem>>, %arg10: memref<64x128xf32, #tpu.memory_space<vmem>>, %arg11: memref<64x128xf32, #tpu.memory_space<vmem>>, %arg12: memref<64x128xf32, #tpu.memory_space<vmem>>, %arg13: memref<1x128xf32, #tpu.memory_space<vmem>>, %arg14: memref<12288x128xf32, #tpu.memory_space<vmem>>) attributes {dimension_semantics = [#tpu.dimension_semantics<arbitrary>], iteration_bounds = array<i64: 2>, scalar_prefetch = 0 : i64, scratch_operands = 0 : i64, tpu.core_type = #tpu.core_type<tc>, window_params = [{transform_indices = @transform_0, window_bounds = array<i64: 6144, 128>}, {transform_indices = @transform_1, window_bounds = array<i64: 12288, 16>}, {pipeline_mode = #tpu.pipeline_mode<synchronous>, transform_indices = @transform_2, window_bounds = array<i64: 1, 64>}, {pipeline_mode = #tpu.pipeline_mode<synchronous>, transform_indices = @transform_3, window_bounds = array<i64: 8, 64>}, {pipeline_mode = #tpu.pipeline_mode<synchronous>, transform_indices = @transform_4, window_bounds = array<i64: 1, 64>}, {pipeline_mode = #tpu.pipeline_mode<synchronous>, transform_indices = @transform_5, window_bounds = array<i64: 8, 64>}, {pipeline_mode = #tpu.pipeline_mode<synchronous>, transform_indices = @transform_6, window_bounds = array<i64: 1, 64>}, {pipeline_mode = #tpu.pipeline_mode<synchronous>, transform_indices = @transform_7, window_bounds = array<i64: 64, 64>}, {pipeline_mode = #tpu.pipeline_mode<synchronous>, transform_indices = @transform_8, window_bounds = array<i64: 1, 64>}, {pipeline_mode = #tpu.pipeline_mode<synchronous>, transform_indices = @transform_9, window_bounds = array<i64: 64, 128>}, {pipeline_mode = #tpu.pipeline_mode<synchronous>, transform_indices = @transform_10, window_bounds = array<i64: 64, 128>}, {pipeline_mode = #tpu.pipeline_mode<synchronous>, transform_indices = @transform_11, window_bounds = array<i64: 64, 128>}, {pipeline_mode = #tpu.pipeline_mode<synchronous>, transform_indices = @transform_12, window_bounds = array<i64: 1, 128>}, {transform_indices = @transform_13, window_bounds = array<i64: 12288, 128>}]} {
    %get3A = arith.constant 0 : index
    %get3A_0 = arith.constant 0 : index
    %get3A_1 = vector.load %arg1[%get3A, %get3A_0] : memref<6144x128xf32, #tpu.memory_space<vmem>>, vector<6144x128xf32>
    %slice3A = vector.extract_strided_slice %get3A_1 {offsets = [0, 0], sizes = [6144, 64], strides = [1, 1]} : vector<6144x128xf32> to vector<6144x64xf32>
    %mul3A = arith.constant 0.0833333358 : f32
    %mul3A_2 = vector.broadcast %mul3A : f32 to vector<6144x64xf32>
    %mul3A_3 = arith.mulf %slice3A, %mul3A_2 : vector<6144x64xf32>
    %get3A_4 = arith.constant 0 : index
    %get3A_5 = arith.constant 0 : index
    %get3A_6 = vector.load %arg3[%get3A_4, %get3A_5] : memref<1x64xf32, #tpu.memory_space<vmem>>, vector<1x64xf32>
    %add3A = vector.broadcast %get3A_6 : vector<1x64xf32> to vector<6144x64xf32>
    %add3A_7 = arith.addf %mul3A_3, %add3A : vector<6144x64xf32>
    %get3A_8 = arith.constant 0 : index
    %get3A_9 = arith.constant 0 : index
    %get3A_10 = vector.load %arg2[%get3A_8, %get3A_9] : memref<12288x16xf32, #tpu.memory_space<vmem>>, vector<6144x8xf32>
    %get3A_11 = arith.constant 0 : index
    %get3A_12 = arith.constant 0 : index
    %get3A_13 = vector.load %arg4[%get3A_11, %get3A_12] : memref<8x64xf32, #tpu.memory_space<vmem>>, vector<8x64xf32>
    %dot_general3A = arith.constant dense<0.000000e+00> : vector<6144x64xf32>
    %dot_general3A_14 = tpu.matmul %get3A_10, %get3A_13, %dot_general3A {dimension_numbers = #tpu.dot_dimension_numbers<[1], [0], [0], [1], [0, 0, 1, 1], [], []>, transpose_lhs_hint = false} : vector<6144x8xf32>, vector<8x64xf32>, vector<6144x64xf32> -> vector<6144x64xf32>
    %get3A_15 = arith.constant 0 : index
    %get3A_16 = arith.constant 0 : index
    %get3A_17 = vector.load %arg5[%get3A_15, %get3A_16] : memref<1x64xf32, #tpu.memory_space<vmem>>, vector<1x64xf32>
    %add3A_18 = vector.broadcast %get3A_17 : vector<1x64xf32> to vector<6144x64xf32>
    %add3A_19 = arith.addf %dot_general3A_14, %add3A_18 : vector<6144x64xf32>
    %get3A_20 = arith.constant 0 : index
    %get3A_21 = arith.constant 8 : index
    %get3A_22 = vector.load %arg2[%get3A_20, %get3A_21] : memref<12288x16xf32, #tpu.memory_space<vmem>>, vector<6144x8xf32>
    %get3A_23 = arith.constant 0 : index
    %get3A_24 = arith.constant 0 : index
    %get3A_25 = vector.load %arg6[%get3A_23, %get3A_24] : memref<8x64xf32, #tpu.memory_space<vmem>>, vector<8x64xf32>
    %dot_general3A_26 = arith.constant dense<0.000000e+00> : vector<6144x64xf32>
    %dot_general3A_27 = tpu.matmul %get3A_22, %get3A_25, %dot_general3A_26 {dimension_numbers = #tpu.dot_dimension_numbers<[1], [0], [0], [1], [0, 0, 1, 1], [], []>, transpose_lhs_hint = false} : vector<6144x8xf32>, vector<8x64xf32>, vector<6144x64xf32> -> vector<6144x64xf32>
    %get3A_28 = arith.constant 0 : index
    %get3A_29 = arith.constant 0 : index
    %get3A_30 = vector.load %arg7[%get3A_28, %get3A_29] : memref<1x64xf32, #tpu.memory_space<vmem>>, vector<1x64xf32>
    %add3A_31 = vector.broadcast %get3A_30 : vector<1x64xf32> to vector<6144x64xf32>
    %add3A_32 = arith.addf %dot_general3A_27, %add3A_31 : vector<6144x64xf32>
    %max3A = arith.constant 0.000000e+00 : f32
    %max3A_33 = vector.broadcast %max3A : f32 to vector<6144x64xf32>
    %max3A_34 = arith.maximumf %add3A_32, %max3A_33 : vector<6144x64xf32>
    %get3A_35 = arith.constant 0 : index
    %get3A_36 = arith.constant 0 : index
    %get3A_37 = vector.load %arg8[%get3A_35, %get3A_36] : memref<64x64xf32, #tpu.memory_space<vmem>>, vector<64x64xf32>
    %dot_general3A_38 = arith.constant dense<0.000000e+00> : vector<6144x64xf32>
    %dot_general3A_39 = tpu.matmul %max3A_34, %get3A_37, %dot_general3A_38 {dimension_numbers = #tpu.dot_dimension_numbers<[1], [0], [0], [1], [0, 0, 1, 1], [], []>, transpose_lhs_hint = false} : vector<6144x64xf32>, vector<64x64xf32>, vector<6144x64xf32> -> vector<6144x64xf32>
    %get3A_40 = arith.constant 0 : index
    %get3A_41 = arith.constant 0 : index
    %get3A_42 = vector.load %arg9[%get3A_40, %get3A_41] : memref<1x64xf32, #tpu.memory_space<vmem>>, vector<1x64xf32>
    %add3A_43 = vector.broadcast %get3A_42 : vector<1x64xf32> to vector<6144x64xf32>
    %add3A_44 = arith.addf %dot_general3A_39, %add3A_43 : vector<6144x64xf32>
    %max3A_45 = arith.constant 0.000000e+00 : f32
    %max3A_46 = vector.broadcast %max3A_45 : f32 to vector<6144x64xf32>
    %max3A_47 = arith.maximumf %add3A_7, %max3A_46 : vector<6144x64xf32>
    %get3A_48 = arith.constant 0 : index
    %get3A_49 = arith.constant 0 : index
    %get3A_50 = vector.load %arg10[%get3A_48, %get3A_49] : memref<64x128xf32, #tpu.memory_space<vmem>>, vector<64x128xf32>
    %dot_general3A_51 = arith.constant dense<0.000000e+00> : vector<6144x128xf32>
    %dot_general3A_52 = tpu.matmul %max3A_47, %get3A_50, %dot_general3A_51 {dimension_numbers = #tpu.dot_dimension_numbers<[1], [0], [0], [1], [0, 0, 1, 1], [], []>, transpose_lhs_hint = false} : vector<6144x64xf32>, vector<64x128xf32>, vector<6144x128xf32> -> vector<6144x128xf32>
    %max3A_53 = arith.constant 0.000000e+00 : f32
    %max3A_54 = vector.broadcast %max3A_53 : f32 to vector<6144x64xf32>
    %max3A_55 = arith.maximumf %add3A_44, %max3A_54 : vector<6144x64xf32>
    %get3A_56 = arith.constant 0 : index
    %get3A_57 = arith.constant 0 : index
    %get3A_58 = vector.load %arg11[%get3A_56, %get3A_57] : memref<64x128xf32, #tpu.memory_space<vmem>>, vector<64x128xf32>
    %dot_general3A_59 = arith.constant dense<0.000000e+00> : vector<6144x128xf32>
    %dot_general3A_60 = tpu.matmul %max3A_55, %get3A_58, %dot_general3A_59 {dimension_numbers = #tpu.dot_dimension_numbers<[1], [0], [0], [1], [0, 0, 1, 1], [], []>, transpose_lhs_hint = false} : vector<6144x64xf32>, vector<64x128xf32>, vector<6144x128xf32> -> vector<6144x128xf32>
    %add3A_61 = arith.addf %dot_general3A_52, %dot_general3A_60 : vector<6144x128xf32>
    %max3A_62 = arith.constant 0.000000e+00 : f32
    %max3A_63 = vector.broadcast %max3A_62 : f32 to vector<6144x64xf32>
    %max3A_64 = arith.maximumf %add3A_19, %max3A_63 : vector<6144x64xf32>
    %get3A_65 = arith.constant 0 : index
    %get3A_66 = arith.constant 0 : index
    %get3A_67 = vector.load %arg12[%get3A_65, %get3A_66] : memref<64x128xf32, #tpu.memory_space<vmem>>, vector<64x128xf32>
    %dot_general3A_68 = arith.constant dense<0.000000e+00> : vector<6144x128xf32>
    %dot_general3A_69 = tpu.matmul %max3A_64, %get3A_67, %dot_general3A_68 {dimension_numbers = #tpu.dot_dimension_numbers<[1], [0], [0], [1], [0, 0, 1, 1], [], []>, transpose_lhs_hint = false} : vector<6144x64xf32>, vector<64x128xf32>, vector<6144x128xf32> -> vector<6144x128xf32>
    %add3A_70 = arith.addf %add3A_61, %dot_general3A_69 : vector<6144x128xf32>
    %get3A_71 = arith.constant 0 : index
    %get3A_72 = arith.constant 0 : index
    %get3A_73 = vector.load %arg13[%get3A_71, %get3A_72] : memref<1x128xf32, #tpu.memory_space<vmem>>, vector<1x128xf32>
    %add3A_74 = vector.broadcast %get3A_73 : vector<1x128xf32> to vector<6144x128xf32>
    %add3A_75 = arith.addf %add3A_70, %add3A_74 : vector<6144x128xf32>
    %swap3A = arith.constant 0 : index
    %swap3A_76 = arith.constant 0 : index
    %swap3A_77 = vector.load %arg14[%swap3A, %swap3A_76] : memref<12288x128xf32, #tpu.memory_space<vmem>>, vector<6144x128xf32>
    tpu.vector_store %arg14[%swap3A, %swap3A_76], %add3A_75 {strides = array<i32>} : memref<12288x128xf32, #tpu.memory_space<vmem>>, vector<6144x128xf32>,
    %slice3A_78 = vector.extract_strided_slice %get3A_1 {offsets = [0, 64], sizes = [6144, 64], strides = [1, 1]} : vector<6144x128xf32> to vector<6144x64xf32>
    %mul3A_79 = arith.constant 0.0833333358 : f32
    %mul3A_80 = vector.broadcast %mul3A_79 : f32 to vector<6144x64xf32>
    %mul3A_81 = arith.mulf %slice3A_78, %mul3A_80 : vector<6144x64xf32>
    %get3A_82 = arith.constant 0 : index
    %get3A_83 = arith.constant 0 : index
    %get3A_84 = vector.load %arg3[%get3A_82, %get3A_83] : memref<1x64xf32, #tpu.memory_space<vmem>>, vector<1x64xf32>
    %add3A_85 = vector.broadcast %get3A_84 : vector<1x64xf32> to vector<6144x64xf32>
    %add3A_86 = arith.addf %mul3A_81, %add3A_85 : vector<6144x64xf32>
    %get3A_87 = arith.constant 6144 : index
    %get3A_88 = arith.constant 0 : index
    %get3A_89 = vector.load %arg2[%get3A_87, %get3A_88] : memref<12288x16xf32, #tpu.memory_space<vmem>>, vector<6144x8xf32>
    %get3A_90 = arith.constant 0 : index
    %get3A_91 = arith.constant 0 : index
    %get3A_92 = vector.load %arg4[%get3A_90, %get3A_91] : memref<8x64xf32, #tpu.memory_space<vmem>>, vector<8x64xf32>
    %dot_general3A_93 = arith.constant dense<0.000000e+00> : vector<6144x64xf32>
    %dot_general3A_94 = tpu.matmul %get3A_89, %get3A_92, %dot_general3A_93 {dimension_numbers = #tpu.dot_dimension_numbers<[1], [0], [0], [1], [0, 0, 1, 1], [], []>, transpose_lhs_hint = false} : vector<6144x8xf32>, vector<8x64xf32>, vector<6144x64xf32> -> vector<6144x64xf32>
    %get3A_95 = arith.constant 0 : index
    %get3A_96 = arith.constant 0 : index
    %get3A_97 = vector.load %arg5[%get3A_95, %get3A_96] : memref<1x64xf32, #tpu.memory_space<vmem>>, vector<1x64xf32>
    %add3A_98 = vector.broadcast %get3A_97 : vector<1x64xf32> to vector<6144x64xf32>
    %add3A_99 = arith.addf %dot_general3A_94, %add3A_98 : vector<6144x64xf32>
    %get3A_100 = arith.constant 6144 : index
    %get3A_101 = arith.constant 8 : index
    %get3A_102 = vector.load %arg2[%get3A_100, %get3A_101] : memref<12288x16xf32, #tpu.memory_space<vmem>>, vector<6144x8xf32>
    %get3A_103 = arith.constant 0 : index
    %get3A_104 = arith.constant 0 : index
    %get3A_105 = vector.load %arg6[%get3A_103, %get3A_104] : memref<8x64xf32, #tpu.memory_space<vmem>>, vector<8x64xf32>
    %dot_general3A_106 = arith.constant dense<0.000000e+00> : vector<6144x64xf32>
    %dot_general3A_107 = tpu.matmul %get3A_102, %get3A_105, %dot_general3A_106 {dimension_numbers = #tpu.dot_dimension_numbers<[1], [0], [0], [1], [0, 0, 1, 1], [], []>, transpose_lhs_hint = false} : vector<6144x8xf32>, vector<8x64xf32>, vector<6144x64xf32> -> vector<6144x64xf32>
    %get3A_108 = arith.constant 0 : index
    %get3A_109 = arith.constant 0 : index
    %get3A_110 = vector.load %arg7[%get3A_108, %get3A_109] : memref<1x64xf32, #tpu.memory_space<vmem>>, vector<1x64xf32>
    %add3A_111 = vector.broadcast %get3A_110 : vector<1x64xf32> to vector<6144x64xf32>
    %add3A_112 = arith.addf %dot_general3A_107, %add3A_111 : vector<6144x64xf32>
    %max3A_113 = arith.constant 0.000000e+00 : f32
    %max3A_114 = vector.broadcast %max3A_113 : f32 to vector<6144x64xf32>
    %max3A_115 = arith.maximumf %add3A_112, %max3A_114 : vector<6144x64xf32>
    %get3A_116 = arith.constant 0 : index
    %get3A_117 = arith.constant 0 : index
    %get3A_118 = vector.load %arg8[%get3A_116, %get3A_117] : memref<64x64xf32, #tpu.memory_space<vmem>>, vector<64x64xf32>
    %dot_general3A_119 = arith.constant dense<0.000000e+00> : vector<6144x64xf32>
    %dot_general3A_120 = tpu.matmul %max3A_115, %get3A_118, %dot_general3A_119 {dimension_numbers = #tpu.dot_dimension_numbers<[1], [0], [0], [1], [0, 0, 1, 1], [], []>, transpose_lhs_hint = false} : vector<6144x64xf32>, vector<64x64xf32>, vector<6144x64xf32> -> vector<6144x64xf32>
    %get3A_121 = arith.constant 0 : index
    %get3A_122 = arith.constant 0 : index
    %get3A_123 = vector.load %arg9[%get3A_121, %get3A_122] : memref<1x64xf32, #tpu.memory_space<vmem>>, vector<1x64xf32>
    %add3A_124 = vector.broadcast %get3A_123 : vector<1x64xf32> to vector<6144x64xf32>
    %add3A_125 = arith.addf %dot_general3A_120, %add3A_124 : vector<6144x64xf32>
    %max3A_126 = arith.constant 0.000000e+00 : f32
    %max3A_127 = vector.broadcast %max3A_126 : f32 to vector<6144x64xf32>
    %max3A_128 = arith.maximumf %add3A_86, %max3A_127 : vector<6144x64xf32>
    %get3A_129 = arith.constant 0 : index
    %get3A_130 = arith.constant 0 : index
    %get3A_131 = vector.load %arg10[%get3A_129, %get3A_130] : memref<64x128xf32, #tpu.memory_space<vmem>>, vector<64x128xf32>
    %dot_general3A_132 = arith.constant dense<0.000000e+00> : vector<6144x128xf32>
    %dot_general3A_133 = tpu.matmul %max3A_128, %get3A_131, %dot_general3A_132 {dimension_numbers = #tpu.dot_dimension_numbers<[1], [0], [0], [1], [0, 0, 1, 1], [], []>, transpose_lhs_hint = false} : vector<6144x64xf32>, vector<64x128xf32>, vector<6144x128xf32> -> vector<6144x128xf32>
    %max3A_134 = arith.constant 0.000000e+00 : f32
    %max3A_135 = vector.broadcast %max3A_134 : f32 to vector<6144x64xf32>
    %max3A_136 = arith.maximumf %add3A_125, %max3A_135 : vector<6144x64xf32>
    %get3A_137 = arith.constant 0 : index
    %get3A_138 = arith.constant 0 : index
    %get3A_139 = vector.load %arg11[%get3A_137, %get3A_138] : memref<64x128xf32, #tpu.memory_space<vmem>>, vector<64x128xf32>
    %dot_general3A_140 = arith.constant dense<0.000000e+00> : vector<6144x128xf32>
    %dot_general3A_141 = tpu.matmul %max3A_136, %get3A_139, %dot_general3A_140 {dimension_numbers = #tpu.dot_dimension_numbers<[1], [0], [0], [1], [0, 0, 1, 1], [], []>, transpose_lhs_hint = false} : vector<6144x64xf32>, vector<64x128xf32>, vector<6144x128xf32> -> vector<6144x128xf32>
    %add3A_142 = arith.addf %dot_general3A_133, %dot_general3A_141 : vector<6144x128xf32>
    %max3A_143 = arith.constant 0.000000e+00 : f32
    %max3A_144 = vector.broadcast %max3A_143 : f32 to vector<6144x64xf32>
    %max3A_145 = arith.maximumf %add3A_99, %max3A_144 : vector<6144x64xf32>
    %get3A_146 = arith.constant 0 : index
    %get3A_147 = arith.constant 0 : index
    %get3A_148 = vector.load %arg12[%get3A_146, %get3A_147] : memref<64x128xf32, #tpu.memory_space<vmem>>, vector<64x128xf32>
    %dot_general3A_149 = arith.constant dense<0.000000e+00> : vector<6144x128xf32>
    %dot_general3A_150 = tpu.matmul %max3A_145, %get3A_148, %dot_general3A_149 {dimension_numbers = #tpu.dot_dimension_numbers<[1], [0], [0], [1], [0, 0, 1, 1], [], []>, transpose_lhs_hint = false} : vector<6144x64xf32>, vector<64x128xf32>, vector<6144x128xf32> -> vector<6144x128xf32>
    %add3A_151 = arith.addf %add3A_142, %dot_general3A_150 : vector<6144x128xf32>
    %get3A_152 = arith.constant 0 : index
    %get3A_153 = arith.constant 0 : index
    %get3A_154 = vector.load %arg13[%get3A_152, %get3A_153] : memref<1x128xf32, #tpu.memory_space<vmem>>, vector<1x128xf32>
    %add3A_155 = vector.broadcast %get3A_154 : vector<1x128xf32> to vector<6144x128xf32>
    %add3A_156 = arith.addf %add3A_151, %add3A_155 : vector<6144x128xf32>
    %swap3A_157 = arith.constant 6144 : index
    %swap3A_158 = arith.constant 0 : index
    %swap3A_159 = vector.load %arg14[%swap3A_157, %swap3A_158] : memref<12288x128xf32, #tpu.memory_space<vmem>>, vector<6144x128xf32>
    tpu.vector_store %arg14[%swap3A_157, %swap3A_158], %add3A_156 {strides = array<i32>} : memref<12288x128xf32, #tpu.memory_space<vmem>>, vector<6144x128xf32>,
    return
  }
  func.func @transform_0(%arg0: i32) -> (i32, i32) {
    %c0_i32 = arith.constant 0 : i32
    %c0_i32_0 = arith.constant 0 : i32
    return %arg0, %c0_i32 : i32, i32
  }
  func.func @transform_1(%arg0: i32) -> (i32, i32) {
    %c0_i32 = arith.constant 0 : i32
    %c0_i32_0 = arith.constant 0 : i32
    return %arg0, %c0_i32 : i32, i32
  }
  func.func @transform_2(%arg0: i32) -> (i32, i32) {
    %c0_i32 = arith.constant 0 : i32
    %c0_i32_0 = arith.constant 0 : i32
    %c0_i32_1 = arith.constant 0 : i32
    return %c0_i32, %c0_i32_0 : i32, i32
  }
  func.func @transform_3(%arg0: i32) -> (i32, i32) {
    %c0_i32 = arith.constant 0 : i32
    %c0_i32_0 = arith.constant 0 : i32
    %c0_i32_1 = arith.constant 0 : i32
    return %c0_i32, %c0_i32_0 : i32, i32
  }
  func.func @transform_4(%arg0: i32) -> (i32, i32) {
    %c0_i32 = arith.constant 0 : i32
    %c0_i32_0 = arith.constant 0 : i32
    %c0_i32_1 = arith.constant 0 : i32
    return %c0_i32, %c0_i32_0 : i32, i32
  }
  func.func @transform_5(%arg0: i32) -> (i32, i32) {
    %c0_i32 = arith.constant 0 : i32
    %c0_i32_0 = arith.constant 0 : i32
    %c0_i32_1 = arith.constant 0 : i32
    return %c0_i32, %c0_i32_0 : i32, i32
  }
  func.func @transform_6(%arg0: i32) -> (i32, i32) {
    %c0_i32 = arith.constant 0 : i32
    %c0_i32_0 = arith.constant 0 : i32
    %c0_i32_1 = arith.constant 0 : i32
    return %c0_i32, %c0_i32_0 : i32, i32
  }
  func.func @transform_7(%arg0: i32) -> (i32, i32) {
    %c0_i32 = arith.constant 0 : i32
    %c0_i32_0 = arith.constant 0 : i32
    %c0_i32_1 = arith.constant 0 : i32
    return %c0_i32, %c0_i32_0 : i32, i32
  }
  func.func @transform_8(%arg0: i32) -> (i32, i32) {
    %c0_i32 = arith.constant 0 : i32
    %c0_i32_0 = arith.constant 0 : i32
    %c0_i32_1 = arith.constant 0 : i32
    return %c0_i32, %c0_i32_0 : i32, i32
  }
  func.func @transform_9(%arg0: i32) -> (i32, i32) {
    %c0_i32 = arith.constant 0 : i32
    %c0_i32_0 = arith.constant 0 : i32
    %c0_i32_1 = arith.constant 0 : i32
    return %c0_i32, %c0_i32_0 : i32, i32
  }
  func.func @transform_10(%arg0: i32) -> (i32, i32) {
    %c0_i32 = arith.constant 0 : i32
    %c0_i32_0 = arith.constant 0 : i32
    %c0_i32_1 = arith.constant 0 : i32
    return %c0_i32, %c0_i32_0 : i32, i32
  }
  func.func @transform_11(%arg0: i32) -> (i32, i32) {
    %c0_i32 = arith.constant 0 : i32
    %c0_i32_0 = arith.constant 0 : i32
    %c0_i32_1 = arith.constant 0 : i32
    return %c0_i32, %c0_i32_0 : i32, i32
  }
  func.func @transform_12(%arg0: i32) -> (i32, i32) {
    %c0_i32 = arith.constant 0 : i32
    %c0_i32_0 = arith.constant 0 : i32
    %c0_i32_1 = arith.constant 0 : i32
    return %c0_i32, %c0_i32_0 : i32, i32
  }
  func.func @transform_13(%arg0: i32) -> (i32, i32) {
    %c0_i32 = arith.constant 0 : i32
    %c0_i32_0 = arith.constant 0 : i32
    return %arg0, %c0_i32 : i32, i32
  }
}

</mosaic_0001>

<sc_bundles>
// kernel: kernel.5.cloned.1.call-start
scs
__scs_entry_jumppad:
0x0: {  	(pc) =	sbr.rel $0x88, $3  }
0x1: {  	(tag) =	ssettag $0x0;
	lr =	simm.s32 $0x1  }
0x2: {  	[smem:$0x3F93] =	sst lr;
	_ =	strace $0xD0000000  }
0x3: {  	_ = 	snop  }
0x4: {  	_ = 	snop  }
0x5: {  	_ = 	snop  }
0x6: {  	_ = 	snop  }
0x7: {  	_ = 	snop  }
__scs_overlays_trampoline_lowered:
0x8: {  	[smem:$0x3FA2] =	sst s0  }
0x9: {  	[smem:$0x3FA3] =	sst s1  }
0xa: {  	[smem:$0x3FA4] =	sst s2  }
0xb: {  	[smem:$0x3FA5] =	sst s3  }
0xc: {  	[smem:$0x3FA6] =	sst s4  }
0xd: {  	[smem:$0x3FA7] =	sst s5  }
0xe: {  	[smem:$0x3FA8] =	sst s6  }
0xf: {  	[smem:$0x3FA9] =	sst s7  }
0x10: {  	[smem:$0x3FAA] =	sst s8  }
0x11: {  	[smem:$0x3FAB] =	sst s9;
	s0 =	simm.s32 @!p0 $0x0  }
0x12: {  	s1 =	sld [smem:$0x3F91];
	s0 =	simm.s32 @p0 $0x1  }
0x13: {  	[smem:$0x3FAC] =	sst s0;
	s0 =	simm.s32 @!p1 $0x0  }
0x14: {  	s2 =	sld [smem:$0x3F90];
	s0 =	simm.s32 @p1 $0x1  }
0x15: {  	[smem:$0x3FAD] =	sst s0;
	s0 =	simm.s32 @!p2 $0x0  }
0x16: {  	s3 =	sld [smem:$0x3FDB];
	s0 =	simm.s32 @p2 $0x1  }
0x17: {  	s4 =	simm.s32 $0x1BF5;
	[smem:$0x3FAF] =	sst s0  }
0x18: {  	s0 =	sld [smem:$0x3F92];
	_ =	swait.ge [sflag:s4], $0x0  }
0x19: {  	s7 =	sld [smem:$0x3F93]  }
0x1a: {  	s8 =	sadd.s32 $0xFFFFE003, lr  }
0x1b: {  	s9 =	sadd.s32 $0xFFFFFEF7, lr;
	s5 =	simm.s32 $0xFFFFFFFF;
	p2 =	slt.u32 s8, $0xFFFFF086  }
0x1c: {  	p1 =	slt.u32 s9, $0xF7A;
	s5 =	simm.s32 @!p2 $0x0  }
0x1d: {  	s5 =	simm.s32 @p1 $0x1;
	p0 =	seq.s32 s7, s2  }
0x1e: {  	s7 =	smul.u32 @!p0 $0xF7A, s2;
	p2 =	seq.s32 @!p0 s5, $0x0  }
0x1f: {  	s9 =	smul.u32 $0xF7A, s1;
	s8 =	simm.s32 @!p0 $0x1BF5;
	p2 =	por !p2, p0  }
0x20: {  	[sflag:s8] =	ssyncset.s32 @!p0 $0xFFFFF086;
	s6 =	sadd.s32 @!p0 s3, s7;
	s7 =	simm.s32 @!p0 $0x108  }
0x21: {  	s3 =	sadd.s32 s3, s9;
	s6 =	sadd.s32 @!p0 $0x88, s6;
	s7 =	simm.s32 @p2 $0x1082  }
0x22: {  	[simem:s7], [sflag:s8] =	dma.local @!p0 [hbm:s6], $0xF7A  }
0x23: {  	s9 =	sor.u32 $0xD0000000, s2;
	s6 =	simm.s32 $0x108;
	_ =	swait.ge @!p0 [sflag:s8], $0x0  }
0x24: {  	s3 =	sadd.s32 $0x88, s3;
	s6 =	simm.s32 @!p1 $0x1082;
	[sflag:s4] =	ssyncset.s32 $0xFFFFF086  }
0x25: {  	[simem:s6], [sflag:s4] =	dma.local [hbm:s3], $0xF7A  }
0x26: {  	[smem:$0x3F93] =	sst s1;
	(tag) =	ssettag s2;
	_ =	strace s9  }
0x27: {  	s1 =	sld [smem:$0x3FA3]  }
0x28: {  	s2 =	sld [smem:$0x3FA4]  }
0x29: {  	s4 =	sld [smem:$0x3FA6]  }
0x2a: {  	p0 =	seq.s32 s5, $0x0;
	s5 =	sld [smem:$0x3FA7]  }
0x2b: {  	s6 =	sld [smem:$0x3FA8]  }
0x2c: {  	s7 =	sld [smem:$0x3FA9]  }
0x2d: {  	s3 =	simm.s32 $0x108;
	s8 =	sld [smem:$0x3FAA]  }
0x2e: {  	s3 =	simm.s32 @!p0 $0x1082;
	s9 =	sld [smem:$0x3FAB]  }
0x2f: {  	lr =	sadd.s32 s0, s3;
	s0 =	sld [smem:$0x3FA2]  }
0x30: {  	s3 =	sld [smem:$0x3FA5]  }
0x31: {  	[smem:$0x3FAE] =	sst s10  }
0x32: {  	s10 =	sld [smem:$0x3FAC];
	_ =	sdelay $0x3  }
0x33: {  	p0 =	seq.s32 s10, $0x1;
	s10 =	sld [smem:$0x3FAE];
	_ =	sdelay $0x3  }
0x34: {  	[smem:$0x3FAE] =	sst s10  }
0x35: {  	s10 =	sld [smem:$0x3FAD];
	_ =	sdelay $0x3  }
0x36: {  	p1 =	seq.s32 s10, $0x1;
	s10 =	sld [smem:$0x3FAE];
	_ =	sdelay $0x3  }
0x37: {  	[smem:$0x3FAE] =	sst s10  }
0x38: {  	s10 =	sld [smem:$0x3FAF]  }
0x39: {  	_ = 	snop;
	(pc) =	sbr.ind lr, $3  }
0x3a: {  	_ = 	snop  }
0x3b: {  	_ = 	snop  }
0x3c: {  	p2 =	seq.s32 s10, $0x1;
	s10 =	sld [smem:$0x3FAE]  }
0x3d: {  	_ =	shalt  }
0x3e: {  	_ =	shalt  }
0x3f: {  	_ =	shalt  }
0x40: {  	_ =	shalt  }
0x41: {  	_ =	shalt  }
0x42: {  	_ =	shalt  }
0x43: {  	_ =	shalt  }
0x44: {  	_ =	shalt  }
0x45: {  	_ =	shalt  }
0x46: {  	_ =	shalt  }
0x47: {  	_ =	shalt  }
0x48: {  	_ =	shalt  }
0x49: {  	_ =	shalt  }
0x4a: {  	_ =	shalt  }
0x4b: {  	_ =	shalt  }
0x4c: {  	_ =	shalt  }
0x4d: {  	_ =	shalt  }
0x4e: {  	_ =	shalt  }
0x4f: {  	_ =	shalt  }
0x50: {  	_ =	shalt  }
0x51: {  	_ =	shalt  }
0x52: {  	_ =	shalt  }
0x53: {  	_ =	shalt  }
0x54: {  	_ =	shalt  }
0x55: {  	_ =	shalt  }
0x56: {  	_ =	shalt  }
0x57: {  	_ =	shalt  }
0x58: {  	_ =	shalt  }
0x59: {  	_ =	shalt  }
0x5a: {  	_ =	shalt  }
0x5b: {  	_ =	shalt  }
0x5c: {  	_ =	shalt  }
0x5d: {  	_ =	shalt  }
0x5e: {  	_ =	shalt  }
0x5f: {  	_ =	shalt  }
0x60: {  	_ =	shalt  }
0x61: {  	_ =	shalt  }
0x62: {  	_ =	shalt  }
0x63: {  	_ =	shalt  }
0x64: {  	_ =	shalt  }
0x65: {  	_ =	shalt  }
0x66: {  	_ =	shalt  }
0x67: {  	_ =	shalt  }
0x68: {  	_ =	shalt  }
0x69: {  	_ =	shalt  }
0x6a: {  	_ =	shalt  }
0x6b: {  	_ =	shalt  }
0x6c: {  	_ =	shalt  }
0x6d: {  	_ =	shalt  }
0x6e: {  	_ =	shalt  }
0x6f: {  	_ =	shalt  }
0x70: {  	_ =	shalt  }
0x71: {  	_ =	shalt  }
0x72: {  	_ =	shalt  }
0x73: {  	_ =	shalt  }
0x74: {  	_ =	shalt  }
0x75: {  	_ =	shalt  }
0x76: {  	_ =	shalt  }
0x77: {  	_ =	shalt  }
0x78: {  	_ =	shalt  }
0x79: {  	_ =	shalt  }
0x7a: {  	_ =	shalt  }
0x7b: {  	_ =	shalt  }
0x7c: {  	_ =	shalt  }
0x7d: {  	_ =	shalt  }
0x7e: {  	_ =	shalt  }
0x7f: {  	_ =	shalt  }
0x80: {  	_ =	shalt  }
0x81: {  	_ =	shalt  }
0x82: {  	_ =	shalt  }
0x83: {  	_ =	shalt  }
0x84: {  	_ =	shalt  }
0x85: {  	_ =	shalt  }
0x86: {  	_ =	shalt  }
0x87: {  	_ =	shalt  }
.Lfunc_end0:
.L_simem_size_0:
called_computation_lowered:
.L_overlay_start_0:
0x88: {  	s2 =	sld [smem:$0x3FD9]  }
0x89: {  	s3 =	sld [smem:$0x3FFE];
	_ =	sdelay $0x1  }
0x8a: {  	s1 =	srdreg.scid  }
0x8b: {  	s0 =	sand.u32 $0x1, s1  }
0x8c: {  	s17 =	sshll.u32 s0, $0xA;
	s2 =	sadd.s32 s3, s2  }
0x8d: {  	s2 =	sadd.s32 s2, s17  }
0x8e: {  	[smem:$0x3FBA] =	sst s2  }
0x8f: {  	_ = 	snop  }
0x90: {  	s2 =	sld [smem:$0x3FD0];
	(tm) =	ssettm $0x1  }
0x91: {  	s18 =	sld [smem:$0x3FFB];
	_ =	sdelay $0x3  }
0x92: {  	_ =	strace s18  }
0x93: {  	s3 =	sld [smem:$0x3FFC];
	_ =	sdelay $0x3  }
0x94: {  	_ =	strace s3  }
0x95: {  	s3 =	sld [smem:$0x3FFD];
	_ =	sdelay $0x3  }
0x96: {  	_ =	strace s3  }
0x97: {  	_ =	strace $0x8FFFFFFF  }
0x98: {  	s19 =	sld [smem:$0x3FDB];
	_ =	sdelay $0x1  }
0x99: {  	s4 =	simm.s32 $_scs_section_size  }
0x9a: {  	s5 =	simm.s32 $_size__tile_overlayer_lowered;
	s6 =	simm.s32 $_tile_overlayer_lowered  }
0x9b: {  	s22 =	simm.s32 $0x1BFF;
	s21 =	sshll.u32 s6, $0x1;
	s3 =	sadd.s32 s4, s19  }
0x9c: {  	s7 =	simm.s32 $0x0;
	s20 =	sshll.u32 s5, $0x1;
	s5 =	sadd.s32 s21, s3  }
0x9d: {  	[timem:s7], [sflag:s22] =	dma.local [hbm:s5], s20  }
0x9e: {  	_ =	swait.ge [sflag:s22], s20  }
0x9f: {  	s4 =	ssub.s32 $0x0, s20;
	[sflag:s22] =	ssyncset.done $0x0  }
0xa0: {  	[sflag:s22] =	ssyncadd.s32 s4;
	_ =	sdelay $0x1  }
0xa1: {  	s23 =	simm.s32 $0x1B8B  }
0xa2: {  	_ =	swait.ge [sflag:s23], $0x1  }
0xa3: {  	[sflag:s23] =	ssyncset.done $0x0  }
0xa4: {  	s25 =	simm.s32 $0x1B8E;
	s24 =	sld [smem:$0x3FFE];
	[sflag:s23] =	ssyncadd.s32 $0xFFFFFFFF  }
0xa5: {  	s26 =	simm.s32 $execute0_lowered;
	[smem:$0x3FD2] =	sst s25  }
0xa6: {  	s5 =	sshll.u32 s26, $0x1;
	_ =	strace $0x80000046;
	[dreg:$0x1] =	wrdreg $0xFFFFFFFF  }
0xa7: {  	s28 =	simm.s32 $_size_execute0_lowered;
	s3 =	sadd.s32 s3, s5;
	[dreg:$0x0] =	wrdreg $0x0  }
0xa8: {  	s5 =	sshll.u32 s28, $0x1;
	[dreg:$0x2] =	wrdreg s3  }
0xa9: {  	[dreg:$0x3] =	wrdreg s5  }
0xaa: {  	[dreg:$0x4] =	wrdreg $0xC0  }
0xab: {  	_ =	task [dreg:s7], $0x5FFFF  }
0xac: {  	[dreg:$0x1] =	wrdreg $0xFFFFFFFF  }
0xad: {  	[dreg:$0x0] =	wrdreg $0x60  }
0xae: {  	[dreg:$0x2] =	wrdreg s24  }
0xaf: {  	[dreg:$0x3] =	wrdreg s2  }
0xb0: {  	[dreg:$0x4] =	wrdreg $0x9  }
0xb1: {  	_ =	task.clear_ibuf [dreg:s7], $0x5FFFF;
	_ =	strace $0x90000046  }
0xb2: {  	s29 =	simm.s32 $0x9;
	_ =	strace $0x80000048  }
0xb3: {  	_ =	swait.ge [sflag:s29], $0x1  }
0xb4: {  	[sflag:s29] =	ssyncadd.s32 $0xFFFFFFFF  }
0xb5: {  	_ =	strace $0x90000048  }
0xb6: {  	_ =	sfence  }
0xb7: {  	s30 =	sld [smem:$0x0];
	_ =	sdelay $0x2  }
0xb8: {  	s31 =	sshll.u32 s1, $0xD;
	s1 =	sshrl.u32 s1, $0x2  }
0xb9: {  	s3 =	sand.u32 $0x4000, s31;
	s1 =	sadd.s32 s1, s30  }
0xba: {  	s0 =	sor.u32 s3, s0;
	s1 =	sshll.u32 s1, $0x11  }
0xbb: {  	s0 =	sor.u32 s1, s0  }
0xbc: {  	s0 =	sadd.s32 $0x8F2B, s0  }
0xbd: {  	[sflag:s0] =	ssyncadd.remote.s32 $0x1  }
0xbe: {  	_ =	sfence.sel $0xFFFF  }
0xbf: {  	[dreg:$0x0] =	wrdreg $0xFFFFFFFF;
	(pc) =	sbr.abs _section_cstart, $3  }
0xc0: {  	[dreg:$0x1] =	wrdreg $0xFFFFFFFF  }
0xc1: {  	_ =	task.clear_ibuf [dreg:s7], $0x2FFFF;
	_ =	strace $0x9FFFFFFF  }
0xc2: {  	(tm) =	ssettm $0x7FFFFFFF  }
0xc3: {  	_ =	shalt  }
tec
execute0_lowered:
.L_overlay_start_1:
0x0: {  	(tag) =	ssettag $0x1  }
0x1: {  	s0 =	srdreg.scid  }
0x2: {  	s2 =	stileid.u32;
	s6 =	rddreg [dreg:$0x0]  }
0x3: {  	s3 =	simm.s32 $0x0;
	s10 =	simm.s32 $0x1200;
	s11 =	simm.s32 $0x90  }
0x4: {  	s13 =	simm.s32 $0x4800;
	s14 =	simm.s32 $0x6C00;
	s15 =	simm.s32 $0x1290  }
0x5: {  	s16 =	simm.s32 $0x9000;
	s17 =	simm.s32 $0xB400;
	s18 =	simm.s32 $0xD800  }
0x6: {  	s19 =	simm.s32 $0xFC00;
	s20 =	simm.s32 $0x12000;
	s21 =	simm.s32 $0x1  }
0x7: {  	s0 =	sand.u32 $0x1, s0;
	s1 =	sshll.u32 s2, $0x1;
	s5 =	sshrl.u32 s2, $0x3  }
0x8: {  	s22 =	simm.s32 $0x14400;
	s1 =	sor.u32 s0, s1;
	s2 =	sshll.u32 s5, $0x4  }
0x9: {  	s23 =	simm.s32 $0x2;
	s4 =	smul.u32 $0x3000, s5;
	s1 =	ssub.s32 s1, s2  }
0xa: {  	s24 =	simm.s32 $0x15000;
	s25 =	simm.s32 $0x3;
	s1 =	smul.u32 $0x180, s1  }
0xb: {  	s26 =	simm.s32 $0x4;
	s28 =	simm.s32 $0x0;
	[smem:$0x7FF] =	sst s3  }
0xc: {  	s0 =	ssub.s32 $0x2, s0;
	s5 =	smul.u32 $0x1800, s5;
	s7 =	sadd.s32 s4, s1  }
0xd: {  	s8 =	sadd.s32 $0x2000, s6;
	s29 =	sshrl.u32 s0, $0x1;
	s7 =	smul.u32 $0xC, s7  }
0xe: {  	s2 =	rddreg [dreg:$0x1];
	_ =	strace $0x80000047;
	s0 =	ssub.s32 s0, s29  }
0xf: {  	s4 =	sadd.s32 $0xB000, s6;
	s9 =	sadd.s32 $0x12000, s7;
	s30 =	sshrl.u32 s7, $0x3  }
0x10: {  	s5 =	sadd.s32 s5, s1;
	s6 =	sadd.s32 s8, s30;
	s31 =	sshrl.u32 s9, $0x3  }
0x11: {  	s9 =	simm.s32 $0x5;
	s7 =	sadd.s32 s8, s31;
	s8 =	smax.u32 s0, $0x1  }
.LBB2_1:
0x12: {  	[tilespmem:s3], [sflag:$0x5] =	stream.linear.gather [hbm4b:s6+s3], $0x1200, $0x38;
	[tilespmem:$0x15C00] =	vst v63  }
0x13: {  	_ =	swait.ge [sflag:s9], $0x1200  }
0x14: {  	[sflag:s9] =	ssyncset.done $0x0  }
0x15: {  	[sflag:s9] =	ssyncadd.s32 $0xFFFFEE00  }
0x16: {  	[tilespmem:s10], [sflag:$0x5] =	stream.linear.gather [hbm4b:s7+s3], $0x1200, $0x38;
	[tilespmem:$0x15C00] =	vst v63  }
0x17: {  	_ =	swait.ge [sflag:s9], $0x1200  }
0x18: {  	[sflag:s9] =	ssyncset.done $0x0  }
0x19: {  	s0 =	simm.s32 $0x0;
	s1 =	simm.s32 $0x40;
	[sflag:s9] =	ssyncadd.s32 $0xFFFFEE00  }
.LBB2_2:
0x1a: {  	p0 =	sne.s32 s1, $0x8FC0;
	v0 =	vld [tilespmem:s0+$0x0];
	_ =	sdelay $0x3  }
.Ltmp0:
0x1b: {  	(pc) =	sbr.rel @p0 .LBB2_2-.Ltmp0, $4  }
0x1c: {  	v1 =	vand.u32 $0xFFF, v0;
	v2 =	vshrl.u32 v0, $0xC;
	v0 =	vand.u32 $0xFFFFEFFF, v0  }
0x1d: {  	v2 =	vand.u32 $0x1, v2;
	v0 =	vadd.s32 v1, v0  }
0x1e: {  	v0 =	vadd.s32 v2, v0  }
0x1f: {  	[tilespmem:s0+$0x0] =	vst v0;
	s0 =	sshra.s32 s1, $0x2;
	s1 =	sadd.s32 $0x40, s1  }
0x20: {  	v0 =	vld [tilespmem:s0+$0x0];
	_ =	sdelay $0x4  }
0x21: {  	v1 =	vand.u32 $0xFFF, v0;
	v2 =	vshrl.u32 v0, $0xC;
	v0 =	vand.u32 $0xFFFFEFFF, v0  }
0x22: {  	v2 =	vand.u32 $0x1, v2;
	v0 =	vadd.s32 v1, v0  }
0x23: {  	v0 =	vadd.s32 v2, v0  }
0x24: {  	s29 =	simm.s32 $0x0;
	s31 =	simm.s32 $0x2400;
	[tilespmem:s0+$0x0] =	vst v0  }
0x25: {  	[tilespmem:s31], [sflag:$0x1] =	stream.indirect.gather [hbm4b:s4+s11], $0x40, s29, s11, $0xb8;
	[tilespmem:$0x15C00] =	vst v63  }
0x26: {  	_ = 	snop  }
0x27: {  	[tilespmem:s13], [sflag:$0x1] =	stream.indirect.gather [hbm4b:s4+s11], $0x40, s11, s11, $0xb8;
	[tilespmem:$0x15C00] =	vst v63  }
0x28: {  	_ = 	snop  }
0x29: {  	[tilespmem:s14], [sflag:$0x1] =	stream.indirect.gather [hbm4b:s4+s11], $0x40, s10, s11, $0xb8;
	[tilespmem:$0x15C00] =	vst v63  }
0x2a: {  	_ = 	snop  }
0x2b: {  	[tilespmem:s16], [sflag:$0x1] =	stream.indirect.gather [hbm4b:s4+s11], $0x40, s15, s11, $0xb8;
	[tilespmem:$0x15C00] =	vst v63  }
.LBB2_4:
0x2c: {  	s30 =	sshllo.u32 s29, $0x1  }
0x2d: {  	s0 =	smul.u32 $0x480, s30;
	_ =	sdelay $0x1  }
0x2e: {  	s0 =	sshra.s32 s0, $0x2  }
0x2f: {  	[tilespmem:s17], [sflag:$0x2] =	stream.indirect.gather [hbm4b:s4+s11], $0x40, s0, s11, $0xb8;
	[tilespmem:$0x15C00] =	vst v63  }
0x30: {  	s1 =	sadd.s32 $0x90, s0  }
0x31: {  	[tilespmem:s18], [sflag:$0x2] =	stream.indirect.gather [hbm4b:s4+s11], $0x40, s1, s11, $0xb8;
	[tilespmem:$0x15C00] =	vst v63  }
0x32: {  	s12 =	sadd.s32 $0x1200, s0  }
0x33: {  	[tilespmem:s19], [sflag:$0x2] =	stream.indirect.gather [hbm4b:s4+s11], $0x40, s12, s11, $0xb8;
	[tilespmem:$0x15C00] =	vst v63  }
0x34: {  	s0 =	sadd.s32 $0x1290, s0  }
0x35: {  	[tilespmem:s20], [sflag:$0x2] =	stream.indirect.gather [hbm4b:s4+s11], $0x40, s0, s11, $0xb8;
	[tilespmem:$0x15C00] =	vst v63  }
0x36: {  	_ =	swait.ge [sflag:s21], $0x2400  }
0x37: {  	[sflag:s21] =	ssyncset.done $0x0  }
0x38: {  	[sflag:s21] =	ssyncadd.s32 $0xFFFFDC00  }
0x39: {  	_ =	swait.ge [sflag:s21], $0x2400  }
0x3a: {  	[sflag:s21] =	ssyncset.done $0x0  }
0x3b: {  	[sflag:s21] =	ssyncadd.s32 $0xFFFFDC00  }
0x3c: {  	_ =	swait.ge [sflag:s21], $0x2400  }
0x3d: {  	[sflag:s21] =	ssyncset.done $0x0  }
0x3e: {  	[sflag:s21] =	ssyncadd.s32 $0xFFFFDC00  }
0x3f: {  	_ =	swait.ge [sflag:s21], $0x2400  }
0x40: {  	p0 =	seq.s32 s29, $0x0;
	[sflag:s21] =	ssyncset.done $0x0  }
0x41: {  	s0 =	simm.s32 @!p0 $0x3;
	[sflag:s21] =	ssyncadd.s32 $0xFFFFDC00  }
0x42: {  	_ =	swait.ge @!p0 [sflag:s0], $0xC00  }
0x43: {  	[sflag:s0] =	ssyncset.done @!p0 $0x0  }
0x44: {  	s31 =	simm.s32 $0x14440;
	s1 =	simm.s32 $0x0;
	[sflag:s0] =	ssyncadd.s32 @!p0 $0xFFFFF400  }
.LBB2_5:
0x45: {  	s0 =	sshra.s32 s1, $0x2  }
0x46: {  	v0 =	vld [tilespmem:s0+$0x2400]  }
0x47: {  	v1 =	vld [tilespmem:s0+$0x2440]  }
0x48: {  	v2 =	vld [tilespmem:s0+$0x2480]  }
0x49: {  	v3 =	vld [tilespmem:s0+$0x24C0]  }
0x4a: {  	v4 =	vld [tilespmem:s0+$0x2500]  }
0x4b: {  	v5 =	vld [tilespmem:s0+$0x2540]  }
0x4c: {  	v6 =	vld [tilespmem:s0+$0x2580]  }
0x4d: {  	v7 =	vld [tilespmem:s0+$0x25C0]  }
0x4e: {  	v8 =	vld [tilespmem:s0+$0x2600]  }
0x4f: {  	v9 =	vld [tilespmem:s0+$0x2640]  }
0x50: {  	v10 =	vld [tilespmem:s0+$0x2680]  }
0x51: {  	v11 =	vld [tilespmem:s0+$0x26C0];
	_ =	sdelay $0x2  }
0x52: {  	v0 =	vadd.f32 v1, v0;
	v35 =	vadd.f32 v3, v2  }
0x53: {  	v36 =	vadd.f32 v5, v4;
	v37 =	vadd.f32 v7, v6  }
0x54: {  	v38 =	vadd.f32 v9, v8;
	v39 =	vadd.f32 v11, v10  }
0x55: {  	v0 =	vadd.f32 v35, v0;
	v40 =	vadd.f32 v37, v36;
	_ =	sdelay $0x1  }
0x56: {  	v41 =	vadd.f32 v39, v38;
	v0 =	vadd.f32 v40, v0;
	_ =	sdelay $0x1  }
0x57: {  	v0 =	vadd.f32 v41, v0;
	_ =	sdelay $0x1  }
0x58: {  	[tilespmem:s31+$0xFFFFFFC0] =	vst v0  }
0x59: {  	v0 =	vld [tilespmem:s0+$0x2410]  }
0x5a: {  	v42 =	vld [tilespmem:s0+$0x2450]  }
0x5b: {  	v43 =	vld [tilespmem:s0+$0x2490]  }
0x5c: {  	v44 =	vld [tilespmem:s0+$0x24D0]  }
0x5d: {  	v45 =	vld [tilespmem:s0+$0x2510]  }
0x5e: {  	v46 =	vld [tilespmem:s0+$0x2550]  }
0x5f: {  	v47 =	vld [tilespmem:s0+$0x2590]  }
0x60: {  	v48 =	vld [tilespmem:s0+$0x25D0]  }
0x61: {  	v49 =	vld [tilespmem:s0+$0x2610]  }
0x62: {  	v50 =	vld [tilespmem:s0+$0x2650]  }
0x63: {  	v51 =	vld [tilespmem:s0+$0x2690]  }
0x64: {  	v52 =	vld [tilespmem:s0+$0x26D0];
	_ =	sdelay $0x2  }
0x65: {  	v0 =	vadd.f32 v42, v0;
	v53 =	vadd.f32 v44, v43  }
0x66: {  	v54 =	vadd.f32 v46, v45;
	v55 =	vadd.f32 v48, v47  }
0x67: {  	v56 =	vadd.f32 v50, v49;
	v57 =	vadd.f32 v52, v51  }
0x68: {  	v0 =	vadd.f32 v53, v0;
	v58 =	vadd.f32 v55, v54;
	_ =	sdelay $0x1  }
0x69: {  	v59 =	vadd.f32 v57, v56;
	v0 =	vadd.f32 v58, v0;
	_ =	sdelay $0x1  }
0x6a: {  	v0 =	vadd.f32 v59, v0;
	_ =	sdelay $0x1  }
0x6b: {  	[tilespmem:s31+$0xFFFFFFD0] =	vst v0  }
0x6c: {  	v0 =	vld [tilespmem:s0+$0x2420]  }
0x6d: {  	v60 =	vld [tilespmem:s0+$0x2460]  }
0x6e: {  	v61 =	vld [tilespmem:s0+$0x24A0]  }
0x6f: {  	v62 =	vld [tilespmem:s0+$0x24E0]  }
0x70: {  	v63 =	vld [tilespmem:s0+$0x2520]  }
0x71: {  	v12 =	vld [tilespmem:s0+$0x2560]  }
0x72: {  	v13 =	vld [tilespmem:s0+$0x25A0]  }
0x73: {  	v14 =	vld [tilespmem:s0+$0x25E0]  }
0x74: {  	v15 =	vld [tilespmem:s0+$0x2620]  }
0x75: {  	v16 =	vld [tilespmem:s0+$0x2660]  }
0x76: {  	v17 =	vld [tilespmem:s0+$0x26A0]  }
0x77: {  	v18 =	vld [tilespmem:s0+$0x26E0];
	_ =	sdelay $0x2  }
0x78: {  	v0 =	vadd.f32 v60, v0;
	v19 =	vadd.f32 v62, v61  }
0x79: {  	v20 =	vadd.f32 v12, v63;
	v21 =	vadd.f32 v14, v13  }
0x7a: {  	v22 =	vadd.f32 v16, v15;
	v23 =	vadd.f32 v18, v17  }
0x7b: {  	v0 =	vadd.f32 v19, v0;
	v24 =	vadd.f32 v21, v20;
	_ =	sdelay $0x1  }
0x7c: {  	v25 =	vadd.f32 v23, v22;
	v0 =	vadd.f32 v24, v0;
	_ =	sdelay $0x1  }
0x7d: {  	v0 =	vadd.f32 v25, v0;
	_ =	sdelay $0x1  }
0x7e: {  	[tilespmem:s31+$0xFFFFFFE0] =	vst v0  }
0x7f: {  	v0 =	vld [tilespmem:s0+$0x2430]  }
0x80: {  	v26 =	vld [tilespmem:s0+$0x2470]  }
0x81: {  	v27 =	vld [tilespmem:s0+$0x24B0]  }
0x82: {  	v28 =	vld [tilespmem:s0+$0x24F0]  }
0x83: {  	v29 =	vld [tilespmem:s0+$0x2530]  }
0x84: {  	v30 =	vld [tilespmem:s0+$0x2570]  }
0x85: {  	v31 =	vld [tilespmem:s0+$0x25B0]  }
0x86: {  	v32 =	vld [tilespmem:s0+$0x25F0]  }
0x87: {  	v33 =	vld [tilespmem:s0+$0x2630]  }
0x88: {  	v34 =	vld [tilespmem:s0+$0x2670]  }
0x89: {  	v35 =	vld [tilespmem:s0+$0x26B0]  }
0x8a: {  	v36 =	vld [tilespmem:s0+$0x26F0];
	_ =	sdelay $0x2  }
0x8b: {  	v0 =	vadd.f32 v26, v0;
	v37 =	vadd.f32 v28, v27  }
0x8c: {  	v38 =	vadd.f32 v30, v29;
	v39 =	vadd.f32 v32, v31  }
0x8d: {  	v40 =	vadd.f32 v34, v33;
	v41 =	vadd.f32 v36, v35  }
0x8e: {  	v0 =	vadd.f32 v37, v0;
	v42 =	vadd.f32 v39, v38;
	_ =	sdelay $0x1  }
0x8f: {  	v43 =	vadd.f32 v41, v40;
	v0 =	vadd.f32 v42, v0;
	_ =	sdelay $0x1  }
0x90: {  	v0 =	vadd.f32 v43, v0;
	_ =	sdelay $0x1  }
0x91: {  	[tilespmem:s31+$0xFFFFFFF0] =	vst v0  }
0x92: {  	v0 =	vld [tilespmem:s0+$0x6C00]  }
0x93: {  	v44 =	vld [tilespmem:s0+$0x6C40]  }
0x94: {  	v45 =	vld [tilespmem:s0+$0x6C80]  }
0x95: {  	v46 =	vld [tilespmem:s0+$0x6CC0]  }
0x96: {  	v47 =	vld [tilespmem:s0+$0x6D00]  }
0x97: {  	v48 =	vld [tilespmem:s0+$0x6D40]  }
0x98: {  	v49 =	vld [tilespmem:s0+$0x6D80]  }
0x99: {  	v50 =	vld [tilespmem:s0+$0x6DC0]  }
0x9a: {  	v51 =	vld [tilespmem:s0+$0x6E00]  }
0x9b: {  	v52 =	vld [tilespmem:s0+$0x6E40]  }
0x9c: {  	v53 =	vld [tilespmem:s0+$0x6E80]  }
0x9d: {  	v54 =	vld [tilespmem:s0+$0x6EC0];
	_ =	sdelay $0x2  }
0x9e: {  	v0 =	vadd.f32 v44, v0;
	v55 =	vadd.f32 v46, v45  }
0x9f: {  	v56 =	vadd.f32 v48, v47;
	v57 =	vadd.f32 v50, v49  }
0xa0: {  	v58 =	vadd.f32 v52, v51;
	v59 =	vadd.f32 v54, v53  }
0xa1: {  	v0 =	vadd.f32 v55, v0;
	v60 =	vadd.f32 v57, v56;
	_ =	sdelay $0x1  }
0xa2: {  	v61 =	vadd.f32 v59, v58;
	v0 =	vadd.f32 v60, v0;
	_ =	sdelay $0x1  }
0xa3: {  	v0 =	vadd.f32 v61, v0;
	_ =	sdelay $0x1  }
0xa4: {  	[tilespmem:s31+$0x0] =	vst v0  }
0xa5: {  	v0 =	vld [tilespmem:s0+$0x6C10]  }
0xa6: {  	v62 =	vld [tilespmem:s0+$0x6C50]  }
0xa7: {  	v63 =	vld [tilespmem:s0+$0x6C90]  }
0xa8: {  	v12 =	vld [tilespmem:s0+$0x6CD0]  }
0xa9: {  	v13 =	vld [tilespmem:s0+$0x6D10]  }
0xaa: {  	v14 =	vld [tilespmem:s0+$0x6D50]  }
0xab: {  	v15 =	vld [tilespmem:s0+$0x6D90]  }
0xac: {  	v16 =	vld [tilespmem:s0+$0x6DD0]  }
0xad: {  	v17 =	vld [tilespmem:s0+$0x6E10]  }
0xae: {  	v18 =	vld [tilespmem:s0+$0x6E50]  }
0xaf: {  	v19 =	vld [tilespmem:s0+$0x6E90]  }
0xb0: {  	v20 =	vld [tilespmem:s0+$0x6ED0];
	_ =	sdelay $0x2  }
0xb1: {  	v0 =	vadd.f32 v62, v0;
	v21 =	vadd.f32 v12, v63  }
0xb2: {  	v22 =	vadd.f32 v14, v13;
	v23 =	vadd.f32 v16, v15  }
0xb3: {  	v24 =	vadd.f32 v18, v17;
	v25 =	vadd.f32 v20, v19  }
0xb4: {  	v0 =	vadd.f32 v21, v0;
	v26 =	vadd.f32 v23, v22;
	_ =	sdelay $0x1  }
0xb5: {  	v27 =	vadd.f32 v25, v24;
	v0 =	vadd.f32 v26, v0;
	_ =	sdelay $0x1  }
0xb6: {  	v0 =	vadd.f32 v27, v0;
	_ =	sdelay $0x1  }
0xb7: {  	[tilespmem:s31+$0x10] =	vst v0  }
0xb8: {  	v0 =	vld [tilespmem:s0+$0x6C20]  }
0xb9: {  	v28 =	vld [tilespmem:s0+$0x6C60]  }
0xba: {  	v29 =	vld [tilespmem:s0+$0x6CA0]  }
0xbb: {  	v30 =	vld [tilespmem:s0+$0x6CE0]  }
0xbc: {  	v31 =	vld [tilespmem:s0+$0x6D20]  }
0xbd: {  	v32 =	vld [tilespmem:s0+$0x6D60]  }
0xbe: {  	v33 =	vld [tilespmem:s0+$0x6DA0]  }
0xbf: {  	v34 =	vld [tilespmem:s0+$0x6DE0]  }
0xc0: {  	v35 =	vld [tilespmem:s0+$0x6E20]  }
0xc1: {  	v36 =	vld [tilespmem:s0+$0x6E60]  }
0xc2: {  	v37 =	vld [tilespmem:s0+$0x6EA0]  }
0xc3: {  	v38 =	vld [tilespmem:s0+$0x6EE0];
	_ =	sdelay $0x2  }
0xc4: {  	v0 =	vadd.f32 v28, v0;
	v39 =	vadd.f32 v30, v29  }
0xc5: {  	v40 =	vadd.f32 v32, v31;
	v41 =	vadd.f32 v34, v33  }
0xc6: {  	v42 =	vadd.f32 v36, v35;
	v43 =	vadd.f32 v38, v37  }
0xc7: {  	v0 =	vadd.f32 v39, v0;
	v44 =	vadd.f32 v41, v40;
	_ =	sdelay $0x1  }
0xc8: {  	v45 =	vadd.f32 v43, v42;
	v0 =	vadd.f32 v44, v0;
	_ =	sdelay $0x1  }
0xc9: {  	v0 =	vadd.f32 v45, v0;
	_ =	sdelay $0x1  }
0xca: {  	[tilespmem:s31+$0x20] =	vst v0  }
0xcb: {  	v0 =	vld [tilespmem:s0+$0x6C30]  }
0xcc: {  	v46 =	vld [tilespmem:s0+$0x6C70]  }
0xcd: {  	v47 =	vld [tilespmem:s0+$0x6CB0]  }
0xce: {  	v48 =	vld [tilespmem:s0+$0x6CF0]  }
0xcf: {  	v49 =	vld [tilespmem:s0+$0x6D30]  }
0xd0: {  	v50 =	vld [tilespmem:s0+$0x6D70]  }
0xd1: {  	v51 =	vld [tilespmem:s0+$0x6DB0]  }
0xd2: {  	v52 =	vld [tilespmem:s0+$0x6DF0]  }
0xd3: {  	v53 =	vld [tilespmem:s0+$0x6E30]  }
0xd4: {  	v54 =	vld [tilespmem:s0+$0x6E70]  }
0xd5: {  	v55 =	vld [tilespmem:s0+$0x6EB0]  }
0xd6: {  	v56 =	vld [tilespmem:s0+$0x6EF0];
	_ =	sdelay $0x2  }
0xd7: {  	v0 =	vadd.f32 v46, v0;
	v57 =	vadd.f32 v48, v47  }
0xd8: {  	v58 =	vadd.f32 v50, v49;
	v59 =	vadd.f32 v52, v51  }
0xd9: {  	v60 =	vadd.f32 v54, v53;
	v61 =	vadd.f32 v56, v55  }
0xda: {  	v0 =	vadd.f32 v57, v0;
	v62 =	vadd.f32 v59, v58  }
0xdb: {  	p1 =	sne.s32 s1, $0x11400  }
.Ltmp1:
0xdc: {  	v63 =	vadd.f32 v61, v60;
	v0 =	vadd.f32 v62, v0;
	(pc) =	sbr.rel @p1 .LBB2_5-.Ltmp1, $3  }
0xdd: {  	_ = 	snop  }
0xde: {  	v0 =	vadd.f32 v63, v0;
	_ =	sdelay $0x1  }
0xdf: {  	s1 =	sadd.s32 $0xC00, s1;
	[tilespmem:s31+$0x30] =	vst v0;
	s31 =	sadd.s32 $0x80, s31  }
0xe0: {  	s0 =	smul.u32 $0x30, s29;
	_ =	sdelay $0x1  }
0xe1: {  	s0 =	sadd.s32 s5, s0  }
0xe2: {  	p1 =	seq.s32 s29, $0x7;
	s0 =	sshll.u32 s0, $0x4  }
0xe3: {  	s1 =	smul.u32 @!p1 $0x900, s29;
	s0 =	sadd.s32 s2, s0  }
0xe4: {  	[hbm4b:s0+s3] =	stream.linear.scatter [tilespmem:s22], [sflag:$0x3], $0xC00, $0x38;
	[tilespmem:$0x15C00] =	vst v63  }
0xe5: {  	s0 =	sshra.s32 @!p1 s1, $0x2  }
0xe6: {  	s31 =	simm.s32 @!p1 $0x90;
	s12 =	simm.s32 @!p1 $0x2400;
	s1 =	sadd.s32 @!p1 $0x240, s0  }
0xe7: {  	[tilespmem:s12], [sflag:$0x1] =	stream.indirect.gather @!p1 [hbm4b:s4+s31], $0x40, s1, s31, $0xb8;
	[tilespmem:$0x15C00] =	vst v63  }
0xe8: {  	s1 =	sadd.s32 @!p1 $0x2D0, s0;
	s12 =	simm.s32 @!p1 $0x4800  }
0xe9: {  	[tilespmem:s12], [sflag:$0x1] =	stream.indirect.gather @!p1 [hbm4b:s4+s31], $0x40, s1, s31, $0xb8;
	[tilespmem:$0x15C00] =	vst v63  }
0xea: {  	s1 =	sadd.s32 @!p1 $0x1440, s0;
	s12 =	simm.s32 @!p1 $0x6C00  }
0xeb: {  	[tilespmem:s12], [sflag:$0x1] =	stream.indirect.gather @!p1 [hbm4b:s4+s31], $0x40, s1, s31, $0xb8;
	[tilespmem:$0x15C00] =	vst v63  }
0xec: {  	s0 =	sadd.s32 @!p1 $0x14D0, s0;
	s1 =	simm.s32 @!p1 $0x9000  }
0xed: {  	[tilespmem:s1], [sflag:$0x1] =	stream.indirect.gather @!p1 [hbm4b:s4+s31], $0x40, s0, s31, $0xb8;
	[tilespmem:$0x15C00] =	vst v63  }
0xee: {  	_ =	swait.ge [sflag:s23], $0x2400  }
0xef: {  	[sflag:s23] =	ssyncset.done $0x0  }
0xf0: {  	[sflag:s23] =	ssyncadd.s32 $0xFFFFDC00  }
0xf1: {  	_ =	swait.ge [sflag:s23], $0x2400  }
0xf2: {  	[sflag:s23] =	ssyncset.done $0x0  }
0xf3: {  	[sflag:s23] =	ssyncadd.s32 $0xFFFFDC00  }
0xf4: {  	_ =	swait.ge [sflag:s23], $0x2400  }
0xf5: {  	[sflag:s23] =	ssyncset.done $0x0  }
0xf6: {  	[sflag:s23] =	ssyncadd.s32 $0xFFFFDC00  }
0xf7: {  	_ =	swait.ge [sflag:s23], $0x2400  }
0xf8: {  	[sflag:s23] =	ssyncset.done $0x0  }
0xf9: {  	s0 =	simm.s32 @!p0 $0x4;
	[sflag:s23] =	ssyncadd.s32 $0xFFFFDC00  }
0xfa: {  	_ =	swait.ge @!p0 [sflag:s0], $0xC00  }
0xfb: {  	[sflag:s0] =	ssyncset.done @!p0 $0x0  }
0xfc: {  	s31 =	simm.s32 $0x0;
	s1 =	simm.s32 $0x15040;
	[sflag:s0] =	ssyncadd.s32 @!p0 $0xFFFFF400  }
.LBB2_7:
0xfd: {  	s0 =	sshra.s32 s31, $0x2  }
0xfe: {  	v0 =	vld [tilespmem:s0+$0xB400]  }
0xff: {  	v1 =	vld [tilespmem:s0+$0xB440]  }
0x100: {  	v2 =	vld [tilespmem:s0+$0xB480]  }
0x101: {  	v3 =	vld [tilespmem:s0+$0xB4C0]  }
0x102: {  	v4 =	vld [tilespmem:s0+$0xB500]  }
0x103: {  	v5 =	vld [tilespmem:s0+$0xB540]  }
0x104: {  	v6 =	vld [tilespmem:s0+$0xB580]  }
0x105: {  	v7 =	vld [tilespmem:s0+$0xB5C0]  }
0x106: {  	v8 =	vld [tilespmem:s0+$0xB600]  }
0x107: {  	v9 =	vld [tilespmem:s0+$0xB640]  }
0x108: {  	v10 =	vld [tilespmem:s0+$0xB680]  }
0x109: {  	v11 =	vld [tilespmem:s0+$0xB6C0];
	_ =	sdelay $0x2  }
0x10a: {  	v0 =	vadd.f32 v1, v0;
	v35 =	vadd.f32 v3, v2  }
0x10b: {  	v36 =	vadd.f32 v5, v4;
	v37 =	vadd.f32 v7, v6  }
0x10c: {  	v38 =	vadd.f32 v9, v8;
	v39 =	vadd.f32 v11, v10  }
0x10d: {  	v0 =	vadd.f32 v35, v0;
	v40 =	vadd.f32 v37, v36;
	_ =	sdelay $0x1  }
0x10e: {  	v41 =	vadd.f32 v39, v38;
	v0 =	vadd.f32 v40, v0;
	_ =	sdelay $0x1  }
0x10f: {  	v0 =	vadd.f32 v41, v0;
	_ =	sdelay $0x1  }
0x110: {  	[tilespmem:s1+$0xFFFFFFC0] =	vst v0  }
0x111: {  	v0 =	vld [tilespmem:s0+$0xB410]  }
0x112: {  	v42 =	vld [tilespmem:s0+$0xB450]  }
0x113: {  	v43 =	vld [tilespmem:s0+$0xB490]  }
0x114: {  	v44 =	vld [tilespmem:s0+$0xB4D0]  }
0x115: {  	v45 =	vld [tilespmem:s0+$0xB510]  }
0x116: {  	v46 =	vld [tilespmem:s0+$0xB550]  }
0x117: {  	v47 =	vld [tilespmem:s0+$0xB590]  }
0x118: {  	v48 =	vld [tilespmem:s0+$0xB5D0]  }
0x119: {  	v49 =	vld [tilespmem:s0+$0xB610]  }
0x11a: {  	v50 =	vld [tilespmem:s0+$0xB650]  }
0x11b: {  	v51 =	vld [tilespmem:s0+$0xB690]  }
0x11c: {  	v52 =	vld [tilespmem:s0+$0xB6D0];
	_ =	sdelay $0x2  }
0x11d: {  	v0 =	vadd.f32 v42, v0;
	v53 =	vadd.f32 v44, v43  }
0x11e: {  	v54 =	vadd.f32 v46, v45;
	v55 =	vadd.f32 v48, v47  }
0x11f: {  	v56 =	vadd.f32 v50, v49;
	v57 =	vadd.f32 v52, v51  }
0x120: {  	v0 =	vadd.f32 v53, v0;
	v58 =	vadd.f32 v55, v54;
	_ =	sdelay $0x1  }
0x121: {  	v59 =	vadd.f32 v57, v56;
	v0 =	vadd.f32 v58, v0;
	_ =	sdelay $0x1  }
0x122: {  	v0 =	vadd.f32 v59, v0;
	_ =	sdelay $0x1  }
0x123: {  	[tilespmem:s1+$0xFFFFFFD0] =	vst v0  }
0x124: {  	v0 =	vld [tilespmem:s0+$0xB420]  }
0x125: {  	v60 =	vld [tilespmem:s0+$0xB460]  }
0x126: {  	v61 =	vld [tilespmem:s0+$0xB4A0]  }
0x127: {  	v62 =	vld [tilespmem:s0+$0xB4E0]  }
0x128: {  	v63 =	vld [tilespmem:s0+$0xB520]  }
0x129: {  	v12 =	vld [tilespmem:s0+$0xB560]  }
0x12a: {  	v13 =	vld [tilespmem:s0+$0xB5A0]  }
0x12b: {  	v14 =	vld [tilespmem:s0+$0xB5E0]  }
0x12c: {  	v15 =	vld [tilespmem:s0+$0xB620]  }
0x12d: {  	v16 =	vld [tilespmem:s0+$0xB660]  }
0x12e: {  	v17 =	vld [tilespmem:s0+$0xB6A0]  }
0x12f: {  	v18 =	vld [tilespmem:s0+$0xB6E0];
	_ =	sdelay $0x2  }
0x130: {  	v0 =	vadd.f32 v60, v0;
	v19 =	vadd.f32 v62, v61  }
0x131: {  	v20 =	vadd.f32 v12, v63;
	v21 =	vadd.f32 v14, v13  }
0x132: {  	v22 =	vadd.f32 v16, v15;
	v23 =	vadd.f32 v18, v17  }
0x133: {  	v0 =	vadd.f32 v19, v0;
	v24 =	vadd.f32 v21, v20;
	_ =	sdelay $0x1  }
0x134: {  	v25 =	vadd.f32 v23, v22;
	v0 =	vadd.f32 v24, v0;
	_ =	sdelay $0x1  }
0x135: {  	v0 =	vadd.f32 v25, v0;
	_ =	sdelay $0x1  }
0x136: {  	[tilespmem:s1+$0xFFFFFFE0] =	vst v0  }
0x137: {  	v0 =	vld [tilespmem:s0+$0xB430]  }
0x138: {  	v26 =	vld [tilespmem:s0+$0xB470]  }
0x139: {  	v27 =	vld [tilespmem:s0+$0xB4B0]  }
0x13a: {  	v28 =	vld [tilespmem:s0+$0xB4F0]  }
0x13b: {  	v29 =	vld [tilespmem:s0+$0xB530]  }
0x13c: {  	v30 =	vld [tilespmem:s0+$0xB570]  }
0x13d: {  	v31 =	vld [tilespmem:s0+$0xB5B0]  }
0x13e: {  	v32 =	vld [tilespmem:s0+$0xB5F0]  }
0x13f: {  	v33 =	vld [tilespmem:s0+$0xB630]  }
0x140: {  	v34 =	vld [tilespmem:s0+$0xB670]  }
0x141: {  	v35 =	vld [tilespmem:s0+$0xB6B0]  }
0x142: {  	v36 =	vld [tilespmem:s0+$0xB6F0];
	_ =	sdelay $0x2  }
0x143: {  	v0 =	vadd.f32 v26, v0;
	v37 =	vadd.f32 v28, v27  }
0x144: {  	v38 =	vadd.f32 v30, v29;
	v39 =	vadd.f32 v32, v31  }
0x145: {  	v40 =	vadd.f32 v34, v33;
	v41 =	vadd.f32 v36, v35  }
0x146: {  	v0 =	vadd.f32 v37, v0;
	v42 =	vadd.f32 v39, v38;
	_ =	sdelay $0x1  }
0x147: {  	v43 =	vadd.f32 v41, v40;
	v0 =	vadd.f32 v42, v0;
	_ =	sdelay $0x1  }
0x148: {  	v0 =	vadd.f32 v43, v0;
	_ =	sdelay $0x1  }
0x149: {  	[tilespmem:s1+$0xFFFFFFF0] =	vst v0  }
0x14a: {  	v0 =	vld [tilespmem:s0+$0xFC00]  }
0x14b: {  	v44 =	vld [tilespmem:s0+$0xFC40]  }
0x14c: {  	v45 =	vld [tilespmem:s0+$0xFC80]  }
0x14d: {  	v46 =	vld [tilespmem:s0+$0xFCC0]  }
0x14e: {  	v47 =	vld [tilespmem:s0+$0xFD00]  }
0x14f: {  	v48 =	vld [tilespmem:s0+$0xFD40]  }
0x150: {  	v49 =	vld [tilespmem:s0+$0xFD80]  }
0x151: {  	v50 =	vld [tilespmem:s0+$0xFDC0]  }
0x152: {  	v51 =	vld [tilespmem:s0+$0xFE00]  }
0x153: {  	v52 =	vld [tilespmem:s0+$0xFE40]  }
0x154: {  	v53 =	vld [tilespmem:s0+$0xFE80]  }
0x155: {  	v54 =	vld [tilespmem:s0+$0xFEC0];
	_ =	sdelay $0x2  }
0x156: {  	v0 =	vadd.f32 v44, v0;
	v55 =	vadd.f32 v46, v45  }
0x157: {  	v56 =	vadd.f32 v48, v47;
	v57 =	vadd.f32 v50, v49  }
0x158: {  	v58 =	vadd.f32 v52, v51;
	v59 =	vadd.f32 v54, v53  }
0x159: {  	v0 =	vadd.f32 v55, v0;
	v60 =	vadd.f32 v57, v56;
	_ =	sdelay $0x1  }
0x15a: {  	v61 =	vadd.f32 v59, v58;
	v0 =	vadd.f32 v60, v0;
	_ =	sdelay $0x1  }
0x15b: {  	v0 =	vadd.f32 v61, v0;
	_ =	sdelay $0x1  }
0x15c: {  	[tilespmem:s1+$0x0] =	vst v0  }
0x15d: {  	v0 =	vld [tilespmem:s0+$0xFC10]  }
0x15e: {  	v62 =	vld [tilespmem:s0+$0xFC50]  }
0x15f: {  	v63 =	vld [tilespmem:s0+$0xFC90]  }
0x160: {  	v12 =	vld [tilespmem:s0+$0xFCD0]  }
0x161: {  	v13 =	vld [tilespmem:s0+$0xFD10]  }
0x162: {  	v14 =	vld [tilespmem:s0+$0xFD50]  }
0x163: {  	v15 =	vld [tilespmem:s0+$0xFD90]  }
0x164: {  	v16 =	vld [tilespmem:s0+$0xFDD0]  }
0x165: {  	v17 =	vld [tilespmem:s0+$0xFE10]  }
0x166: {  	v18 =	vld [tilespmem:s0+$0xFE50]  }
0x167: {  	v19 =	vld [tilespmem:s0+$0xFE90]  }
0x168: {  	v20 =	vld [tilespmem:s0+$0xFED0];
	_ =	sdelay $0x2  }
0x169: {  	v0 =	vadd.f32 v62, v0;
	v21 =	vadd.f32 v12, v63  }
0x16a: {  	v22 =	vadd.f32 v14, v13;
	v23 =	vadd.f32 v16, v15  }
0x16b: {  	v24 =	vadd.f32 v18, v17;
	v25 =	vadd.f32 v20, v19  }
0x16c: {  	v0 =	vadd.f32 v21, v0;
	v26 =	vadd.f32 v23, v22;
	_ =	sdelay $0x1  }
0x16d: {  	v27 =	vadd.f32 v25, v24;
	v0 =	vadd.f32 v26, v0;
	_ =	sdelay $0x1  }
0x16e: {  	v0 =	vadd.f32 v27, v0;
	_ =	sdelay $0x1  }
0x16f: {  	[tilespmem:s1+$0x10] =	vst v0  }
0x170: {  	v0 =	vld [tilespmem:s0+$0xFC20]  }
0x171: {  	v28 =	vld [tilespmem:s0+$0xFC60]  }
0x172: {  	v29 =	vld [tilespmem:s0+$0xFCA0]  }
0x173: {  	v30 =	vld [tilespmem:s0+$0xFCE0]  }
0x174: {  	v31 =	vld [tilespmem:s0+$0xFD20]  }
0x175: {  	v32 =	vld [tilespmem:s0+$0xFD60]  }
0x176: {  	v33 =	vld [tilespmem:s0+$0xFDA0]  }
0x177: {  	v34 =	vld [tilespmem:s0+$0xFDE0]  }
0x178: {  	v35 =	vld [tilespmem:s0+$0xFE20]  }
0x179: {  	v36 =	vld [tilespmem:s0+$0xFE60]  }
0x17a: {  	v37 =	vld [tilespmem:s0+$0xFEA0]  }
0x17b: {  	v38 =	vld [tilespmem:s0+$0xFEE0];
	_ =	sdelay $0x2  }
0x17c: {  	v0 =	vadd.f32 v28, v0;
	v39 =	vadd.f32 v30, v29  }
0x17d: {  	v40 =	vadd.f32 v32, v31;
	v41 =	vadd.f32 v34, v33  }
0x17e: {  	v42 =	vadd.f32 v36, v35;
	v43 =	vadd.f32 v38, v37  }
0x17f: {  	v0 =	vadd.f32 v39, v0;
	v44 =	vadd.f32 v41, v40;
	_ =	sdelay $0x1  }
0x180: {  	v45 =	vadd.f32 v43, v42;
	v0 =	vadd.f32 v44, v0;
	_ =	sdelay $0x1  }
0x181: {  	v0 =	vadd.f32 v45, v0;
	_ =	sdelay $0x1  }
0x182: {  	[tilespmem:s1+$0x20] =	vst v0  }
0x183: {  	v0 =	vld [tilespmem:s0+$0xFC30]  }
0x184: {  	v46 =	vld [tilespmem:s0+$0xFC70]  }
0x185: {  	v47 =	vld [tilespmem:s0+$0xFCB0]  }
0x186: {  	v48 =	vld [tilespmem:s0+$0xFCF0]  }
0x187: {  	v49 =	vld [tilespmem:s0+$0xFD30]  }
0x188: {  	v50 =	vld [tilespmem:s0+$0xFD70]  }
0x189: {  	v51 =	vld [tilespmem:s0+$0xFDB0]  }
0x18a: {  	v52 =	vld [tilespmem:s0+$0xFDF0]  }
0x18b: {  	v53 =	vld [tilespmem:s0+$0xFE30]  }
0x18c: {  	v54 =	vld [tilespmem:s0+$0xFE70]  }
0x18d: {  	v55 =	vld [tilespmem:s0+$0xFEB0]  }
0x18e: {  	v56 =	vld [tilespmem:s0+$0xFEF0];
	_ =	sdelay $0x2  }
0x18f: {  	v0 =	vadd.f32 v46, v0;
	v57 =	vadd.f32 v48, v47  }
0x190: {  	v58 =	vadd.f32 v50, v49;
	v59 =	vadd.f32 v52, v51  }
0x191: {  	v60 =	vadd.f32 v54, v53;
	v61 =	vadd.f32 v56, v55  }
0x192: {  	v0 =	vadd.f32 v57, v0;
	v62 =	vadd.f32 v59, v58  }
0x193: {  	p0 =	sne.s32 s31, $0x11400  }
.Ltmp2:
0x194: {  	v63 =	vadd.f32 v61, v60;
	v0 =	vadd.f32 v62, v0;
	(pc) =	sbr.rel @p0 .LBB2_7-.Ltmp2, $3  }
0x195: {  	_ = 	snop  }
0x196: {  	v0 =	vadd.f32 v63, v0;
	_ =	sdelay $0x1  }
0x197: {  	s31 =	sadd.s32 $0xC00, s31;
	[tilespmem:s1+$0x30] =	vst v0;
	s1 =	sadd.s32 $0x80, s1  }
0x198: {  	s0 =	smul.u32 $0x18, s30;
	s29 =	sadd.s32 $0x1, s29  }
0x199: {  	p0 =	sne.s32 s29, $0x8  }
.Ltmp3:
0x19a: {  	s0 =	sadd.s32 s5, s0;
	(pc) =	sbr.rel @p0 .LBB2_4-.Ltmp3, $4  }
0x19b: {  	s0 =	sshll.u32 s0, $0x4  }
0x19c: {  	s0 =	sand.u32 $0x1FFFFF80, s0  }
0x19d: {  	s0 =	sadd.s32 s2, s0  }
0x19e: {  	[hbm4b:s0+s3] =	stream.linear.scatter [tilespmem:s24], [sflag:$0x4], $0xC00, $0x38;
	[tilespmem:$0x15C00] =	vst v63  }
0x19f: {  	s28 =	sadd.s32 $0x1, s28  }
0x1a0: {  	_ =	swait.ge [sflag:s25], $0xC00;
	p0 =	sne.s32 s28, s8  }
.Ltmp4:
0x1a1: {  	[sflag:s25] =	ssyncset.done $0x0;
	(pc) =	sbr.rel @p0 .LBB2_1-.Ltmp4, $4  }
0x1a2: {  	[sflag:s25] =	ssyncadd.s32 $0xFFFFF400  }
0x1a3: {  	_ =	swait.ge [sflag:s26], $0xC00  }
0x1a4: {  	[sflag:s26] =	ssyncset.done $0x0  }
0x1a5: {  	[sflag:s26] =	ssyncadd.s32 $0xFFFFF400  }
0x1a6: {  	_ =	sfence.sel $0x180000  }
0x1a7: {  	[bflag:$0x0] =	sbarrier.arrive $0xFFFF  }
0x1a8: {  	_ =	strace $0x90000047  }
0x1a9: {  	s0 =	stileid.u32;
	[bflag:$0x2] =	sbarrier.arrive $0xFFFF  }
0x1aa: {  	p0 =	sne.s32 s0, $0x0;
	s0 =	rddreg [dreg:$0x2]  }
0x1ab: {  	s0 =	sadd.s32 @!p0 $0x100000, s0  }
0x1ac: {  	[sflag:s0] =	ssyncadd.tile.s32 @!p0 $0x1;
	_ =	shalt  }
.Lfunc_end2:
_tile_overlayer_lowered:
.L_overlay_start_2:
0x1ad: {  	(tag) =	ssettag $0x2  }
0x1ae: {  	s0 =	rddreg [dreg:$0x0];
	s2 =	stileid.u32  }
0x1af: {  	s1 =	rddreg [dreg:$0x1];
	p0 =	sne.s32 s2, $0x0  }
0x1b0: {  	s3 =	rddreg [dreg:$0x2];
	[bflag:$0x3] =	sbarrier.arrive $0xFFFF;
	s2 =	simm.s32 @!p0 $0x1C05  }
0x1b1: {  	[timem:s3], [sflag:s2] =	dma.local @!p0 [hbm:s0], s1  }
0x1b2: {  	s0 =	simm.s32 @!p0 $0x5  }
0x1b3: {  	_ =	swait.ge @!p0 [sflag:s0], s1  }
0x1b4: {  	s1 =	ssub.s32 @!p0 $0x0, s1;
	[sflag:s0] =	ssyncset.done @!p0 $0x0  }
0x1b5: {  	[sflag:s0] =	ssyncadd.s32 @!p0 s1  }
0x1b6: {  	[bflag:$0x3] =	sbarrier.arrive $0xFFFF  }
0x1b7: {  	_ =	shalt  }

</sc_bundles>
